<compile_context>
chip_gen: v7x
topology: tpu7x:2x2x1
jax: 0.10.2.dev20260603
libtpu: 0.0.44.dev20260713+nightly
codegen_flags: <defaults>
</compile_context>

<pallas_src>
import functools

import jax
import jax.numpy as jnp
from jax import lax
from jax.experimental import pallas as pl
from jax.experimental.pallas import tpu as pltpu
from jax.experimental.pallas import tpu_sc as plsc

N = 10000
NP = 10240
E = 320000
ROWS_PER_TILE = NP // 16
EPS = 1e-5

_MESH = plsc.VectorSubcoreMesh(core_axis_name="c", subcore_axis_name="s")
_SC_PARAMS = pltpu.CompilerParams(use_tc_tiling_on_sc=False)


EPT = E // 32


def _make_agg_kernel(d, kk):
    cpt = EPT // kk

    @functools.partial(
        pl.kernel,
        mesh=_MESH,
        out_type=jax.ShapeDtypeStruct((2, NP, d), jnp.float32),
        scratch_types=[
            pltpu.VMEM((EPT,), jnp.int32),
            pltpu.VMEM((EPT,), jnp.int32),
            pltpu.VMEM((kk, d), jnp.float32),
            pltpu.VMEM((kk, d), jnp.float32),
            pltpu.VMEM_SHARED((NP, d), jnp.float32),
            pltpu.SemaphoreType.DMA,
            pltpu.SemaphoreType.DMA,
            pltpu.SemaphoreType.DMA,
            pltpu.SemaphoreType.DMA,
        ],
        compiler_params=_SC_PARAMS,
    )
    def agg_kernel(h_hbm, src_hbm, dst_hbm, zeros_hbm, out_hbm, src_v, dst_v,
                   buf0, buf1, acc, sem0, sem1, ssem0, ssem1):
        cid = lax.axis_index("c")
        sid = lax.axis_index("s")
        wid = cid * 16 + sid
        bufs = (buf0, buf1)
        sems = (sem0, sem1)
        ssems = (ssem0, ssem1)

        pltpu.sync_copy(src_hbm.at[pl.ds(wid * EPT, EPT)], src_v)
        pltpu.sync_copy(dst_hbm.at[pl.ds(wid * EPT, EPT)], dst_v)
        base = sid * ROWS_PER_TILE
        pltpu.sync_copy(zeros_hbm, acc.at[pl.ds(base, ROWS_PER_TILE)])
        plsc.subcore_barrier()

        def src_at(j):
            return src_v.at[pl.ds(j * kk, kk)]

        def dst_at(j):
            return dst_v.at[pl.ds(j * kk, kk)]

        pltpu.async_copy(h_hbm.at[src_at(0)], buf0, sem0)

        @pl.loop(0, cpt, step=2)
        def _(j0):
            for u in range(2):
                j = j0 + u

                @pl.when(j >= 1)
                def _():
                    pltpu.make_async_copy(bufs[1 - u], acc.at[dst_at(j - 1)],
                                          ssems[1 - u]).wait()

                @pl.when(j + 1 < cpt)
                def _():
                    pltpu.async_copy(h_hbm.at[src_at(j + 1)], bufs[1 - u],
                                     sems[1 - u])

                pltpu.make_async_copy(h_hbm.at[src_at(j)], bufs[u],
                                      sems[u]).wait()
                pltpu.async_copy(bufs[u], acc.at[dst_at(j)], ssems[u],
                                 add=True)

        pltpu.make_async_copy(
            bufs[(cpt - 1) % 2], acc.at[dst_at(cpt - 1)],
            ssems[(cpt - 1) % 2]).wait()
        plsc.subcore_barrier()

        pltpu.sync_copy(acc.at[pl.ds(base, ROWS_PER_TILE)],
                        out_hbm.at[cid, pl.ds(base, ROWS_PER_TILE)])

    return agg_kernel


_agg64 = _make_agg_kernel(64, 200)
_agg16 = _make_agg_kernel(16, 200)



def _tc_matmul_body(x_ref, w_ref, o_ref):
    o_ref[...] = jnp.dot(x_ref[...], w_ref[...],
                         preferred_element_type=jnp.float32)


def _tc_idx_body(ei_ref, src_ref, dst_ref):
    src_ref[...] = ei_ref[0]
    dst_ref[...] = ei_ref[1]


def _tc_prep_body(h_ref, degp_ref, dinv_ref, lo_ref, hi_ref):
    deg = degp_ref[0, :N, 0:1] + degp_ref[1, :N, 0:1] + 1.0
    dinv = lax.rsqrt(deg)
    dinv_ref[...] = dinv
    hp = h_ref[...] * dinv
    lo_ref[...] = hp[:, :64]
    hi_ref[...] = hp[:, 64:]


def _bn_relu_mm_scale(y, g, be, w, dinv):
    mean = jnp.mean(y, axis=0, keepdims=True)
    var = jnp.mean((y - mean) ** 2, axis=0, keepdims=True)
    t = g * (y - mean) * lax.rsqrt(var + EPS) + be
    t = jnp.maximum(t, 0.0)
    return jnp.dot(t, w, preferred_element_type=jnp.float32) * dinv


def _tc_layer1_body(plo_ref, phi_ref, lo_ref, hi_ref, dinv_ref, b_ref, g_ref,
                    be_ref, w_ref, o_ref):
    dinv = dinv_ref[...]
    agg = jnp.concatenate(
        [plo_ref[0, :N] + plo_ref[1, :N] + lo_ref[...],
         phi_ref[0, :N] + phi_ref[1, :N] + hi_ref[...]], axis=1)
    y = agg * dinv + b_ref[...]
    o_ref[...] = _bn_relu_mm_scale(y, g_ref[...], be_ref[...], w_ref[...], dinv)


def _tc_layer2_body(p_ref, hp_ref, dinv_ref, b_ref, g_ref, be_ref, w_ref, o_ref):
    dinv = dinv_ref[...]
    y = (p_ref[0, :N] + p_ref[1, :N] + hp_ref[...]) * dinv + b_ref[...]
    o_ref[...] = _bn_relu_mm_scale(y, g_ref[...], be_ref[...], w_ref[...], dinv)


def _tc_final_body(p_ref, hp_ref, dinv_ref, b_ref, o_ref):
    o_ref[...] = ((p_ref[0, :N] + p_ref[1, :N] + hp_ref[...])
                  * dinv_ref[...] + b_ref[...])


def _tc_call(body, out_shape, *args):
    return pl.pallas_call(body, out_shape=out_shape)(*args)


def kernel(x, edge_index, W1, b1, g1, be1, W2, b2, g2, be2, W3, b3):
    f32 = jnp.float32
    src, dst = _tc_call(
        _tc_idx_body,
        (jax.ShapeDtypeStruct((E,), edge_index.dtype),
         jax.ShapeDtypeStruct((E,), edge_index.dtype)),
        edge_index)
    z64 = jnp.zeros((ROWS_PER_TILE, 64), f32)
    z16 = jnp.zeros((ROWS_PER_TILE, 16), f32)

    ones_tab = jnp.ones((N, 16), f32)
    degp = _agg16(ones_tab, src, dst, z16)
    h1r = _tc_call(_tc_matmul_body, jax.ShapeDtypeStruct((N, 128), f32), x, W1)

    dinv, h1lo, h1hi = _tc_call(
        _tc_prep_body,
        (jax.ShapeDtypeStruct((N, 1), f32),
         jax.ShapeDtypeStruct((N, 64), f32),
         jax.ShapeDtypeStruct((N, 64), f32)),
        h1r, degp)

    p1lo = _agg64(h1lo, src, dst, z64)
    p1hi = _agg64(h1hi, src, dst, z64)
    h2p = _tc_call(_tc_layer1_body, jax.ShapeDtypeStruct((N, 64), f32),
                   p1lo, p1hi, h1lo, h1hi, dinv, b1.reshape(1, 128),
                   g1.reshape(1, 128), be1.reshape(1, 128), W2)

    p2 = _agg64(h2p, src, dst, z64)
    W3p = jnp.pad(W3, ((0, 0), (0, 14)))
    h3p = _tc_call(_tc_layer2_body, jax.ShapeDtypeStruct((N, 16), f32),
                   p2, h2p, dinv, b2.reshape(1, 64), g2.reshape(1, 64),
                   be2.reshape(1, 64), W3p)

    p3 = _agg16(h3p, src, dst, z16)
    b3p = jnp.pad(b3, (0, 14)).reshape(1, 16)
    out16 = _tc_call(_tc_final_body, jax.ShapeDtypeStruct((N, 16), f32),
                     p3, h3p, dinv, b3p)
    return out16[:, :2]

# --- scband reference (transcript-rebuilt; emitter-appended) ---
"""Pipeline reference for scband-deep-gcn-52218212385223 (READ-ONLY COPY).

The authoritative reference and input builder live on the scoring server;
editing this copy changes nothing except your own understanding.
"""

import jax, jax.numpy as jnp
import numpy as np


def gcn_conv(x, edge_index, W, b):
    N = x.shape[0]
    loop = jnp.arange(N, dtype=edge_index.dtype)
    src = jnp.concatenate([edge_index[0], loop])
    dst = jnp.concatenate([edge_index[1], loop])
    deg = jnp.zeros((N,), dtype=x.dtype).at[dst].add(1.0)
    dinv = jnp.where(deg > 0, deg ** -0.5, 0.0)
    norm = dinv[src] * dinv[dst]
    h = x @ W
    msg = h[src] * norm[:, None]
    out = jnp.zeros((N, W.shape[1]), dtype=x.dtype).at[dst].add(msg)
    return out + b


def batch_norm(x, gamma, beta, eps=1e-5):
    mean = jnp.mean(x, axis=0)
    var = jnp.var(x, axis=0)
    return gamma * (x - mean) / jnp.sqrt(var + eps) + beta


def setup_inputs(seed: int = 0):
    key = jax.random.key(seed)
    ks = jax.random.split(key, 8)
    N, D, H1, H2, C = 10000, 128, 128, 64, 2
    E = 320000
    x = jax.random.normal(ks[0], (N, D), dtype=jnp.float32)
    edge_index = jax.random.randint(ks[1], (2, E), 0, N, dtype=jnp.int32)
    W1 = jax.random.normal(ks[2], (D, H1), dtype=jnp.float32) * 0.05
    b1 = jnp.zeros((H1,), dtype=jnp.float32)
    g1 = jnp.ones((H1,), dtype=jnp.float32)
    be1 = jnp.zeros((H1,), dtype=jnp.float32)
    W2 = jax.random.normal(ks[3], (H1, H2), dtype=jnp.float32) * 0.05
    b2 = jnp.zeros((H2,), dtype=jnp.float32)
    g2 = jnp.ones((H2,), dtype=jnp.float32)
    be2 = jnp.zeros((H2,), dtype=jnp.float32)
    W3 = jax.random.normal(ks[4], (H2, C), dtype=jnp.float32) * 0.05
    b3 = jnp.zeros((C,), dtype=jnp.float32)
    return {"x": x, "edge_index": edge_index, "W1": W1, "b1": b1, "g1": g1, "be1": be1, "W2": W2, "b2": b2, "g2": g2, "be2": be2, "W3": W3, "b3": b3}


def reference(x, edge_index, W1, b1, g1, be1, W2, b2, g2, be2, W3, b3):
    # eval-mode dropout (identity); BatchNorm uses batch statistics (deterministic)
    h = jax.nn.relu(batch_norm(gcn_conv(x, edge_index, W1, b1), g1, be1))
    h = jax.nn.relu(batch_norm(gcn_conv(h, edge_index, W2, b2), g2, be2))
    out = gcn_conv(h, edge_index, W3, b3)
    return out

if __name__ == "__main__":
    import jax
    _d = setup_inputs()
    print(jax.jit(kernel)(*tuple(_d.values())))

</pallas_src>

<mosaic_0001>
#map = affine_map<(d0, d1) -> (0, 0)>
#map1 = affine_map<(d0, d1) -> (0)>
#map2 = affine_map<(d0, d1) -> (0, 0, 0)>
module attributes {stable_mosaic.version = 14 : i64} {
  func.func @agg_kernel(%arg0: i32, %arg1: i32, %arg2: memref<10000x64xf32, #tpu.memory_space<hbm>>, %arg3: memref<320000xi32, #tpu.memory_space<hbm>>, %arg4: memref<320000xi32, #tpu.memory_space<hbm>>, %arg5: memref<640x64xf32, #tpu.memory_space<hbm>>, %arg6: memref<2x10240x64xf32, #tpu.memory_space<hbm>>, %arg7: memref<10000xi32, #tpu.memory_space<vmem>>, %arg8: memref<10000xi32, #tpu.memory_space<vmem>>, %arg9: memref<200x64xf32, #tpu.memory_space<vmem>>, %arg10: memref<200x64xf32, #tpu.memory_space<vmem>>, %arg11: memref<10240x64xf32, #tpu.memory_space<vmem_shared>>, %arg12: memref<!tpu.dma_semaphore, #tpu.memory_space<semaphore_mem>>, %arg13: memref<!tpu.dma_semaphore, #tpu.memory_space<semaphore_mem>>, %arg14: memref<!tpu.dma_semaphore, #tpu.memory_space<semaphore_mem>>, %arg15: memref<!tpu.dma_semaphore, #tpu.memory_space<semaphore_mem>>) attributes {dimension_semantics = [#tpu.dimension_semantics<core_parallel>, #tpu.dimension_semantics<subcore_parallel>], iteration_bounds = array<i64: 2, 16>, scalar_prefetch = 0 : i64, scratch_operands = 9 : i64, tpu.core_type = #tpu.core_type<sc_vector_subcore>, window_params = [{transform_indices = #map}, {transform_indices = #map1}, {transform_indices = #map1}, {transform_indices = #map}, {transform_indices = #map2}]} {
    %mul3A = arith.constant 16 : i32
    %mul3A_0 = arith.muli %arg0, %mul3A : i32
    %add3A = arith.addi %mul3A_0, %arg1 : i32
    %mul3A_1 = arith.constant 10000 : i32
    %mul3A_2 = arith.muli %add3A, %mul3A_1 : i32
    "tpu.region"() ({
      %run_scoped3A = tpu.sem_alloc : memref<!tpu.dma_semaphore, #tpu.memory_space<semaphore_mem>>
      %dma_start3A_20 = tpu.memref_slice %arg3[%mul3A_2] : memref<320000xi32, #tpu.memory_space<hbm>> -> memref<10000xi32, #tpu.memory_space<hbm>>
      %dma_start3A_21 = tpu.memref_slice %arg3[%mul3A_2] : memref<320000xi32, #tpu.memory_space<hbm>> -> memref<10000xi32, #tpu.memory_space<hbm>>
      tpu.enqueue_dma source(%dma_start3A_21 : memref<10000xi32, #tpu.memory_space<hbm>>) target(%arg7 : memref<10000xi32, #tpu.memory_space<vmem>>) target_semaphore(%run_scoped3A : memref<!tpu.dma_semaphore, #tpu.memory_space<semaphore_mem>>)
      %dma_wait3A_22 = tpu.memref_slice %arg3[%mul3A_2] : memref<320000xi32, #tpu.memory_space<hbm>> -> memref<10000xi32, #tpu.memory_space<hbm>>
      %dma_wait3A_23 = tpu.memref_slice %arg3[%mul3A_2] : memref<320000xi32, #tpu.memory_space<hbm>> -> memref<10000xi32, #tpu.memory_space<hbm>>
      tpu.wait_dma2 semaphore(%run_scoped3A : memref<!tpu.dma_semaphore, #tpu.memory_space<semaphore_mem>>) src(%dma_wait3A_23 : memref<10000xi32, #tpu.memory_space<hbm>>) dst(%arg7 : memref<10000xi32, #tpu.memory_space<vmem>>)
      tpu.yield
    }) : () -> ()
    %mul3A_3 = arith.constant 10000 : i32
    %mul3A_4 = arith.muli %add3A, %mul3A_3 : i32
    "tpu.region"() ({
      %run_scoped3A = tpu.sem_alloc : memref<!tpu.dma_semaphore, #tpu.memory_space<semaphore_mem>>
      %dma_start3A_20 = tpu.memref_slice %arg4[%mul3A_4] : memref<320000xi32, #tpu.memory_space<hbm>> -> memref<10000xi32, #tpu.memory_space<hbm>>
      %dma_start3A_21 = tpu.memref_slice %arg4[%mul3A_4] : memref<320000xi32, #tpu.memory_space<hbm>> -> memref<10000xi32, #tpu.memory_space<hbm>>
      tpu.enqueue_dma source(%dma_start3A_21 : memref<10000xi32, #tpu.memory_space<hbm>>) target(%arg8 : memref<10000xi32, #tpu.memory_space<vmem>>) target_semaphore(%run_scoped3A : memref<!tpu.dma_semaphore, #tpu.memory_space<semaphore_mem>>)
      %dma_wait3A_22 = tpu.memref_slice %arg4[%mul3A_4] : memref<320000xi32, #tpu.memory_space<hbm>> -> memref<10000xi32, #tpu.memory_space<hbm>>
      %dma_wait3A_23 = tpu.memref_slice %arg4[%mul3A_4] : memref<320000xi32, #tpu.memory_space<hbm>> -> memref<10000xi32, #tpu.memory_space<hbm>>
      tpu.wait_dma2 semaphore(%run_scoped3A : memref<!tpu.dma_semaphore, #tpu.memory_space<semaphore_mem>>) src(%dma_wait3A_23 : memref<10000xi32, #tpu.memory_space<hbm>>) dst(%arg8 : memref<10000xi32, #tpu.memory_space<vmem>>)
      tpu.yield
    }) : () -> ()
    %mul3A_5 = arith.constant 640 : i32
    %mul3A_6 = arith.muli %arg1, %mul3A_5 : i32
    "tpu.region"() ({
      %run_scoped3A = tpu.sem_alloc : memref<!tpu.dma_semaphore, #tpu.memory_space<semaphore_mem>>
      %dma_start3A_20 = arith.constant 0 : i32
      %dma_start3A_21 = tpu.memref_slice %arg11[%mul3A_6, %dma_start3A_20] : memref<10240x64xf32, #tpu.memory_space<vmem_shared>> -> memref<640x64xf32, #tpu.memory_space<vmem_shared>>
      tpu.enqueue_dma source(%arg5 : memref<640x64xf32, #tpu.memory_space<hbm>>) target(%dma_start3A_21 : memref<640x64xf32, #tpu.memory_space<vmem_shared>>) target_semaphore(%run_scoped3A : memref<!tpu.dma_semaphore, #tpu.memory_space<semaphore_mem>>)
      %dma_wait3A_22 = arith.constant 0 : i32
      %dma_wait3A_23 = tpu.memref_slice %arg11[%mul3A_6, %dma_wait3A_22] : memref<10240x64xf32, #tpu.memory_space<vmem_shared>> -> memref<640x64xf32, #tpu.memory_space<vmem_shared>>
      tpu.wait_dma2 semaphore(%run_scoped3A : memref<!tpu.dma_semaphore, #tpu.memory_space<semaphore_mem>>) src(%arg5 : memref<640x64xf32, #tpu.memory_space<hbm>>) dst(%dma_wait3A_23 : memref<640x64xf32, #tpu.memory_space<vmem_shared>>)
      tpu.yield
    }) : () -> ()
    %barrier3A = arith.constant 0 : index
    tpu.barrier barrier_id(%barrier3A)
    %dma_start3A = arith.constant 0 : i32
    %dma_start3A_7 = tpu.memref_slice %arg7[%dma_start3A] : memref<10000xi32, #tpu.memory_space<vmem>> -> memref<200xi32, #tpu.memory_space<vmem>>
    %dma_start3A_8 = arith.constant 0 : i32
    %dma_start3A_9 = arith.constant 0 : i32
    %dma_start3A_10 = tpu.memref_slice %arg2[%dma_start3A_8, %dma_start3A_9] : memref<10000x64xf32, #tpu.memory_space<hbm>> -> memref<10000x64xf32, #tpu.memory_space<hbm>>
    tpu.enqueue_indirect_dma source(%dma_start3A_10 : memref<10000x64xf32, #tpu.memory_space<hbm>>) target(%arg9 : memref<200x64xf32, #tpu.memory_space<vmem>>) offsets(%dma_start3A_7 : memref<200xi32, #tpu.memory_space<vmem>>) semaphore(%arg12 : memref<!tpu.dma_semaphore, #tpu.memory_space<semaphore_mem>>)
    %scan3A = arith.constant 0 : i32
    %scan3A_11 = arith.constant 25 : i32
    %scan3A_12 = arith.addi %scan3A, %scan3A_11 : i32
    %scan3A_13 = arith.constant 1 : i32
    scf.for %scan3A_20 = %scan3A to %scan3A_12 step %scan3A_13  : i32 {
      %mul3A_21 = arith.constant 2 : i32
      %mul3A_22 = arith.muli %scan3A_20, %mul3A_21 : i32
      %add3A_23 = arith.constant 0 : i32
      %add3A_24 = arith.addi %add3A_23, %mul3A_22 : i32
      %add3A_25 = arith.constant 0 : i32
      %add3A_26 = arith.addi %add3A_24, %add3A_25 : i32
      %ge3A = arith.constant 1 : i32
      %ge3A_27 = arith.cmpi sge, %add3A_26, %ge3A : i32
      %convert_element_type3A = arith.extui %ge3A_27 : i1 to i32
      %cond3A = arith.constant 0 : i32
      %cond3A_28 = arith.cmpi ne, %convert_element_type3A, %cond3A : i32
      scf.if %cond3A_28 {
        %sub3A = arith.constant 1 : i32
        %sub3A_73 = arith.subi %add3A_26, %sub3A : i32
        %mul3A_74 = arith.constant 200 : i32
        %mul3A_75 = arith.muli %sub3A_73, %mul3A_74 : i32
        %dma_wait3A_76 = tpu.memref_slice %arg8[%mul3A_75] : memref<10000xi32, #tpu.memory_space<vmem>> -> memref<200xi32, #tpu.memory_space<vmem>>
        %dma_wait3A_77 = arith.constant 0 : i32
        %dma_wait3A_78 = arith.constant 0 : i32
        %dma_wait3A_79 = tpu.memref_slice %arg11[%dma_wait3A_77, %dma_wait3A_78] : memref<10240x64xf32, #tpu.memory_space<vmem_shared>> -> memref<10240x64xf32, #tpu.memory_space<vmem_shared>>
        tpu.wait_indirect_dma semaphore(%arg15 : memref<!tpu.dma_semaphore, #tpu.memory_space<semaphore_mem>>) src(%arg10 : memref<200x64xf32, #tpu.memory_space<vmem>>) dst(%dma_wait3A_79 : memref<10240x64xf32, #tpu.memory_space<vmem_shared>>)
      } else {
      }
      %add3A_29 = arith.constant 1 : i32
      %add3A_30 = arith.addi %add3A_26, %add3A_29 : i32
      %lt3A = arith.constant 50 : i32
      %lt3A_31 = arith.cmpi slt, %add3A_30, %lt3A : i32
      %convert_element_type3A_32 = arith.extui %lt3A_31 : i1 to i32
      %cond3A_33 = arith.constant 0 : i32
      %cond3A_34 = arith.cmpi ne, %convert_element_type3A_32, %cond3A_33 : i32
      scf.if %cond3A_34 {
        %add3A_73 = arith.constant 1 : i32
        %add3A_74 = arith.addi %add3A_26, %add3A_73 : i32
        %mul3A_75 = arith.constant 200 : i32
        %mul3A_76 = arith.muli %add3A_74, %mul3A_75 : i32
        %dma_start3A_77 = tpu.memref_slice %arg7[%mul3A_76] : memref<10000xi32, #tpu.memory_space<vmem>> -> memref<200xi32, #tpu.memory_space<vmem>>
        %dma_start3A_78 = arith.constant 0 : i32
        %dma_start3A_79 = arith.constant 0 : i32
        %dma_start3A_80 = tpu.memref_slice %arg2[%dma_start3A_78, %dma_start3A_79] : memref<10000x64xf32, #tpu.memory_space<hbm>> -> memref<10000x64xf32, #tpu.memory_space<hbm>>
        tpu.enqueue_indirect_dma source(%dma_start3A_80 : memref<10000x64xf32, #tpu.memory_space<hbm>>) target(%arg10 : memref<200x64xf32, #tpu.memory_space<vmem>>) offsets(%dma_start3A_77 : memref<200xi32, #tpu.memory_space<vmem>>) semaphore(%arg13 : memref<!tpu.dma_semaphore, #tpu.memory_space<semaphore_mem>>)
      } else {
      }
      %mul3A_35 = arith.constant 200 : i32
      %mul3A_36 = arith.muli %add3A_26, %mul3A_35 : i32
      %dma_wait3A_37 = tpu.memref_slice %arg7[%mul3A_36] : memref<10000xi32, #tpu.memory_space<vmem>> -> memref<200xi32, #tpu.memory_space<vmem>>
      %dma_wait3A_38 = arith.constant 0 : i32
      %dma_wait3A_39 = arith.constant 0 : i32
      %dma_wait3A_40 = tpu.memref_slice %arg2[%dma_wait3A_38, %dma_wait3A_39] : memref<10000x64xf32, #tpu.memory_space<hbm>> -> memref<10000x64xf32, #tpu.memory_space<hbm>>
      tpu.wait_indirect_dma semaphore(%arg12 : memref<!tpu.dma_semaphore, #tpu.memory_space<semaphore_mem>>) src(%dma_wait3A_40 : memref<10000x64xf32, #tpu.memory_space<hbm>>) dst(%arg9 : memref<200x64xf32, #tpu.memory_space<vmem>>)
      %mul3A_41 = arith.constant 200 : i32
      %mul3A_42 = arith.muli %add3A_26, %mul3A_41 : i32
      %dma_start3A_43 = tpu.memref_slice %arg8[%mul3A_42] : memref<10000xi32, #tpu.memory_space<vmem>> -> memref<200xi32, #tpu.memory_space<vmem>>
      %dma_start3A_44 = arith.constant 0 : i32
      %dma_start3A_45 = arith.constant 0 : i32
      %dma_start3A_46 = tpu.memref_slice %arg11[%dma_start3A_44, %dma_start3A_45] : memref<10240x64xf32, #tpu.memory_space<vmem_shared>> -> memref<10240x64xf32, #tpu.memory_space<vmem_shared>>
      tpu.enqueue_indirect_dma source(%arg9 : memref<200x64xf32, #tpu.memory_space<vmem>>) target(%dma_start3A_46 : memref<10240x64xf32, #tpu.memory_space<vmem_shared>>) offsets(%dma_start3A_43 : memref<200xi32, #tpu.memory_space<vmem>>) semaphore(%arg14 : memref<!tpu.dma_semaphore, #tpu.memory_space<semaphore_mem>>) {add = true}
      %add3A_47 = arith.constant 1 : i32
      %add3A_48 = arith.addi %add3A_24, %add3A_47 : i32
      %ge3A_49 = arith.constant 1 : i32
      %ge3A_50 = arith.cmpi sge, %add3A_48, %ge3A_49 : i32
      %convert_element_type3A_51 = arith.extui %ge3A_50 : i1 to i32
      %cond3A_52 = arith.constant 0 : i32
      %cond3A_53 = arith.cmpi ne, %convert_element_type3A_51, %cond3A_52 : i32
      scf.if %cond3A_53 {
        %sub3A = arith.constant 1 : i32
        %sub3A_73 = arith.subi %add3A_48, %sub3A : i32
        %mul3A_74 = arith.constant 200 : i32
        %mul3A_75 = arith.muli %sub3A_73, %mul3A_74 : i32
        %dma_wait3A_76 = tpu.memref_slice %arg8[%mul3A_75] : memref<10000xi32, #tpu.memory_space<vmem>> -> memref<200xi32, #tpu.memory_space<vmem>>
        %dma_wait3A_77 = arith.constant 0 : i32
        %dma_wait3A_78 = arith.constant 0 : i32
        %dma_wait3A_79 = tpu.memref_slice %arg11[%dma_wait3A_77, %dma_wait3A_78] : memref<10240x64xf32, #tpu.memory_space<vmem_shared>> -> memref<10240x64xf32, #tpu.memory_space<vmem_shared>>
        tpu.wait_indirect_dma semaphore(%arg14 : memref<!tpu.dma_semaphore, #tpu.memory_space<semaphore_mem>>) src(%arg9 : memref<200x64xf32, #tpu.memory_space<vmem>>) dst(%dma_wait3A_79 : memref<10240x64xf32, #tpu.memory_space<vmem_shared>>)
      } else {
      }
      %add3A_54 = arith.constant 1 : i32
      %add3A_55 = arith.addi %add3A_48, %add3A_54 : i32
      %lt3A_56 = arith.constant 50 : i32
      %lt3A_57 = arith.cmpi slt, %add3A_55, %lt3A_56 : i32
      %convert_element_type3A_58 = arith.extui %lt3A_57 : i1 to i32
      %cond3A_59 = arith.constant 0 : i32
      %cond3A_60 = arith.cmpi ne, %convert_element_type3A_58, %cond3A_59 : i32
      scf.if %cond3A_60 {
        %add3A_73 = arith.constant 1 : i32
        %add3A_74 = arith.addi %add3A_48, %add3A_73 : i32
        %mul3A_75 = arith.constant 200 : i32
        %mul3A_76 = arith.muli %add3A_74, %mul3A_75 : i32
        %dma_start3A_77 = tpu.memref_slice %arg7[%mul3A_76] : memref<10000xi32, #tpu.memory_space<vmem>> -> memref<200xi32, #tpu.memory_space<vmem>>
        %dma_start3A_78 = arith.constant 0 : i32
        %dma_start3A_79 = arith.constant 0 : i32
        %dma_start3A_80 = tpu.memref_slice %arg2[%dma_start3A_78, %dma_start3A_79] : memref<10000x64xf32, #tpu.memory_space<hbm>> -> memref<10000x64xf32, #tpu.memory_space<hbm>>
        tpu.enqueue_indirect_dma source(%dma_start3A_80 : memref<10000x64xf32, #tpu.memory_space<hbm>>) target(%arg9 : memref<200x64xf32, #tpu.memory_space<vmem>>) offsets(%dma_start3A_77 : memref<200xi32, #tpu.memory_space<vmem>>) semaphore(%arg12 : memref<!tpu.dma_semaphore, #tpu.memory_space<semaphore_mem>>)
      } else {
      }
      %mul3A_61 = arith.constant 200 : i32
      %mul3A_62 = arith.muli %add3A_48, %mul3A_61 : i32
      %dma_wait3A_63 = tpu.memref_slice %arg7[%mul3A_62] : memref<10000xi32, #tpu.memory_space<vmem>> -> memref<200xi32, #tpu.memory_space<vmem>>
      %dma_wait3A_64 = arith.constant 0 : i32
      %dma_wait3A_65 = arith.constant 0 : i32
      %dma_wait3A_66 = tpu.memref_slice %arg2[%dma_wait3A_64, %dma_wait3A_65] : memref<10000x64xf32, #tpu.memory_space<hbm>> -> memref<10000x64xf32, #tpu.memory_space<hbm>>
      tpu.wait_indirect_dma semaphore(%arg13 : memref<!tpu.dma_semaphore, #tpu.memory_space<semaphore_mem>>) src(%dma_wait3A_66 : memref<10000x64xf32, #tpu.memory_space<hbm>>) dst(%arg10 : memref<200x64xf32, #tpu.memory_space<vmem>>)
      %mul3A_67 = arith.constant 200 : i32
      %mul3A_68 = arith.muli %add3A_48, %mul3A_67 : i32
      %dma_start3A_69 = tpu.memref_slice %arg8[%mul3A_68] : memref<10000xi32, #tpu.memory_space<vmem>> -> memref<200xi32, #tpu.memory_space<vmem>>
      %dma_start3A_70 = arith.constant 0 : i32
      %dma_start3A_71 = arith.constant 0 : i32
      %dma_start3A_72 = tpu.memref_slice %arg11[%dma_start3A_70, %dma_start3A_71] : memref<10240x64xf32, #tpu.memory_space<vmem_shared>> -> memref<10240x64xf32, #tpu.memory_space<vmem_shared>>
      tpu.enqueue_indirect_dma source(%arg10 : memref<200x64xf32, #tpu.memory_space<vmem>>) target(%dma_start3A_72 : memref<10240x64xf32, #tpu.memory_space<vmem_shared>>) offsets(%dma_start3A_69 : memref<200xi32, #tpu.memory_space<vmem>>) semaphore(%arg15 : memref<!tpu.dma_semaphore, #tpu.memory_space<semaphore_mem>>) {add = true}
    }
    %scan3A_14 = arith.constant 25 : i32
    %dma_wait3A = arith.constant 9800 : i32
    %dma_wait3A_15 = tpu.memref_slice %arg8[%dma_wait3A] : memref<10000xi32, #tpu.memory_space<vmem>> -> memref<200xi32, #tpu.memory_space<vmem>>
    %dma_wait3A_16 = arith.constant 0 : i32
    %dma_wait3A_17 = arith.constant 0 : i32
    %dma_wait3A_18 = tpu.memref_slice %arg11[%dma_wait3A_16, %dma_wait3A_17] : memref<10240x64xf32, #tpu.memory_space<vmem_shared>> -> memref<10240x64xf32, #tpu.memory_space<vmem_shared>>
    tpu.wait_indirect_dma semaphore(%arg15 : memref<!tpu.dma_semaphore, #tpu.memory_space<semaphore_mem>>) src(%arg10 : memref<200x64xf32, #tpu.memory_space<vmem>>) dst(%dma_wait3A_18 : memref<10240x64xf32, #tpu.memory_space<vmem_shared>>)
    %barrier3A_19 = arith.constant 0 : index
    tpu.barrier barrier_id(%barrier3A_19)
    "tpu.region"() ({
      %run_scoped3A = tpu.sem_alloc : memref<!tpu.dma_semaphore, #tpu.memory_space<semaphore_mem>>
      %dma_start3A_20 = arith.constant 0 : i32
      %dma_start3A_21 = tpu.memref_slice %arg6[%arg0, %mul3A_6, %dma_start3A_20] : memref<2x10240x64xf32, #tpu.memory_space<hbm>> -> memref<1x640x64xf32, #tpu.memory_space<hbm>>
      %dma_start3A_22 = tpu.memref_squeeze %dma_start3A_21 : memref<1x640x64xf32, #tpu.memory_space<hbm>> -> memref<640x64xf32, #tpu.memory_space<hbm>>
      %dma_start3A_23 = arith.constant 0 : i32
      %dma_start3A_24 = tpu.memref_slice %arg11[%mul3A_6, %dma_start3A_23] : memref<10240x64xf32, #tpu.memory_space<vmem_shared>> -> memref<640x64xf32, #tpu.memory_space<vmem_shared>>
      tpu.enqueue_dma source(%dma_start3A_24 : memref<640x64xf32, #tpu.memory_space<vmem_shared>>) target(%dma_start3A_22 : memref<640x64xf32, #tpu.memory_space<hbm>>) target_semaphore(%run_scoped3A : memref<!tpu.dma_semaphore, #tpu.memory_space<semaphore_mem>>)
      %dma_wait3A_25 = arith.constant 0 : i32
      %dma_wait3A_26 = tpu.memref_slice %arg6[%arg0, %mul3A_6, %dma_wait3A_25] : memref<2x10240x64xf32, #tpu.memory_space<hbm>> -> memref<1x640x64xf32, #tpu.memory_space<hbm>>
      %dma_wait3A_27 = tpu.memref_squeeze %dma_wait3A_26 : memref<1x640x64xf32, #tpu.memory_space<hbm>> -> memref<640x64xf32, #tpu.memory_space<hbm>>
      %dma_wait3A_28 = arith.constant 0 : i32
      %dma_wait3A_29 = tpu.memref_slice %arg11[%mul3A_6, %dma_wait3A_28] : memref<10240x64xf32, #tpu.memory_space<vmem_shared>> -> memref<640x64xf32, #tpu.memory_space<vmem_shared>>
      tpu.wait_dma2 semaphore(%run_scoped3A : memref<!tpu.dma_semaphore, #tpu.memory_space<semaphore_mem>>) src(%dma_wait3A_29 : memref<640x64xf32, #tpu.memory_space<vmem_shared>>) dst(%dma_wait3A_27 : memref<640x64xf32, #tpu.memory_space<hbm>>)
      tpu.yield
    }) : () -> ()
    return
  }
}

#map = affine_map<(d0, d1) -> (0, 0)>
#map1 = affine_map<(d0, d1) -> (0)>
#map2 = affine_map<(d0, d1) -> (0, 0, 0)>
module attributes {stable_mosaic.version = 14 : i64} {
  func.func @agg_kernel(%arg0: i32, %arg1: i32, %arg2: memref<10000x64xf32, #tpu.memory_space<hbm>>, %arg3: memref<320000xi32, #tpu.memory_space<hbm>>, %arg4: memref<320000xi32, #tpu.memory_space<hbm>>, %arg5: memref<640x64xf32, #tpu.memory_space<hbm>>, %arg6: memref<2x10240x64xf32, #tpu.memory_space<hbm>>, %arg7: memref<10000xi32, #tpu.memory_space<vmem>>, %arg8: memref<10000xi32, #tpu.memory_space<vmem>>, %arg9: memref<200x64xf32, #tpu.memory_space<vmem>>, %arg10: memref<200x64xf32, #tpu.memory_space<vmem>>, %arg11: memref<10240x64xf32, #tpu.memory_space<vmem_shared>>, %arg12: memref<!tpu.dma_semaphore, #tpu.memory_space<semaphore_mem>>, %arg13: memref<!tpu.dma_semaphore, #tpu.memory_space<semaphore_mem>>, %arg14: memref<!tpu.dma_semaphore, #tpu.memory_space<semaphore_mem>>, %arg15: memref<!tpu.dma_semaphore, #tpu.memory_space<semaphore_mem>>) attributes {dimension_semantics = [#tpu.dimension_semantics<core_parallel>, #tpu.dimension_semantics<subcore_parallel>], iteration_bounds = array<i64: 2, 16>, scalar_prefetch = 0 : i64, scratch_operands = 9 : i64, tpu.core_type = #tpu.core_type<sc_vector_subcore>, window_params = [{transform_indices = #map}, {transform_indices = #map1}, {transform_indices = #map1}, {transform_indices = #map}, {transform_indices = #map2}]} {
    %mul3A = arith.constant 16 : i32
    %mul3A_0 = arith.muli %arg0, %mul3A : i32
    %add3A = arith.addi %mul3A_0, %arg1 : i32
    %mul3A_1 = arith.constant 10000 : i32
    %mul3A_2 = arith.muli %add3A, %mul3A_1 : i32
    "tpu.region"() ({
      %run_scoped3A = tpu.sem_alloc : memref<!tpu.dma_semaphore, #tpu.memory_space<semaphore_mem>>
      %dma_start3A_20 = tpu.memref_slice %arg3[%mul3A_2] : memref<320000xi32, #tpu.memory_space<hbm>> -> memref<10000xi32, #tpu.memory_space<hbm>>
      %dma_start3A_21 = tpu.memref_slice %arg3[%mul3A_2] : memref<320000xi32, #tpu.memory_space<hbm>> -> memref<10000xi32, #tpu.memory_space<hbm>>
      tpu.enqueue_dma source(%dma_start3A_21 : memref<10000xi32, #tpu.memory_space<hbm>>) target(%arg7 : memref<10000xi32, #tpu.memory_space<vmem>>) target_semaphore(%run_scoped3A : memref<!tpu.dma_semaphore, #tpu.memory_space<semaphore_mem>>)
      %dma_wait3A_22 = tpu.memref_slice %arg3[%mul3A_2] : memref<320000xi32, #tpu.memory_space<hbm>> -> memref<10000xi32, #tpu.memory_space<hbm>>
      %dma_wait3A_23 = tpu.memref_slice %arg3[%mul3A_2] : memref<320000xi32, #tpu.memory_space<hbm>> -> memref<10000xi32, #tpu.memory_space<hbm>>
      tpu.wait_dma2 semaphore(%run_scoped3A : memref<!tpu.dma_semaphore, #tpu.memory_space<semaphore_mem>>) src(%dma_wait3A_23 : memref<10000xi32, #tpu.memory_space<hbm>>) dst(%arg7 : memref<10000xi32, #tpu.memory_space<vmem>>)
      tpu.yield
    }) : () -> ()
    %mul3A_3 = arith.constant 10000 : i32
    %mul3A_4 = arith.muli %add3A, %mul3A_3 : i32
    "tpu.region"() ({
      %run_scoped3A = tpu.sem_alloc : memref<!tpu.dma_semaphore, #tpu.memory_space<semaphore_mem>>
      %dma_start3A_20 = tpu.memref_slice %arg4[%mul3A_4] : memref<320000xi32, #tpu.memory_space<hbm>> -> memref<10000xi32, #tpu.memory_space<hbm>>
      %dma_start3A_21 = tpu.memref_slice %arg4[%mul3A_4] : memref<320000xi32, #tpu.memory_space<hbm>> -> memref<10000xi32, #tpu.memory_space<hbm>>
      tpu.enqueue_dma source(%dma_start3A_21 : memref<10000xi32, #tpu.memory_space<hbm>>) target(%arg8 : memref<10000xi32, #tpu.memory_space<vmem>>) target_semaphore(%run_scoped3A : memref<!tpu.dma_semaphore, #tpu.memory_space<semaphore_mem>>)
      %dma_wait3A_22 = tpu.memref_slice %arg4[%mul3A_4] : memref<320000xi32, #tpu.memory_space<hbm>> -> memref<10000xi32, #tpu.memory_space<hbm>>
      %dma_wait3A_23 = tpu.memref_slice %arg4[%mul3A_4] : memref<320000xi32, #tpu.memory_space<hbm>> -> memref<10000xi32, #tpu.memory_space<hbm>>
      tpu.wait_dma2 semaphore(%run_scoped3A : memref<!tpu.dma_semaphore, #tpu.memory_space<semaphore_mem>>) src(%dma_wait3A_23 : memref<10000xi32, #tpu.memory_space<hbm>>) dst(%arg8 : memref<10000xi32, #tpu.memory_space<vmem>>)
      tpu.yield
    }) : () -> ()
    %mul3A_5 = arith.constant 640 : i32
    %mul3A_6 = arith.muli %arg1, %mul3A_5 : i32
    "tpu.region"() ({
      %run_scoped3A = tpu.sem_alloc : memref<!tpu.dma_semaphore, #tpu.memory_space<semaphore_mem>>
      %dma_start3A_20 = arith.constant 0 : i32
      %dma_start3A_21 = tpu.memref_slice %arg11[%mul3A_6, %dma_start3A_20] : memref<10240x64xf32, #tpu.memory_space<vmem_shared>> -> memref<640x64xf32, #tpu.memory_space<vmem_shared>>
      tpu.enqueue_dma source(%arg5 : memref<640x64xf32, #tpu.memory_space<hbm>>) target(%dma_start3A_21 : memref<640x64xf32, #tpu.memory_space<vmem_shared>>) target_semaphore(%run_scoped3A : memref<!tpu.dma_semaphore, #tpu.memory_space<semaphore_mem>>)
      %dma_wait3A_22 = arith.constant 0 : i32
      %dma_wait3A_23 = tpu.memref_slice %arg11[%mul3A_6, %dma_wait3A_22] : memref<10240x64xf32, #tpu.memory_space<vmem_shared>> -> memref<640x64xf32, #tpu.memory_space<vmem_shared>>
      tpu.wait_dma2 semaphore(%run_scoped3A : memref<!tpu.dma_semaphore, #tpu.memory_space<semaphore_mem>>) src(%arg5 : memref<640x64xf32, #tpu.memory_space<hbm>>) dst(%dma_wait3A_23 : memref<640x64xf32, #tpu.memory_space<vmem_shared>>)
      tpu.yield
    }) : () -> ()
    %barrier3A = arith.constant 0 : index
    tpu.barrier barrier_id(%barrier3A)
    %dma_start3A = arith.constant 0 : i32
    %dma_start3A_7 = tpu.memref_slice %arg7[%dma_start3A] : memref<10000xi32, #tpu.memory_space<vmem>> -> memref<200xi32, #tpu.memory_space<vmem>>
    %dma_start3A_8 = arith.constant 0 : i32
    %dma_start3A_9 = arith.constant 0 : i32
    %dma_start3A_10 = tpu.memref_slice %arg2[%dma_start3A_8, %dma_start3A_9] : memref<10000x64xf32, #tpu.memory_space<hbm>> -> memref<10000x64xf32, #tpu.memory_space<hbm>>
    tpu.enqueue_indirect_dma source(%dma_start3A_10 : memref<10000x64xf32, #tpu.memory_space<hbm>>) target(%arg9 : memref<200x64xf32, #tpu.memory_space<vmem>>) offsets(%dma_start3A_7 : memref<200xi32, #tpu.memory_space<vmem>>) semaphore(%arg12 : memref<!tpu.dma_semaphore, #tpu.memory_space<semaphore_mem>>)
    %scan3A = arith.constant 0 : i32
    %scan3A_11 = arith.constant 25 : i32
    %scan3A_12 = arith.addi %scan3A, %scan3A_11 : i32
    %scan3A_13 = arith.constant 1 : i32
    scf.for %scan3A_20 = %scan3A to %scan3A_12 step %scan3A_13  : i32 {
      %mul3A_21 = arith.constant 2 : i32
      %mul3A_22 = arith.muli %scan3A_20, %mul3A_21 : i32
      %add3A_23 = arith.constant 0 : i32
      %add3A_24 = arith.addi %add3A_23, %mul3A_22 : i32
      %add3A_25 = arith.constant 0 : i32
      %add3A_26 = arith.addi %add3A_24, %add3A_25 : i32
      %ge3A = arith.constant 1 : i32
      %ge3A_27 = arith.cmpi sge, %add3A_26, %ge3A : i32
      %convert_element_type3A = arith.extui %ge3A_27 : i1 to i32
      %cond3A = arith.constant 0 : i32
      %cond3A_28 = arith.cmpi ne, %convert_element_type3A, %cond3A : i32
      scf.if %cond3A_28 {
        %sub3A = arith.constant 1 : i32
        %sub3A_73 = arith.subi %add3A_26, %sub3A : i32
        %mul3A_74 = arith.constant 200 : i32
        %mul3A_75 = arith.muli %sub3A_73, %mul3A_74 : i32
        %dma_wait3A_76 = tpu.memref_slice %arg8[%mul3A_75] : memref<10000xi32, #tpu.memory_space<vmem>> -> memref<200xi32, #tpu.memory_space<vmem>>
        %dma_wait3A_77 = arith.constant 0 : i32
        %dma_wait3A_78 = arith.constant 0 : i32
        %dma_wait3A_79 = tpu.memref_slice %arg11[%dma_wait3A_77, %dma_wait3A_78] : memref<10240x64xf32, #tpu.memory_space<vmem_shared>> -> memref<10240x64xf32, #tpu.memory_space<vmem_shared>>
        tpu.wait_indirect_dma semaphore(%arg15 : memref<!tpu.dma_semaphore, #tpu.memory_space<semaphore_mem>>) src(%arg10 : memref<200x64xf32, #tpu.memory_space<vmem>>) dst(%dma_wait3A_79 : memref<10240x64xf32, #tpu.memory_space<vmem_shared>>)
      } else {
      }
      %add3A_29 = arith.constant 1 : i32
      %add3A_30 = arith.addi %add3A_26, %add3A_29 : i32
      %lt3A = arith.constant 50 : i32
      %lt3A_31 = arith.cmpi slt, %add3A_30, %lt3A : i32
      %convert_element_type3A_32 = arith.extui %lt3A_31 : i1 to i32
      %cond3A_33 = arith.constant 0 : i32
      %cond3A_34 = arith.cmpi ne, %convert_element_type3A_32, %cond3A_33 : i32
      scf.if %cond3A_34 {
        %add3A_73 = arith.constant 1 : i32
        %add3A_74 = arith.addi %add3A_26, %add3A_73 : i32
        %mul3A_75 = arith.constant 200 : i32
        %mul3A_76 = arith.muli %add3A_74, %mul3A_75 : i32
        %dma_start3A_77 = tpu.memref_slice %arg7[%mul3A_76] : memref<10000xi32, #tpu.memory_space<vmem>> -> memref<200xi32, #tpu.memory_space<vmem>>
        %dma_start3A_78 = arith.constant 0 : i32
        %dma_start3A_79 = arith.constant 0 : i32
        %dma_start3A_80 = tpu.memref_slice %arg2[%dma_start3A_78, %dma_start3A_79] : memref<10000x64xf32, #tpu.memory_space<hbm>> -> memref<10000x64xf32, #tpu.memory_space<hbm>>
        tpu.enqueue_indirect_dma source(%dma_start3A_80 : memref<10000x64xf32, #tpu.memory_space<hbm>>) target(%arg10 : memref<200x64xf32, #tpu.memory_space<vmem>>) offsets(%dma_start3A_77 : memref<200xi32, #tpu.memory_space<vmem>>) semaphore(%arg13 : memref<!tpu.dma_semaphore, #tpu.memory_space<semaphore_mem>>)
      } else {
      }
      %mul3A_35 = arith.constant 200 : i32
      %mul3A_36 = arith.muli %add3A_26, %mul3A_35 : i32
      %dma_wait3A_37 = tpu.memref_slice %arg7[%mul3A_36] : memref<10000xi32, #tpu.memory_space<vmem>> -> memref<200xi32, #tpu.memory_space<vmem>>
      %dma_wait3A_38 = arith.constant 0 : i32
      %dma_wait3A_39 = arith.constant 0 : i32
      %dma_wait3A_40 = tpu.memref_slice %arg2[%dma_wait3A_38, %dma_wait3A_39] : memref<10000x64xf32, #tpu.memory_space<hbm>> -> memref<10000x64xf32, #tpu.memory_space<hbm>>
      tpu.wait_indirect_dma semaphore(%arg12 : memref<!tpu.dma_semaphore, #tpu.memory_space<semaphore_mem>>) src(%dma_wait3A_40 : memref<10000x64xf32, #tpu.memory_space<hbm>>) dst(%arg9 : memref<200x64xf32, #tpu.memory_space<vmem>>)
      %mul3A_41 = arith.constant 200 : i32
      %mul3A_42 = arith.muli %add3A_26, %mul3A_41 : i32
      %dma_start3A_43 = tpu.memref_slice %arg8[%mul3A_42] : memref<10000xi32, #tpu.memory_space<vmem>> -> memref<200xi32, #tpu.memory_space<vmem>>
      %dma_start3A_44 = arith.constant 0 : i32
      %dma_start3A_45 = arith.constant 0 : i32
      %dma_start3A_46 = tpu.memref_slice %arg11[%dma_start3A_44, %dma_start3A_45] : memref<10240x64xf32, #tpu.memory_space<vmem_shared>> -> memref<10240x64xf32, #tpu.memory_space<vmem_shared>>
      tpu.enqueue_indirect_dma source(%arg9 : memref<200x64xf32, #tpu.memory_space<vmem>>) target(%dma_start3A_46 : memref<10240x64xf32, #tpu.memory_space<vmem_shared>>) offsets(%dma_start3A_43 : memref<200xi32, #tpu.memory_space<vmem>>) semaphore(%arg14 : memref<!tpu.dma_semaphore, #tpu.memory_space<semaphore_mem>>) {add = true}
      %add3A_47 = arith.constant 1 : i32
      %add3A_48 = arith.addi %add3A_24, %add3A_47 : i32
      %ge3A_49 = arith.constant 1 : i32
      %ge3A_50 = arith.cmpi sge, %add3A_48, %ge3A_49 : i32
      %convert_element_type3A_51 = arith.extui %ge3A_50 : i1 to i32
      %cond3A_52 = arith.constant 0 : i32
      %cond3A_53 = arith.cmpi ne, %convert_element_type3A_51, %cond3A_52 : i32
      scf.if %cond3A_53 {
        %sub3A = arith.constant 1 : i32
        %sub3A_73 = arith.subi %add3A_48, %sub3A : i32
        %mul3A_74 = arith.constant 200 : i32
        %mul3A_75 = arith.muli %sub3A_73, %mul3A_74 : i32
        %dma_wait3A_76 = tpu.memref_slice %arg8[%mul3A_75] : memref<10000xi32, #tpu.memory_space<vmem>> -> memref<200xi32, #tpu.memory_space<vmem>>
        %dma_wait3A_77 = arith.constant 0 : i32
        %dma_wait3A_78 = arith.constant 0 : i32
        %dma_wait3A_79 = tpu.memref_slice %arg11[%dma_wait3A_77, %dma_wait3A_78] : memref<10240x64xf32, #tpu.memory_space<vmem_shared>> -> memref<10240x64xf32, #tpu.memory_space<vmem_shared>>
        tpu.wait_indirect_dma semaphore(%arg14 : memref<!tpu.dma_semaphore, #tpu.memory_space<semaphore_mem>>) src(%arg9 : memref<200x64xf32, #tpu.memory_space<vmem>>) dst(%dma_wait3A_79 : memref<10240x64xf32, #tpu.memory_space<vmem_shared>>)
      } else {
      }
      %add3A_54 = arith.constant 1 : i32
      %add3A_55 = arith.addi %add3A_48, %add3A_54 : i32
      %lt3A_56 = arith.constant 50 : i32
      %lt3A_57 = arith.cmpi slt, %add3A_55, %lt3A_56 : i32
      %convert_element_type3A_58 = arith.extui %lt3A_57 : i1 to i32
      %cond3A_59 = arith.constant 0 : i32
      %cond3A_60 = arith.cmpi ne, %convert_element_type3A_58, %cond3A_59 : i32
      scf.if %cond3A_60 {
        %add3A_73 = arith.constant 1 : i32
        %add3A_74 = arith.addi %add3A_48, %add3A_73 : i32
        %mul3A_75 = arith.constant 200 : i32
        %mul3A_76 = arith.muli %add3A_74, %mul3A_75 : i32
        %dma_start3A_77 = tpu.memref_slice %arg7[%mul3A_76] : memref<10000xi32, #tpu.memory_space<vmem>> -> memref<200xi32, #tpu.memory_space<vmem>>
        %dma_start3A_78 = arith.constant 0 : i32
        %dma_start3A_79 = arith.constant 0 : i32
        %dma_start3A_80 = tpu.memref_slice %arg2[%dma_start3A_78, %dma_start3A_79] : memref<10000x64xf32, #tpu.memory_space<hbm>> -> memref<10000x64xf32, #tpu.memory_space<hbm>>
        tpu.enqueue_indirect_dma source(%dma_start3A_80 : memref<10000x64xf32, #tpu.memory_space<hbm>>) target(%arg9 : memref<200x64xf32, #tpu.memory_space<vmem>>) offsets(%dma_start3A_77 : memref<200xi32, #tpu.memory_space<vmem>>) semaphore(%arg12 : memref<!tpu.dma_semaphore, #tpu.memory_space<semaphore_mem>>)
      } else {
      }
      %mul3A_61 = arith.constant 200 : i32
      %mul3A_62 = arith.muli %add3A_48, %mul3A_61 : i32
      %dma_wait3A_63 = tpu.memref_slice %arg7[%mul3A_62] : memref<10000xi32, #tpu.memory_space<vmem>> -> memref<200xi32, #tpu.memory_space<vmem>>
      %dma_wait3A_64 = arith.constant 0 : i32
      %dma_wait3A_65 = arith.constant 0 : i32
      %dma_wait3A_66 = tpu.memref_slice %arg2[%dma_wait3A_64, %dma_wait3A_65] : memref<10000x64xf32, #tpu.memory_space<hbm>> -> memref<10000x64xf32, #tpu.memory_space<hbm>>
      tpu.wait_indirect_dma semaphore(%arg13 : memref<!tpu.dma_semaphore, #tpu.memory_space<semaphore_mem>>) src(%dma_wait3A_66 : memref<10000x64xf32, #tpu.memory_space<hbm>>) dst(%arg10 : memref<200x64xf32, #tpu.memory_space<vmem>>)
      %mul3A_67 = arith.constant 200 : i32
      %mul3A_68 = arith.muli %add3A_48, %mul3A_67 : i32
      %dma_start3A_69 = tpu.memref_slice %arg8[%mul3A_68] : memref<10000xi32, #tpu.memory_space<vmem>> -> memref<200xi32, #tpu.memory_space<vmem>>
      %dma_start3A_70 = arith.constant 0 : i32
      %dma_start3A_71 = arith.constant 0 : i32
      %dma_start3A_72 = tpu.memref_slice %arg11[%dma_start3A_70, %dma_start3A_71] : memref<10240x64xf32, #tpu.memory_space<vmem_shared>> -> memref<10240x64xf32, #tpu.memory_space<vmem_shared>>
      tpu.enqueue_indirect_dma source(%arg10 : memref<200x64xf32, #tpu.memory_space<vmem>>) target(%dma_start3A_72 : memref<10240x64xf32, #tpu.memory_space<vmem_shared>>) offsets(%dma_start3A_69 : memref<200xi32, #tpu.memory_space<vmem>>) semaphore(%arg15 : memref<!tpu.dma_semaphore, #tpu.memory_space<semaphore_mem>>) {add = true}
    }
    %scan3A_14 = arith.constant 25 : i32
    %dma_wait3A = arith.constant 9800 : i32
    %dma_wait3A_15 = tpu.memref_slice %arg8[%dma_wait3A] : memref<10000xi32, #tpu.memory_space<vmem>> -> memref<200xi32, #tpu.memory_space<vmem>>
    %dma_wait3A_16 = arith.constant 0 : i32
    %dma_wait3A_17 = arith.constant 0 : i32
    %dma_wait3A_18 = tpu.memref_slice %arg11[%dma_wait3A_16, %dma_wait3A_17] : memref<10240x64xf32, #tpu.memory_space<vmem_shared>> -> memref<10240x64xf32, #tpu.memory_space<vmem_shared>>
    tpu.wait_indirect_dma semaphore(%arg15 : memref<!tpu.dma_semaphore, #tpu.memory_space<semaphore_mem>>) src(%arg10 : memref<200x64xf32, #tpu.memory_space<vmem>>) dst(%dma_wait3A_18 : memref<10240x64xf32, #tpu.memory_space<vmem_shared>>)
    %barrier3A_19 = arith.constant 0 : index
    tpu.barrier barrier_id(%barrier3A_19)
    "tpu.region"() ({
      %run_scoped3A = tpu.sem_alloc : memref<!tpu.dma_semaphore, #tpu.memory_space<semaphore_mem>>
      %dma_start3A_20 = arith.constant 0 : i32
      %dma_start3A_21 = tpu.memref_slice %arg6[%arg0, %mul3A_6, %dma_start3A_20] : memref<2x10240x64xf32, #tpu.memory_space<hbm>> -> memref<1x640x64xf32, #tpu.memory_space<hbm>>
      %dma_start3A_22 = tpu.memref_squeeze %dma_start3A_21 : memref<1x640x64xf32, #tpu.memory_space<hbm>> -> memref<640x64xf32, #tpu.memory_space<hbm>>
      %dma_start3A_23 = arith.constant 0 : i32
      %dma_start3A_24 = tpu.memref_slice %arg11[%mul3A_6, %dma_start3A_23] : memref<10240x64xf32, #tpu.memory_space<vmem_shared>> -> memref<640x64xf32, #tpu.memory_space<vmem_shared>>
      tpu.enqueue_dma source(%dma_start3A_24 : memref<640x64xf32, #tpu.memory_space<vmem_shared>>) target(%dma_start3A_22 : memref<640x64xf32, #tpu.memory_space<hbm>>) target_semaphore(%run_scoped3A : memref<!tpu.dma_semaphore, #tpu.memory_space<semaphore_mem>>)
      %dma_wait3A_25 = arith.constant 0 : i32
      %dma_wait3A_26 = tpu.memref_slice %arg6[%arg0, %mul3A_6, %dma_wait3A_25] : memref<2x10240x64xf32, #tpu.memory_space<hbm>> -> memref<1x640x64xf32, #tpu.memory_space<hbm>>
      %dma_wait3A_27 = tpu.memref_squeeze %dma_wait3A_26 : memref<1x640x64xf32, #tpu.memory_space<hbm>> -> memref<640x64xf32, #tpu.memory_space<hbm>>
      %dma_wait3A_28 = arith.constant 0 : i32
      %dma_wait3A_29 = tpu.memref_slice %arg11[%mul3A_6, %dma_wait3A_28] : memref<10240x64xf32, #tpu.memory_space<vmem_shared>> -> memref<640x64xf32, #tpu.memory_space<vmem_shared>>
      tpu.wait_dma2 semaphore(%run_scoped3A : memref<!tpu.dma_semaphore, #tpu.memory_space<semaphore_mem>>) src(%dma_wait3A_29 : memref<640x64xf32, #tpu.memory_space<vmem_shared>>) dst(%dma_wait3A_27 : memref<640x64xf32, #tpu.memory_space<hbm>>)
      tpu.yield
    }) : () -> ()
    return
  }
}

#map = affine_map<(d0, d1) -> (0, 0)>
#map1 = affine_map<(d0, d1) -> (0)>
#map2 = affine_map<(d0, d1) -> (0, 0, 0)>
module attributes {stable_mosaic.version = 14 : i64} {
  func.func @agg_kernel(%arg0: i32, %arg1: i32, %arg2: memref<10000x16xf32, #tpu.memory_space<hbm>>, %arg3: memref<320000xi32, #tpu.memory_space<hbm>>, %arg4: memref<320000xi32, #tpu.memory_space<hbm>>, %arg5: memref<640x16xf32, #tpu.memory_space<hbm>>, %arg6: memref<2x10240x16xf32, #tpu.memory_space<hbm>>, %arg7: memref<10000xi32, #tpu.memory_space<vmem>>, %arg8: memref<10000xi32, #tpu.memory_space<vmem>>, %arg9: memref<200x16xf32, #tpu.memory_space<vmem>>, %arg10: memref<200x16xf32, #tpu.memory_space<vmem>>, %arg11: memref<10240x16xf32, #tpu.memory_space<vmem_shared>>, %arg12: memref<!tpu.dma_semaphore, #tpu.memory_space<semaphore_mem>>, %arg13: memref<!tpu.dma_semaphore, #tpu.memory_space<semaphore_mem>>, %arg14: memref<!tpu.dma_semaphore, #tpu.memory_space<semaphore_mem>>, %arg15: memref<!tpu.dma_semaphore, #tpu.memory_space<semaphore_mem>>) attributes {dimension_semantics = [#tpu.dimension_semantics<core_parallel>, #tpu.dimension_semantics<subcore_parallel>], iteration_bounds = array<i64: 2, 16>, scalar_prefetch = 0 : i64, scratch_operands = 9 : i64, tpu.core_type = #tpu.core_type<sc_vector_subcore>, window_params = [{transform_indices = #map}, {transform_indices = #map1}, {transform_indices = #map1}, {transform_indices = #map}, {transform_indices = #map2}]} {
    %mul3A = arith.constant 16 : i32
    %mul3A_0 = arith.muli %arg0, %mul3A : i32
    %add3A = arith.addi %mul3A_0, %arg1 : i32
    %mul3A_1 = arith.constant 10000 : i32
    %mul3A_2 = arith.muli %add3A, %mul3A_1 : i32
    "tpu.region"() ({
      %run_scoped3A = tpu.sem_alloc : memref<!tpu.dma_semaphore, #tpu.memory_space<semaphore_mem>>
      %dma_start3A_20 = tpu.memref_slice %arg3[%mul3A_2] : memref<320000xi32, #tpu.memory_space<hbm>> -> memref<10000xi32, #tpu.memory_space<hbm>>
      %dma_start3A_21 = tpu.memref_slice %arg3[%mul3A_2] : memref<320000xi32, #tpu.memory_space<hbm>> -> memref<10000xi32, #tpu.memory_space<hbm>>
      tpu.enqueue_dma source(%dma_start3A_21 : memref<10000xi32, #tpu.memory_space<hbm>>) target(%arg7 : memref<10000xi32, #tpu.memory_space<vmem>>) target_semaphore(%run_scoped3A : memref<!tpu.dma_semaphore, #tpu.memory_space<semaphore_mem>>)
      %dma_wait3A_22 = tpu.memref_slice %arg3[%mul3A_2] : memref<320000xi32, #tpu.memory_space<hbm>> -> memref<10000xi32, #tpu.memory_space<hbm>>
      %dma_wait3A_23 = tpu.memref_slice %arg3[%mul3A_2] : memref<320000xi32, #tpu.memory_space<hbm>> -> memref<10000xi32, #tpu.memory_space<hbm>>
      tpu.wait_dma2 semaphore(%run_scoped3A : memref<!tpu.dma_semaphore, #tpu.memory_space<semaphore_mem>>) src(%dma_wait3A_23 : memref<10000xi32, #tpu.memory_space<hbm>>) dst(%arg7 : memref<10000xi32, #tpu.memory_space<vmem>>)
      tpu.yield
    }) : () -> ()
    %mul3A_3 = arith.constant 10000 : i32
    %mul3A_4 = arith.muli %add3A, %mul3A_3 : i32
    "tpu.region"() ({
      %run_scoped3A = tpu.sem_alloc : memref<!tpu.dma_semaphore, #tpu.memory_space<semaphore_mem>>
      %dma_start3A_20 = tpu.memref_slice %arg4[%mul3A_4] : memref<320000xi32, #tpu.memory_space<hbm>> -> memref<10000xi32, #tpu.memory_space<hbm>>
      %dma_start3A_21 = tpu.memref_slice %arg4[%mul3A_4] : memref<320000xi32, #tpu.memory_space<hbm>> -> memref<10000xi32, #tpu.memory_space<hbm>>
      tpu.enqueue_dma source(%dma_start3A_21 : memref<10000xi32, #tpu.memory_space<hbm>>) target(%arg8 : memref<10000xi32, #tpu.memory_space<vmem>>) target_semaphore(%run_scoped3A : memref<!tpu.dma_semaphore, #tpu.memory_space<semaphore_mem>>)
      %dma_wait3A_22 = tpu.memref_slice %arg4[%mul3A_4] : memref<320000xi32, #tpu.memory_space<hbm>> -> memref<10000xi32, #tpu.memory_space<hbm>>
      %dma_wait3A_23 = tpu.memref_slice %arg4[%mul3A_4] : memref<320000xi32, #tpu.memory_space<hbm>> -> memref<10000xi32, #tpu.memory_space<hbm>>
      tpu.wait_dma2 semaphore(%run_scoped3A : memref<!tpu.dma_semaphore, #tpu.memory_space<semaphore_mem>>) src(%dma_wait3A_23 : memref<10000xi32, #tpu.memory_space<hbm>>) dst(%arg8 : memref<10000xi32, #tpu.memory_space<vmem>>)
      tpu.yield
    }) : () -> ()
    %mul3A_5 = arith.constant 640 : i32
    %mul3A_6 = arith.muli %arg1, %mul3A_5 : i32
    "tpu.region"() ({
      %run_scoped3A = tpu.sem_alloc : memref<!tpu.dma_semaphore, #tpu.memory_space<semaphore_mem>>
      %dma_start3A_20 = arith.constant 0 : i32
      %dma_start3A_21 = tpu.memref_slice %arg11[%mul3A_6, %dma_start3A_20] : memref<10240x16xf32, #tpu.memory_space<vmem_shared>> -> memref<640x16xf32, #tpu.memory_space<vmem_shared>>
      tpu.enqueue_dma source(%arg5 : memref<640x16xf32, #tpu.memory_space<hbm>>) target(%dma_start3A_21 : memref<640x16xf32, #tpu.memory_space<vmem_shared>>) target_semaphore(%run_scoped3A : memref<!tpu.dma_semaphore, #tpu.memory_space<semaphore_mem>>)
      %dma_wait3A_22 = arith.constant 0 : i32
      %dma_wait3A_23 = tpu.memref_slice %arg11[%mul3A_6, %dma_wait3A_22] : memref<10240x16xf32, #tpu.memory_space<vmem_shared>> -> memref<640x16xf32, #tpu.memory_space<vmem_shared>>
      tpu.wait_dma2 semaphore(%run_scoped3A : memref<!tpu.dma_semaphore, #tpu.memory_space<semaphore_mem>>) src(%arg5 : memref<640x16xf32, #tpu.memory_space<hbm>>) dst(%dma_wait3A_23 : memref<640x16xf32, #tpu.memory_space<vmem_shared>>)
      tpu.yield
    }) : () -> ()
    %barrier3A = arith.constant 0 : index
    tpu.barrier barrier_id(%barrier3A)
    %dma_start3A = arith.constant 0 : i32
    %dma_start3A_7 = tpu.memref_slice %arg7[%dma_start3A] : memref<10000xi32, #tpu.memory_space<vmem>> -> memref<200xi32, #tpu.memory_space<vmem>>
    %dma_start3A_8 = arith.constant 0 : i32
    %dma_start3A_9 = arith.constant 0 : i32
    %dma_start3A_10 = tpu.memref_slice %arg2[%dma_start3A_8, %dma_start3A_9] : memref<10000x16xf32, #tpu.memory_space<hbm>> -> memref<10000x16xf32, #tpu.memory_space<hbm>>
    tpu.enqueue_indirect_dma source(%dma_start3A_10 : memref<10000x16xf32, #tpu.memory_space<hbm>>) target(%arg9 : memref<200x16xf32, #tpu.memory_space<vmem>>) offsets(%dma_start3A_7 : memref<200xi32, #tpu.memory_space<vmem>>) semaphore(%arg12 : memref<!tpu.dma_semaphore, #tpu.memory_space<semaphore_mem>>)
    %scan3A = arith.constant 0 : i32
    %scan3A_11 = arith.constant 25 : i32
    %scan3A_12 = arith.addi %scan3A, %scan3A_11 : i32
    %scan3A_13 = arith.constant 1 : i32
    scf.for %scan3A_20 = %scan3A to %scan3A_12 step %scan3A_13  : i32 {
      %mul3A_21 = arith.constant 2 : i32
      %mul3A_22 = arith.muli %scan3A_20, %mul3A_21 : i32
      %add3A_23 = arith.constant 0 : i32
      %add3A_24 = arith.addi %add3A_23, %mul3A_22 : i32
      %add3A_25 = arith.constant 0 : i32
      %add3A_26 = arith.addi %add3A_24, %add3A_25 : i32
      %ge3A = arith.constant 1 : i32
      %ge3A_27 = arith.cmpi sge, %add3A_26, %ge3A : i32
      %convert_element_type3A = arith.extui %ge3A_27 : i1 to i32
      %cond3A = arith.constant 0 : i32
      %cond3A_28 = arith.cmpi ne, %convert_element_type3A, %cond3A : i32
      scf.if %cond3A_28 {
        %sub3A = arith.constant 1 : i32
        %sub3A_73 = arith.subi %add3A_26, %sub3A : i32
        %mul3A_74 = arith.constant 200 : i32
        %mul3A_75 = arith.muli %sub3A_73, %mul3A_74 : i32
        %dma_wait3A_76 = tpu.memref_slice %arg8[%mul3A_75] : memref<10000xi32, #tpu.memory_space<vmem>> -> memref<200xi32, #tpu.memory_space<vmem>>
        %dma_wait3A_77 = arith.constant 0 : i32
        %dma_wait3A_78 = arith.constant 0 : i32
        %dma_wait3A_79 = tpu.memref_slice %arg11[%dma_wait3A_77, %dma_wait3A_78] : memref<10240x16xf32, #tpu.memory_space<vmem_shared>> -> memref<10240x16xf32, #tpu.memory_space<vmem_shared>>
        tpu.wait_indirect_dma semaphore(%arg15 : memref<!tpu.dma_semaphore, #tpu.memory_space<semaphore_mem>>) src(%arg10 : memref<200x16xf32, #tpu.memory_space<vmem>>) dst(%dma_wait3A_79 : memref<10240x16xf32, #tpu.memory_space<vmem_shared>>)
      } else {
      }
      %add3A_29 = arith.constant 1 : i32
      %add3A_30 = arith.addi %add3A_26, %add3A_29 : i32
      %lt3A = arith.constant 50 : i32
      %lt3A_31 = arith.cmpi slt, %add3A_30, %lt3A : i32
      %convert_element_type3A_32 = arith.extui %lt3A_31 : i1 to i32
      %cond3A_33 = arith.constant 0 : i32
      %cond3A_34 = arith.cmpi ne, %convert_element_type3A_32, %cond3A_33 : i32
      scf.if %cond3A_34 {
        %add3A_73 = arith.constant 1 : i32
        %add3A_74 = arith.addi %add3A_26, %add3A_73 : i32
        %mul3A_75 = arith.constant 200 : i32
        %mul3A_76 = arith.muli %add3A_74, %mul3A_75 : i32
        %dma_start3A_77 = tpu.memref_slice %arg7[%mul3A_76] : memref<10000xi32, #tpu.memory_space<vmem>> -> memref<200xi32, #tpu.memory_space<vmem>>
        %dma_start3A_78 = arith.constant 0 : i32
        %dma_start3A_79 = arith.constant 0 : i32
        %dma_start3A_80 = tpu.memref_slice %arg2[%dma_start3A_78, %dma_start3A_79] : memref<10000x16xf32, #tpu.memory_space<hbm>> -> memref<10000x16xf32, #tpu.memory_space<hbm>>
        tpu.enqueue_indirect_dma source(%dma_start3A_80 : memref<10000x16xf32, #tpu.memory_space<hbm>>) target(%arg10 : memref<200x16xf32, #tpu.memory_space<vmem>>) offsets(%dma_start3A_77 : memref<200xi32, #tpu.memory_space<vmem>>) semaphore(%arg13 : memref<!tpu.dma_semaphore, #tpu.memory_space<semaphore_mem>>)
      } else {
      }
      %mul3A_35 = arith.constant 200 : i32
      %mul3A_36 = arith.muli %add3A_26, %mul3A_35 : i32
      %dma_wait3A_37 = tpu.memref_slice %arg7[%mul3A_36] : memref<10000xi32, #tpu.memory_space<vmem>> -> memref<200xi32, #tpu.memory_space<vmem>>
      %dma_wait3A_38 = arith.constant 0 : i32
      %dma_wait3A_39 = arith.constant 0 : i32
      %dma_wait3A_40 = tpu.memref_slice %arg2[%dma_wait3A_38, %dma_wait3A_39] : memref<10000x16xf32, #tpu.memory_space<hbm>> -> memref<10000x16xf32, #tpu.memory_space<hbm>>
      tpu.wait_indirect_dma semaphore(%arg12 : memref<!tpu.dma_semaphore, #tpu.memory_space<semaphore_mem>>) src(%dma_wait3A_40 : memref<10000x16xf32, #tpu.memory_space<hbm>>) dst(%arg9 : memref<200x16xf32, #tpu.memory_space<vmem>>)
      %mul3A_41 = arith.constant 200 : i32
      %mul3A_42 = arith.muli %add3A_26, %mul3A_41 : i32
      %dma_start3A_43 = tpu.memref_slice %arg8[%mul3A_42] : memref<10000xi32, #tpu.memory_space<vmem>> -> memref<200xi32, #tpu.memory_space<vmem>>
      %dma_start3A_44 = arith.constant 0 : i32
      %dma_start3A_45 = arith.constant 0 : i32
      %dma_start3A_46 = tpu.memref_slice %arg11[%dma_start3A_44, %dma_start3A_45] : memref<10240x16xf32, #tpu.memory_space<vmem_shared>> -> memref<10240x16xf32, #tpu.memory_space<vmem_shared>>
      tpu.enqueue_indirect_dma source(%arg9 : memref<200x16xf32, #tpu.memory_space<vmem>>) target(%dma_start3A_46 : memref<10240x16xf32, #tpu.memory_space<vmem_shared>>) offsets(%dma_start3A_43 : memref<200xi32, #tpu.memory_space<vmem>>) semaphore(%arg14 : memref<!tpu.dma_semaphore, #tpu.memory_space<semaphore_mem>>) {add = true}
      %add3A_47 = arith.constant 1 : i32
      %add3A_48 = arith.addi %add3A_24, %add3A_47 : i32
      %ge3A_49 = arith.constant 1 : i32
      %ge3A_50 = arith.cmpi sge, %add3A_48, %ge3A_49 : i32
      %convert_element_type3A_51 = arith.extui %ge3A_50 : i1 to i32
      %cond3A_52 = arith.constant 0 : i32
      %cond3A_53 = arith.cmpi ne, %convert_element_type3A_51, %cond3A_52 : i32
      scf.if %cond3A_53 {
        %sub3A = arith.constant 1 : i32
        %sub3A_73 = arith.subi %add3A_48, %sub3A : i32
        %mul3A_74 = arith.constant 200 : i32
        %mul3A_75 = arith.muli %sub3A_73, %mul3A_74 : i32
        %dma_wait3A_76 = tpu.memref_slice %arg8[%mul3A_75] : memref<10000xi32, #tpu.memory_space<vmem>> -> memref<200xi32, #tpu.memory_space<vmem>>
        %dma_wait3A_77 = arith.constant 0 : i32
        %dma_wait3A_78 = arith.constant 0 : i32
        %dma_wait3A_79 = tpu.memref_slice %arg11[%dma_wait3A_77, %dma_wait3A_78] : memref<10240x16xf32, #tpu.memory_space<vmem_shared>> -> memref<10240x16xf32, #tpu.memory_space<vmem_shared>>
        tpu.wait_indirect_dma semaphore(%arg14 : memref<!tpu.dma_semaphore, #tpu.memory_space<semaphore_mem>>) src(%arg9 : memref<200x16xf32, #tpu.memory_space<vmem>>) dst(%dma_wait3A_79 : memref<10240x16xf32, #tpu.memory_space<vmem_shared>>)
      } else {
      }
      %add3A_54 = arith.constant 1 : i32
      %add3A_55 = arith.addi %add3A_48, %add3A_54 : i32
      %lt3A_56 = arith.constant 50 : i32
      %lt3A_57 = arith.cmpi slt, %add3A_55, %lt3A_56 : i32
      %convert_element_type3A_58 = arith.extui %lt3A_57 : i1 to i32
      %cond3A_59 = arith.constant 0 : i32
      %cond3A_60 = arith.cmpi ne, %convert_element_type3A_58, %cond3A_59 : i32
      scf.if %cond3A_60 {
        %add3A_73 = arith.constant 1 : i32
        %add3A_74 = arith.addi %add3A_48, %add3A_73 : i32
        %mul3A_75 = arith.constant 200 : i32
        %mul3A_76 = arith.muli %add3A_74, %mul3A_75 : i32
        %dma_start3A_77 = tpu.memref_slice %arg7[%mul3A_76] : memref<10000xi32, #tpu.memory_space<vmem>> -> memref<200xi32, #tpu.memory_space<vmem>>
        %dma_start3A_78 = arith.constant 0 : i32
        %dma_start3A_79 = arith.constant 0 : i32
        %dma_start3A_80 = tpu.memref_slice %arg2[%dma_start3A_78, %dma_start3A_79] : memref<10000x16xf32, #tpu.memory_space<hbm>> -> memref<10000x16xf32, #tpu.memory_space<hbm>>
        tpu.enqueue_indirect_dma source(%dma_start3A_80 : memref<10000x16xf32, #tpu.memory_space<hbm>>) target(%arg9 : memref<200x16xf32, #tpu.memory_space<vmem>>) offsets(%dma_start3A_77 : memref<200xi32, #tpu.memory_space<vmem>>) semaphore(%arg12 : memref<!tpu.dma_semaphore, #tpu.memory_space<semaphore_mem>>)
      } else {
      }
      %mul3A_61 = arith.constant 200 : i32
      %mul3A_62 = arith.muli %add3A_48, %mul3A_61 : i32
      %dma_wait3A_63 = tpu.memref_slice %arg7[%mul3A_62] : memref<10000xi32, #tpu.memory_space<vmem>> -> memref<200xi32, #tpu.memory_space<vmem>>
      %dma_wait3A_64 = arith.constant 0 : i32
      %dma_wait3A_65 = arith.constant 0 : i32
      %dma_wait3A_66 = tpu.memref_slice %arg2[%dma_wait3A_64, %dma_wait3A_65] : memref<10000x16xf32, #tpu.memory_space<hbm>> -> memref<10000x16xf32, #tpu.memory_space<hbm>>
      tpu.wait_indirect_dma semaphore(%arg13 : memref<!tpu.dma_semaphore, #tpu.memory_space<semaphore_mem>>) src(%dma_wait3A_66 : memref<10000x16xf32, #tpu.memory_space<hbm>>) dst(%arg10 : memref<200x16xf32, #tpu.memory_space<vmem>>)
      %mul3A_67 = arith.constant 200 : i32
      %mul3A_68 = arith.muli %add3A_48, %mul3A_67 : i32
      %dma_start3A_69 = tpu.memref_slice %arg8[%mul3A_68] : memref<10000xi32, #tpu.memory_space<vmem>> -> memref<200xi32, #tpu.memory_space<vmem>>
      %dma_start3A_70 = arith.constant 0 : i32
      %dma_start3A_71 = arith.constant 0 : i32
      %dma_start3A_72 = tpu.memref_slice %arg11[%dma_start3A_70, %dma_start3A_71] : memref<10240x16xf32, #tpu.memory_space<vmem_shared>> -> memref<10240x16xf32, #tpu.memory_space<vmem_shared>>
      tpu.enqueue_indirect_dma source(%arg10 : memref<200x16xf32, #tpu.memory_space<vmem>>) target(%dma_start3A_72 : memref<10240x16xf32, #tpu.memory_space<vmem_shared>>) offsets(%dma_start3A_69 : memref<200xi32, #tpu.memory_space<vmem>>) semaphore(%arg15 : memref<!tpu.dma_semaphore, #tpu.memory_space<semaphore_mem>>) {add = true}
    }
    %scan3A_14 = arith.constant 25 : i32
    %dma_wait3A = arith.constant 9800 : i32
    %dma_wait3A_15 = tpu.memref_slice %arg8[%dma_wait3A] : memref<10000xi32, #tpu.memory_space<vmem>> -> memref<200xi32, #tpu.memory_space<vmem>>
    %dma_wait3A_16 = arith.constant 0 : i32
    %dma_wait3A_17 = arith.constant 0 : i32
    %dma_wait3A_18 = tpu.memref_slice %arg11[%dma_wait3A_16, %dma_wait3A_17] : memref<10240x16xf32, #tpu.memory_space<vmem_shared>> -> memref<10240x16xf32, #tpu.memory_space<vmem_shared>>
    tpu.wait_indirect_dma semaphore(%arg15 : memref<!tpu.dma_semaphore, #tpu.memory_space<semaphore_mem>>) src(%arg10 : memref<200x16xf32, #tpu.memory_space<vmem>>) dst(%dma_wait3A_18 : memref<10240x16xf32, #tpu.memory_space<vmem_shared>>)
    %barrier3A_19 = arith.constant 0 : index
    tpu.barrier barrier_id(%barrier3A_19)
    "tpu.region"() ({
      %run_scoped3A = tpu.sem_alloc : memref<!tpu.dma_semaphore, #tpu.memory_space<semaphore_mem>>
      %dma_start3A_20 = arith.constant 0 : i32
      %dma_start3A_21 = tpu.memref_slice %arg6[%arg0, %mul3A_6, %dma_start3A_20] : memref<2x10240x16xf32, #tpu.memory_space<hbm>> -> memref<1x640x16xf32, #tpu.memory_space<hbm>>
      %dma_start3A_22 = tpu.memref_squeeze %dma_start3A_21 : memref<1x640x16xf32, #tpu.memory_space<hbm>> -> memref<640x16xf32, #tpu.memory_space<hbm>>
      %dma_start3A_23 = arith.constant 0 : i32
      %dma_start3A_24 = tpu.memref_slice %arg11[%mul3A_6, %dma_start3A_23] : memref<10240x16xf32, #tpu.memory_space<vmem_shared>> -> memref<640x16xf32, #tpu.memory_space<vmem_shared>>
      tpu.enqueue_dma source(%dma_start3A_24 : memref<640x16xf32, #tpu.memory_space<vmem_shared>>) target(%dma_start3A_22 : memref<640x16xf32, #tpu.memory_space<hbm>>) target_semaphore(%run_scoped3A : memref<!tpu.dma_semaphore, #tpu.memory_space<semaphore_mem>>)
      %dma_wait3A_25 = arith.constant 0 : i32
      %dma_wait3A_26 = tpu.memref_slice %arg6[%arg0, %mul3A_6, %dma_wait3A_25] : memref<2x10240x16xf32, #tpu.memory_space<hbm>> -> memref<1x640x16xf32, #tpu.memory_space<hbm>>
      %dma_wait3A_27 = tpu.memref_squeeze %dma_wait3A_26 : memref<1x640x16xf32, #tpu.memory_space<hbm>> -> memref<640x16xf32, #tpu.memory_space<hbm>>
      %dma_wait3A_28 = arith.constant 0 : i32
      %dma_wait3A_29 = tpu.memref_slice %arg11[%mul3A_6, %dma_wait3A_28] : memref<10240x16xf32, #tpu.memory_space<vmem_shared>> -> memref<640x16xf32, #tpu.memory_space<vmem_shared>>
      tpu.wait_dma2 semaphore(%run_scoped3A : memref<!tpu.dma_semaphore, #tpu.memory_space<semaphore_mem>>) src(%dma_wait3A_29 : memref<640x16xf32, #tpu.memory_space<vmem_shared>>) dst(%dma_wait3A_27 : memref<640x16xf32, #tpu.memory_space<hbm>>)
      tpu.yield
    }) : () -> ()
    return
  }
}

#map = affine_map<(d0, d1) -> (0, 0)>
#map1 = affine_map<(d0, d1) -> (0)>
#map2 = affine_map<(d0, d1) -> (0, 0, 0)>
module attributes {stable_mosaic.version = 14 : i64} {
  func.func @agg_kernel(%arg0: i32, %arg1: i32, %arg2: memref<10000x64xf32, #tpu.memory_space<hbm>>, %arg3: memref<320000xi32, #tpu.memory_space<hbm>>, %arg4: memref<320000xi32, #tpu.memory_space<hbm>>, %arg5: memref<640x64xf32, #tpu.memory_space<hbm>>, %arg6: memref<2x10240x64xf32, #tpu.memory_space<hbm>>, %arg7: memref<10000xi32, #tpu.memory_space<vmem>>, %arg8: memref<10000xi32, #tpu.memory_space<vmem>>, %arg9: memref<200x64xf32, #tpu.memory_space<vmem>>, %arg10: memref<200x64xf32, #tpu.memory_space<vmem>>, %arg11: memref<10240x64xf32, #tpu.memory_space<vmem_shared>>, %arg12: memref<!tpu.dma_semaphore, #tpu.memory_space<semaphore_mem>>, %arg13: memref<!tpu.dma_semaphore, #tpu.memory_space<semaphore_mem>>, %arg14: memref<!tpu.dma_semaphore, #tpu.memory_space<semaphore_mem>>, %arg15: memref<!tpu.dma_semaphore, #tpu.memory_space<semaphore_mem>>) attributes {dimension_semantics = [#tpu.dimension_semantics<core_parallel>, #tpu.dimension_semantics<subcore_parallel>], iteration_bounds = array<i64: 2, 16>, scalar_prefetch = 0 : i64, scratch_operands = 9 : i64, tpu.core_type = #tpu.core_type<sc_vector_subcore>, window_params = [{transform_indices = #map}, {transform_indices = #map1}, {transform_indices = #map1}, {transform_indices = #map}, {transform_indices = #map2}]} {
    %mul3A = arith.constant 16 : i32
    %mul3A_0 = arith.muli %arg0, %mul3A : i32
    %add3A = arith.addi %mul3A_0, %arg1 : i32
    %mul3A_1 = arith.constant 10000 : i32
    %mul3A_2 = arith.muli %add3A, %mul3A_1 : i32
    "tpu.region"() ({
      %run_scoped3A = tpu.sem_alloc : memref<!tpu.dma_semaphore, #tpu.memory_space<semaphore_mem>>
      %dma_start3A_20 = tpu.memref_slice %arg3[%mul3A_2] : memref<320000xi32, #tpu.memory_space<hbm>> -> memref<10000xi32, #tpu.memory_space<hbm>>
      %dma_start3A_21 = tpu.memref_slice %arg3[%mul3A_2] : memref<320000xi32, #tpu.memory_space<hbm>> -> memref<10000xi32, #tpu.memory_space<hbm>>
      tpu.enqueue_dma source(%dma_start3A_21 : memref<10000xi32, #tpu.memory_space<hbm>>) target(%arg7 : memref<10000xi32, #tpu.memory_space<vmem>>) target_semaphore(%run_scoped3A : memref<!tpu.dma_semaphore, #tpu.memory_space<semaphore_mem>>)
      %dma_wait3A_22 = tpu.memref_slice %arg3[%mul3A_2] : memref<320000xi32, #tpu.memory_space<hbm>> -> memref<10000xi32, #tpu.memory_space<hbm>>
      %dma_wait3A_23 = tpu.memref_slice %arg3[%mul3A_2] : memref<320000xi32, #tpu.memory_space<hbm>> -> memref<10000xi32, #tpu.memory_space<hbm>>
      tpu.wait_dma2 semaphore(%run_scoped3A : memref<!tpu.dma_semaphore, #tpu.memory_space<semaphore_mem>>) src(%dma_wait3A_23 : memref<10000xi32, #tpu.memory_space<hbm>>) dst(%arg7 : memref<10000xi32, #tpu.memory_space<vmem>>)
      tpu.yield
    }) : () -> ()
    %mul3A_3 = arith.constant 10000 : i32
    %mul3A_4 = arith.muli %add3A, %mul3A_3 : i32
    "tpu.region"() ({
      %run_scoped3A = tpu.sem_alloc : memref<!tpu.dma_semaphore, #tpu.memory_space<semaphore_mem>>
      %dma_start3A_20 = tpu.memref_slice %arg4[%mul3A_4] : memref<320000xi32, #tpu.memory_space<hbm>> -> memref<10000xi32, #tpu.memory_space<hbm>>
      %dma_start3A_21 = tpu.memref_slice %arg4[%mul3A_4] : memref<320000xi32, #tpu.memory_space<hbm>> -> memref<10000xi32, #tpu.memory_space<hbm>>
      tpu.enqueue_dma source(%dma_start3A_21 : memref<10000xi32, #tpu.memory_space<hbm>>) target(%arg8 : memref<10000xi32, #tpu.memory_space<vmem>>) target_semaphore(%run_scoped3A : memref<!tpu.dma_semaphore, #tpu.memory_space<semaphore_mem>>)
      %dma_wait3A_22 = tpu.memref_slice %arg4[%mul3A_4] : memref<320000xi32, #tpu.memory_space<hbm>> -> memref<10000xi32, #tpu.memory_space<hbm>>
      %dma_wait3A_23 = tpu.memref_slice %arg4[%mul3A_4] : memref<320000xi32, #tpu.memory_space<hbm>> -> memref<10000xi32, #tpu.memory_space<hbm>>
      tpu.wait_dma2 semaphore(%run_scoped3A : memref<!tpu.dma_semaphore, #tpu.memory_space<semaphore_mem>>) src(%dma_wait3A_23 : memref<10000xi32, #tpu.memory_space<hbm>>) dst(%arg8 : memref<10000xi32, #tpu.memory_space<vmem>>)
      tpu.yield
    }) : () -> ()
    %mul3A_5 = arith.constant 640 : i32
    %mul3A_6 = arith.muli %arg1, %mul3A_5 : i32
    "tpu.region"() ({
      %run_scoped3A = tpu.sem_alloc : memref<!tpu.dma_semaphore, #tpu.memory_space<semaphore_mem>>
      %dma_start3A_20 = arith.constant 0 : i32
      %dma_start3A_21 = tpu.memref_slice %arg11[%mul3A_6, %dma_start3A_20] : memref<10240x64xf32, #tpu.memory_space<vmem_shared>> -> memref<640x64xf32, #tpu.memory_space<vmem_shared>>
      tpu.enqueue_dma source(%arg5 : memref<640x64xf32, #tpu.memory_space<hbm>>) target(%dma_start3A_21 : memref<640x64xf32, #tpu.memory_space<vmem_shared>>) target_semaphore(%run_scoped3A : memref<!tpu.dma_semaphore, #tpu.memory_space<semaphore_mem>>)
      %dma_wait3A_22 = arith.constant 0 : i32
      %dma_wait3A_23 = tpu.memref_slice %arg11[%mul3A_6, %dma_wait3A_22] : memref<10240x64xf32, #tpu.memory_space<vmem_shared>> -> memref<640x64xf32, #tpu.memory_space<vmem_shared>>
      tpu.wait_dma2 semaphore(%run_scoped3A : memref<!tpu.dma_semaphore, #tpu.memory_space<semaphore_mem>>) src(%arg5 : memref<640x64xf32, #tpu.memory_space<hbm>>) dst(%dma_wait3A_23 : memref<640x64xf32, #tpu.memory_space<vmem_shared>>)
      tpu.yield
    }) : () -> ()
    %barrier3A = arith.constant 0 : index
    tpu.barrier barrier_id(%barrier3A)
    %dma_start3A = arith.constant 0 : i32
    %dma_start3A_7 = tpu.memref_slice %arg7[%dma_start3A] : memref<10000xi32, #tpu.memory_space<vmem>> -> memref<200xi32, #tpu.memory_space<vmem>>
    %dma_start3A_8 = arith.constant 0 : i32
    %dma_start3A_9 = arith.constant 0 : i32
    %dma_start3A_10 = tpu.memref_slice %arg2[%dma_start3A_8, %dma_start3A_9] : memref<10000x64xf32, #tpu.memory_space<hbm>> -> memref<10000x64xf32, #tpu.memory_space<hbm>>
    tpu.enqueue_indirect_dma source(%dma_start3A_10 : memref<10000x64xf32, #tpu.memory_space<hbm>>) target(%arg9 : memref<200x64xf32, #tpu.memory_space<vmem>>) offsets(%dma_start3A_7 : memref<200xi32, #tpu.memory_space<vmem>>) semaphore(%arg12 : memref<!tpu.dma_semaphore, #tpu.memory_space<semaphore_mem>>)
    %scan3A = arith.constant 0 : i32
    %scan3A_11 = arith.constant 25 : i32
    %scan3A_12 = arith.addi %scan3A, %scan3A_11 : i32
    %scan3A_13 = arith.constant 1 : i32
    scf.for %scan3A_20 = %scan3A to %scan3A_12 step %scan3A_13  : i32 {
      %mul3A_21 = arith.constant 2 : i32
      %mul3A_22 = arith.muli %scan3A_20, %mul3A_21 : i32
      %add3A_23 = arith.constant 0 : i32
      %add3A_24 = arith.addi %add3A_23, %mul3A_22 : i32
      %add3A_25 = arith.constant 0 : i32
      %add3A_26 = arith.addi %add3A_24, %add3A_25 : i32
      %ge3A = arith.constant 1 : i32
      %ge3A_27 = arith.cmpi sge, %add3A_26, %ge3A : i32
      %convert_element_type3A = arith.extui %ge3A_27 : i1 to i32
      %cond3A = arith.constant 0 : i32
      %cond3A_28 = arith.cmpi ne, %convert_element_type3A, %cond3A : i32
      scf.if %cond3A_28 {
        %sub3A = arith.constant 1 : i32
        %sub3A_73 = arith.subi %add3A_26, %sub3A : i32
        %mul3A_74 = arith.constant 200 : i32
        %mul3A_75 = arith.muli %sub3A_73, %mul3A_74 : i32
        %dma_wait3A_76 = tpu.memref_slice %arg8[%mul3A_75] : memref<10000xi32, #tpu.memory_space<vmem>> -> memref<200xi32, #tpu.memory_space<vmem>>
        %dma_wait3A_77 = arith.constant 0 : i32
        %dma_wait3A_78 = arith.constant 0 : i32
        %dma_wait3A_79 = tpu.memref_slice %arg11[%dma_wait3A_77, %dma_wait3A_78] : memref<10240x64xf32, #tpu.memory_space<vmem_shared>> -> memref<10240x64xf32, #tpu.memory_space<vmem_shared>>
        tpu.wait_indirect_dma semaphore(%arg15 : memref<!tpu.dma_semaphore, #tpu.memory_space<semaphore_mem>>) src(%arg10 : memref<200x64xf32, #tpu.memory_space<vmem>>) dst(%dma_wait3A_79 : memref<10240x64xf32, #tpu.memory_space<vmem_shared>>)
      } else {
      }
      %add3A_29 = arith.constant 1 : i32
      %add3A_30 = arith.addi %add3A_26, %add3A_29 : i32
      %lt3A = arith.constant 50 : i32
      %lt3A_31 = arith.cmpi slt, %add3A_30, %lt3A : i32
      %convert_element_type3A_32 = arith.extui %lt3A_31 : i1 to i32
      %cond3A_33 = arith.constant 0 : i32
      %cond3A_34 = arith.cmpi ne, %convert_element_type3A_32, %cond3A_33 : i32
      scf.if %cond3A_34 {
        %add3A_73 = arith.constant 1 : i32
        %add3A_74 = arith.addi %add3A_26, %add3A_73 : i32
        %mul3A_75 = arith.constant 200 : i32
        %mul3A_76 = arith.muli %add3A_74, %mul3A_75 : i32
        %dma_start3A_77 = tpu.memref_slice %arg7[%mul3A_76] : memref<10000xi32, #tpu.memory_space<vmem>> -> memref<200xi32, #tpu.memory_space<vmem>>
        %dma_start3A_78 = arith.constant 0 : i32
        %dma_start3A_79 = arith.constant 0 : i32
        %dma_start3A_80 = tpu.memref_slice %arg2[%dma_start3A_78, %dma_start3A_79] : memref<10000x64xf32, #tpu.memory_space<hbm>> -> memref<10000x64xf32, #tpu.memory_space<hbm>>
        tpu.enqueue_indirect_dma source(%dma_start3A_80 : memref<10000x64xf32, #tpu.memory_space<hbm>>) target(%arg10 : memref<200x64xf32, #tpu.memory_space<vmem>>) offsets(%dma_start3A_77 : memref<200xi32, #tpu.memory_space<vmem>>) semaphore(%arg13 : memref<!tpu.dma_semaphore, #tpu.memory_space<semaphore_mem>>)
      } else {
      }
      %mul3A_35 = arith.constant 200 : i32
      %mul3A_36 = arith.muli %add3A_26, %mul3A_35 : i32
      %dma_wait3A_37 = tpu.memref_slice %arg7[%mul3A_36] : memref<10000xi32, #tpu.memory_space<vmem>> -> memref<200xi32, #tpu.memory_space<vmem>>
      %dma_wait3A_38 = arith.constant 0 : i32
      %dma_wait3A_39 = arith.constant 0 : i32
      %dma_wait3A_40 = tpu.memref_slice %arg2[%dma_wait3A_38, %dma_wait3A_39] : memref<10000x64xf32, #tpu.memory_space<hbm>> -> memref<10000x64xf32, #tpu.memory_space<hbm>>
      tpu.wait_indirect_dma semaphore(%arg12 : memref<!tpu.dma_semaphore, #tpu.memory_space<semaphore_mem>>) src(%dma_wait3A_40 : memref<10000x64xf32, #tpu.memory_space<hbm>>) dst(%arg9 : memref<200x64xf32, #tpu.memory_space<vmem>>)
      %mul3A_41 = arith.constant 200 : i32
      %mul3A_42 = arith.muli %add3A_26, %mul3A_41 : i32
      %dma_start3A_43 = tpu.memref_slice %arg8[%mul3A_42] : memref<10000xi32, #tpu.memory_space<vmem>> -> memref<200xi32, #tpu.memory_space<vmem>>
      %dma_start3A_44 = arith.constant 0 : i32
      %dma_start3A_45 = arith.constant 0 : i32
      %dma_start3A_46 = tpu.memref_slice %arg11[%dma_start3A_44, %dma_start3A_45] : memref<10240x64xf32, #tpu.memory_space<vmem_shared>> -> memref<10240x64xf32, #tpu.memory_space<vmem_shared>>
      tpu.enqueue_indirect_dma source(%arg9 : memref<200x64xf32, #tpu.memory_space<vmem>>) target(%dma_start3A_46 : memref<10240x64xf32, #tpu.memory_space<vmem_shared>>) offsets(%dma_start3A_43 : memref<200xi32, #tpu.memory_space<vmem>>) semaphore(%arg14 : memref<!tpu.dma_semaphore, #tpu.memory_space<semaphore_mem>>) {add = true}
      %add3A_47 = arith.constant 1 : i32
      %add3A_48 = arith.addi %add3A_24, %add3A_47 : i32
      %ge3A_49 = arith.constant 1 : i32
      %ge3A_50 = arith.cmpi sge, %add3A_48, %ge3A_49 : i32
      %convert_element_type3A_51 = arith.extui %ge3A_50 : i1 to i32
      %cond3A_52 = arith.constant 0 : i32
      %cond3A_53 = arith.cmpi ne, %convert_element_type3A_51, %cond3A_52 : i32
      scf.if %cond3A_53 {
        %sub3A = arith.constant 1 : i32
        %sub3A_73 = arith.subi %add3A_48, %sub3A : i32
        %mul3A_74 = arith.constant 200 : i32
        %mul3A_75 = arith.muli %sub3A_73, %mul3A_74 : i32
        %dma_wait3A_76 = tpu.memref_slice %arg8[%mul3A_75] : memref<10000xi32, #tpu.memory_space<vmem>> -> memref<200xi32, #tpu.memory_space<vmem>>
        %dma_wait3A_77 = arith.constant 0 : i32
        %dma_wait3A_78 = arith.constant 0 : i32
        %dma_wait3A_79 = tpu.memref_slice %arg11[%dma_wait3A_77, %dma_wait3A_78] : memref<10240x64xf32, #tpu.memory_space<vmem_shared>> -> memref<10240x64xf32, #tpu.memory_space<vmem_shared>>
        tpu.wait_indirect_dma semaphore(%arg14 : memref<!tpu.dma_semaphore, #tpu.memory_space<semaphore_mem>>) src(%arg9 : memref<200x64xf32, #tpu.memory_space<vmem>>) dst(%dma_wait3A_79 : memref<10240x64xf32, #tpu.memory_space<vmem_shared>>)
      } else {
      }
      %add3A_54 = arith.constant 1 : i32
      %add3A_55 = arith.addi %add3A_48, %add3A_54 : i32
      %lt3A_56 = arith.constant 50 : i32
      %lt3A_57 = arith.cmpi slt, %add3A_55, %lt3A_56 : i32
      %convert_element_type3A_58 = arith.extui %lt3A_57 : i1 to i32
      %cond3A_59 = arith.constant 0 : i32
      %cond3A_60 = arith.cmpi ne, %convert_element_type3A_58, %cond3A_59 : i32
      scf.if %cond3A_60 {
        %add3A_73 = arith.constant 1 : i32
        %add3A_74 = arith.addi %add3A_48, %add3A_73 : i32
        %mul3A_75 = arith.constant 200 : i32
        %mul3A_76 = arith.muli %add3A_74, %mul3A_75 : i32
        %dma_start3A_77 = tpu.memref_slice %arg7[%mul3A_76] : memref<10000xi32, #tpu.memory_space<vmem>> -> memref<200xi32, #tpu.memory_space<vmem>>
        %dma_start3A_78 = arith.constant 0 : i32
        %dma_start3A_79 = arith.constant 0 : i32
        %dma_start3A_80 = tpu.memref_slice %arg2[%dma_start3A_78, %dma_start3A_79] : memref<10000x64xf32, #tpu.memory_space<hbm>> -> memref<10000x64xf32, #tpu.memory_space<hbm>>
        tpu.enqueue_indirect_dma source(%dma_start3A_80 : memref<10000x64xf32, #tpu.memory_space<hbm>>) target(%arg9 : memref<200x64xf32, #tpu.memory_space<vmem>>) offsets(%dma_start3A_77 : memref<200xi32, #tpu.memory_space<vmem>>) semaphore(%arg12 : memref<!tpu.dma_semaphore, #tpu.memory_space<semaphore_mem>>)
      } else {
      }
      %mul3A_61 = arith.constant 200 : i32
      %mul3A_62 = arith.muli %add3A_48, %mul3A_61 : i32
      %dma_wait3A_63 = tpu.memref_slice %arg7[%mul3A_62] : memref<10000xi32, #tpu.memory_space<vmem>> -> memref<200xi32, #tpu.memory_space<vmem>>
      %dma_wait3A_64 = arith.constant 0 : i32
      %dma_wait3A_65 = arith.constant 0 : i32
      %dma_wait3A_66 = tpu.memref_slice %arg2[%dma_wait3A_64, %dma_wait3A_65] : memref<10000x64xf32, #tpu.memory_space<hbm>> -> memref<10000x64xf32, #tpu.memory_space<hbm>>
      tpu.wait_indirect_dma semaphore(%arg13 : memref<!tpu.dma_semaphore, #tpu.memory_space<semaphore_mem>>) src(%dma_wait3A_66 : memref<10000x64xf32, #tpu.memory_space<hbm>>) dst(%arg10 : memref<200x64xf32, #tpu.memory_space<vmem>>)
      %mul3A_67 = arith.constant 200 : i32
      %mul3A_68 = arith.muli %add3A_48, %mul3A_67 : i32
      %dma_start3A_69 = tpu.memref_slice %arg8[%mul3A_68] : memref<10000xi32, #tpu.memory_space<vmem>> -> memref<200xi32, #tpu.memory_space<vmem>>
      %dma_start3A_70 = arith.constant 0 : i32
      %dma_start3A_71 = arith.constant 0 : i32
      %dma_start3A_72 = tpu.memref_slice %arg11[%dma_start3A_70, %dma_start3A_71] : memref<10240x64xf32, #tpu.memory_space<vmem_shared>> -> memref<10240x64xf32, #tpu.memory_space<vmem_shared>>
      tpu.enqueue_indirect_dma source(%arg10 : memref<200x64xf32, #tpu.memory_space<vmem>>) target(%dma_start3A_72 : memref<10240x64xf32, #tpu.memory_space<vmem_shared>>) offsets(%dma_start3A_69 : memref<200xi32, #tpu.memory_space<vmem>>) semaphore(%arg15 : memref<!tpu.dma_semaphore, #tpu.memory_space<semaphore_mem>>) {add = true}
    }
    %scan3A_14 = arith.constant 25 : i32
    %dma_wait3A = arith.constant 9800 : i32
    %dma_wait3A_15 = tpu.memref_slice %arg8[%dma_wait3A] : memref<10000xi32, #tpu.memory_space<vmem>> -> memref<200xi32, #tpu.memory_space<vmem>>
    %dma_wait3A_16 = arith.constant 0 : i32
    %dma_wait3A_17 = arith.constant 0 : i32
    %dma_wait3A_18 = tpu.memref_slice %arg11[%dma_wait3A_16, %dma_wait3A_17] : memref<10240x64xf32, #tpu.memory_space<vmem_shared>> -> memref<10240x64xf32, #tpu.memory_space<vmem_shared>>
    tpu.wait_indirect_dma semaphore(%arg15 : memref<!tpu.dma_semaphore, #tpu.memory_space<semaphore_mem>>) src(%arg10 : memref<200x64xf32, #tpu.memory_space<vmem>>) dst(%dma_wait3A_18 : memref<10240x64xf32, #tpu.memory_space<vmem_shared>>)
    %barrier3A_19 = arith.constant 0 : index
    tpu.barrier barrier_id(%barrier3A_19)
    "tpu.region"() ({
      %run_scoped3A = tpu.sem_alloc : memref<!tpu.dma_semaphore, #tpu.memory_space<semaphore_mem>>
      %dma_start3A_20 = arith.constant 0 : i32
      %dma_start3A_21 = tpu.memref_slice %arg6[%arg0, %mul3A_6, %dma_start3A_20] : memref<2x10240x64xf32, #tpu.memory_space<hbm>> -> memref<1x640x64xf32, #tpu.memory_space<hbm>>
      %dma_start3A_22 = tpu.memref_squeeze %dma_start3A_21 : memref<1x640x64xf32, #tpu.memory_space<hbm>> -> memref<640x64xf32, #tpu.memory_space<hbm>>
      %dma_start3A_23 = arith.constant 0 : i32
      %dma_start3A_24 = tpu.memref_slice %arg11[%mul3A_6, %dma_start3A_23] : memref<10240x64xf32, #tpu.memory_space<vmem_shared>> -> memref<640x64xf32, #tpu.memory_space<vmem_shared>>
      tpu.enqueue_dma source(%dma_start3A_24 : memref<640x64xf32, #tpu.memory_space<vmem_shared>>) target(%dma_start3A_22 : memref<640x64xf32, #tpu.memory_space<hbm>>) target_semaphore(%run_scoped3A : memref<!tpu.dma_semaphore, #tpu.memory_space<semaphore_mem>>)
      %dma_wait3A_25 = arith.constant 0 : i32
      %dma_wait3A_26 = tpu.memref_slice %arg6[%arg0, %mul3A_6, %dma_wait3A_25] : memref<2x10240x64xf32, #tpu.memory_space<hbm>> -> memref<1x640x64xf32, #tpu.memory_space<hbm>>
      %dma_wait3A_27 = tpu.memref_squeeze %dma_wait3A_26 : memref<1x640x64xf32, #tpu.memory_space<hbm>> -> memref<640x64xf32, #tpu.memory_space<hbm>>
      %dma_wait3A_28 = arith.constant 0 : i32
      %dma_wait3A_29 = tpu.memref_slice %arg11[%mul3A_6, %dma_wait3A_28] : memref<10240x64xf32, #tpu.memory_space<vmem_shared>> -> memref<640x64xf32, #tpu.memory_space<vmem_shared>>
      tpu.wait_dma2 semaphore(%run_scoped3A : memref<!tpu.dma_semaphore, #tpu.memory_space<semaphore_mem>>) src(%dma_wait3A_29 : memref<640x64xf32, #tpu.memory_space<vmem_shared>>) dst(%dma_wait3A_27 : memref<640x64xf32, #tpu.memory_space<hbm>>)
      tpu.yield
    }) : () -> ()
    return
  }
}

#map = affine_map<(d0, d1) -> (0, 0)>
#map1 = affine_map<(d0, d1) -> (0)>
#map2 = affine_map<(d0, d1) -> (0, 0, 0)>
module attributes {stable_mosaic.version = 14 : i64} {
  func.func @agg_kernel(%arg0: i32, %arg1: i32, %arg2: memref<10000x16xf32, #tpu.memory_space<hbm>>, %arg3: memref<320000xi32, #tpu.memory_space<hbm>>, %arg4: memref<320000xi32, #tpu.memory_space<hbm>>, %arg5: memref<640x16xf32, #tpu.memory_space<hbm>>, %arg6: memref<2x10240x16xf32, #tpu.memory_space<hbm>>, %arg7: memref<10000xi32, #tpu.memory_space<vmem>>, %arg8: memref<10000xi32, #tpu.memory_space<vmem>>, %arg9: memref<200x16xf32, #tpu.memory_space<vmem>>, %arg10: memref<200x16xf32, #tpu.memory_space<vmem>>, %arg11: memref<10240x16xf32, #tpu.memory_space<vmem_shared>>, %arg12: memref<!tpu.dma_semaphore, #tpu.memory_space<semaphore_mem>>, %arg13: memref<!tpu.dma_semaphore, #tpu.memory_space<semaphore_mem>>, %arg14: memref<!tpu.dma_semaphore, #tpu.memory_space<semaphore_mem>>, %arg15: memref<!tpu.dma_semaphore, #tpu.memory_space<semaphore_mem>>) attributes {dimension_semantics = [#tpu.dimension_semantics<core_parallel>, #tpu.dimension_semantics<subcore_parallel>], iteration_bounds = array<i64: 2, 16>, scalar_prefetch = 0 : i64, scratch_operands = 9 : i64, tpu.core_type = #tpu.core_type<sc_vector_subcore>, window_params = [{transform_indices = #map}, {transform_indices = #map1}, {transform_indices = #map1}, {transform_indices = #map}, {transform_indices = #map2}]} {
    %mul3A = arith.constant 16 : i32
    %mul3A_0 = arith.muli %arg0, %mul3A : i32
    %add3A = arith.addi %mul3A_0, %arg1 : i32
    %mul3A_1 = arith.constant 10000 : i32
    %mul3A_2 = arith.muli %add3A, %mul3A_1 : i32
    "tpu.region"() ({
      %run_scoped3A = tpu.sem_alloc : memref<!tpu.dma_semaphore, #tpu.memory_space<semaphore_mem>>
      %dma_start3A_20 = tpu.memref_slice %arg3[%mul3A_2] : memref<320000xi32, #tpu.memory_space<hbm>> -> memref<10000xi32, #tpu.memory_space<hbm>>
      %dma_start3A_21 = tpu.memref_slice %arg3[%mul3A_2] : memref<320000xi32, #tpu.memory_space<hbm>> -> memref<10000xi32, #tpu.memory_space<hbm>>
      tpu.enqueue_dma source(%dma_start3A_21 : memref<10000xi32, #tpu.memory_space<hbm>>) target(%arg7 : memref<10000xi32, #tpu.memory_space<vmem>>) target_semaphore(%run_scoped3A : memref<!tpu.dma_semaphore, #tpu.memory_space<semaphore_mem>>)
      %dma_wait3A_22 = tpu.memref_slice %arg3[%mul3A_2] : memref<320000xi32, #tpu.memory_space<hbm>> -> memref<10000xi32, #tpu.memory_space<hbm>>
      %dma_wait3A_23 = tpu.memref_slice %arg3[%mul3A_2] : memref<320000xi32, #tpu.memory_space<hbm>> -> memref<10000xi32, #tpu.memory_space<hbm>>
      tpu.wait_dma2 semaphore(%run_scoped3A : memref<!tpu.dma_semaphore, #tpu.memory_space<semaphore_mem>>) src(%dma_wait3A_23 : memref<10000xi32, #tpu.memory_space<hbm>>) dst(%arg7 : memref<10000xi32, #tpu.memory_space<vmem>>)
      tpu.yield
    }) : () -> ()
    %mul3A_3 = arith.constant 10000 : i32
    %mul3A_4 = arith.muli %add3A, %mul3A_3 : i32
    "tpu.region"() ({
      %run_scoped3A = tpu.sem_alloc : memref<!tpu.dma_semaphore, #tpu.memory_space<semaphore_mem>>
      %dma_start3A_20 = tpu.memref_slice %arg4[%mul3A_4] : memref<320000xi32, #tpu.memory_space<hbm>> -> memref<10000xi32, #tpu.memory_space<hbm>>
      %dma_start3A_21 = tpu.memref_slice %arg4[%mul3A_4] : memref<320000xi32, #tpu.memory_space<hbm>> -> memref<10000xi32, #tpu.memory_space<hbm>>
      tpu.enqueue_dma source(%dma_start3A_21 : memref<10000xi32, #tpu.memory_space<hbm>>) target(%arg8 : memref<10000xi32, #tpu.memory_space<vmem>>) target_semaphore(%run_scoped3A : memref<!tpu.dma_semaphore, #tpu.memory_space<semaphore_mem>>)
      %dma_wait3A_22 = tpu.memref_slice %arg4[%mul3A_4] : memref<320000xi32, #tpu.memory_space<hbm>> -> memref<10000xi32, #tpu.memory_space<hbm>>
      %dma_wait3A_23 = tpu.memref_slice %arg4[%mul3A_4] : memref<320000xi32, #tpu.memory_space<hbm>> -> memref<10000xi32, #tpu.memory_space<hbm>>
      tpu.wait_dma2 semaphore(%run_scoped3A : memref<!tpu.dma_semaphore, #tpu.memory_space<semaphore_mem>>) src(%dma_wait3A_23 : memref<10000xi32, #tpu.memory_space<hbm>>) dst(%arg8 : memref<10000xi32, #tpu.memory_space<vmem>>)
      tpu.yield
    }) : () -> ()
    %mul3A_5 = arith.constant 640 : i32
    %mul3A_6 = arith.muli %arg1, %mul3A_5 : i32
    "tpu.region"() ({
      %run_scoped3A = tpu.sem_alloc : memref<!tpu.dma_semaphore, #tpu.memory_space<semaphore_mem>>
      %dma_start3A_20 = arith.constant 0 : i32
      %dma_start3A_21 = tpu.memref_slice %arg11[%mul3A_6, %dma_start3A_20] : memref<10240x16xf32, #tpu.memory_space<vmem_shared>> -> memref<640x16xf32, #tpu.memory_space<vmem_shared>>
      tpu.enqueue_dma source(%arg5 : memref<640x16xf32, #tpu.memory_space<hbm>>) target(%dma_start3A_21 : memref<640x16xf32, #tpu.memory_space<vmem_shared>>) target_semaphore(%run_scoped3A : memref<!tpu.dma_semaphore, #tpu.memory_space<semaphore_mem>>)
      %dma_wait3A_22 = arith.constant 0 : i32
      %dma_wait3A_23 = tpu.memref_slice %arg11[%mul3A_6, %dma_wait3A_22] : memref<10240x16xf32, #tpu.memory_space<vmem_shared>> -> memref<640x16xf32, #tpu.memory_space<vmem_shared>>
      tpu.wait_dma2 semaphore(%run_scoped3A : memref<!tpu.dma_semaphore, #tpu.memory_space<semaphore_mem>>) src(%arg5 : memref<640x16xf32, #tpu.memory_space<hbm>>) dst(%dma_wait3A_23 : memref<640x16xf32, #tpu.memory_space<vmem_shared>>)
      tpu.yield
    }) : () -> ()
    %barrier3A = arith.constant 0 : index
    tpu.barrier barrier_id(%barrier3A)
    %dma_start3A = arith.constant 0 : i32
    %dma_start3A_7 = tpu.memref_slice %arg7[%dma_start3A] : memref<10000xi32, #tpu.memory_space<vmem>> -> memref<200xi32, #tpu.memory_space<vmem>>
    %dma_start3A_8 = arith.constant 0 : i32
    %dma_start3A_9 = arith.constant 0 : i32
    %dma_start3A_10 = tpu.memref_slice %arg2[%dma_start3A_8, %dma_start3A_9] : memref<10000x16xf32, #tpu.memory_space<hbm>> -> memref<10000x16xf32, #tpu.memory_space<hbm>>
    tpu.enqueue_indirect_dma source(%dma_start3A_10 : memref<10000x16xf32, #tpu.memory_space<hbm>>) target(%arg9 : memref<200x16xf32, #tpu.memory_space<vmem>>) offsets(%dma_start3A_7 : memref<200xi32, #tpu.memory_space<vmem>>) semaphore(%arg12 : memref<!tpu.dma_semaphore, #tpu.memory_space<semaphore_mem>>)
    %scan3A = arith.constant 0 : i32
    %scan3A_11 = arith.constant 25 : i32
    %scan3A_12 = arith.addi %scan3A, %scan3A_11 : i32
    %scan3A_13 = arith.constant 1 : i32
    scf.for %scan3A_20 = %scan3A to %scan3A_12 step %scan3A_13  : i32 {
      %mul3A_21 = arith.constant 2 : i32
      %mul3A_22 = arith.muli %scan3A_20, %mul3A_21 : i32
      %add3A_23 = arith.constant 0 : i32
      %add3A_24 = arith.addi %add3A_23, %mul3A_22 : i32
      %add3A_25 = arith.constant 0 : i32
      %add3A_26 = arith.addi %add3A_24, %add3A_25 : i32
      %ge3A = arith.constant 1 : i32
      %ge3A_27 = arith.cmpi sge, %add3A_26, %ge3A : i32
      %convert_element_type3A = arith.extui %ge3A_27 : i1 to i32
      %cond3A = arith.constant 0 : i32
      %cond3A_28 = arith.cmpi ne, %convert_element_type3A, %cond3A : i32
      scf.if %cond3A_28 {
        %sub3A = arith.constant 1 : i32
        %sub3A_73 = arith.subi %add3A_26, %sub3A : i32
        %mul3A_74 = arith.constant 200 : i32
        %mul3A_75 = arith.muli %sub3A_73, %mul3A_74 : i32
        %dma_wait3A_76 = tpu.memref_slice %arg8[%mul3A_75] : memref<10000xi32, #tpu.memory_space<vmem>> -> memref<200xi32, #tpu.memory_space<vmem>>
        %dma_wait3A_77 = arith.constant 0 : i32
        %dma_wait3A_78 = arith.constant 0 : i32
        %dma_wait3A_79 = tpu.memref_slice %arg11[%dma_wait3A_77, %dma_wait3A_78] : memref<10240x16xf32, #tpu.memory_space<vmem_shared>> -> memref<10240x16xf32, #tpu.memory_space<vmem_shared>>
        tpu.wait_indirect_dma semaphore(%arg15 : memref<!tpu.dma_semaphore, #tpu.memory_space<semaphore_mem>>) src(%arg10 : memref<200x16xf32, #tpu.memory_space<vmem>>) dst(%dma_wait3A_79 : memref<10240x16xf32, #tpu.memory_space<vmem_shared>>)
      } else {
      }
      %add3A_29 = arith.constant 1 : i32
      %add3A_30 = arith.addi %add3A_26, %add3A_29 : i32
      %lt3A = arith.constant 50 : i32
      %lt3A_31 = arith.cmpi slt, %add3A_30, %lt3A : i32
      %convert_element_type3A_32 = arith.extui %lt3A_31 : i1 to i32
      %cond3A_33 = arith.constant 0 : i32
      %cond3A_34 = arith.cmpi ne, %convert_element_type3A_32, %cond3A_33 : i32
      scf.if %cond3A_34 {
        %add3A_73 = arith.constant 1 : i32
        %add3A_74 = arith.addi %add3A_26, %add3A_73 : i32
        %mul3A_75 = arith.constant 200 : i32
        %mul3A_76 = arith.muli %add3A_74, %mul3A_75 : i32
        %dma_start3A_77 = tpu.memref_slice %arg7[%mul3A_76] : memref<10000xi32, #tpu.memory_space<vmem>> -> memref<200xi32, #tpu.memory_space<vmem>>
        %dma_start3A_78 = arith.constant 0 : i32
        %dma_start3A_79 = arith.constant 0 : i32
        %dma_start3A_80 = tpu.memref_slice %arg2[%dma_start3A_78, %dma_start3A_79] : memref<10000x16xf32, #tpu.memory_space<hbm>> -> memref<10000x16xf32, #tpu.memory_space<hbm>>
        tpu.enqueue_indirect_dma source(%dma_start3A_80 : memref<10000x16xf32, #tpu.memory_space<hbm>>) target(%arg10 : memref<200x16xf32, #tpu.memory_space<vmem>>) offsets(%dma_start3A_77 : memref<200xi32, #tpu.memory_space<vmem>>) semaphore(%arg13 : memref<!tpu.dma_semaphore, #tpu.memory_space<semaphore_mem>>)
      } else {
      }
      %mul3A_35 = arith.constant 200 : i32
      %mul3A_36 = arith.muli %add3A_26, %mul3A_35 : i32
      %dma_wait3A_37 = tpu.memref_slice %arg7[%mul3A_36] : memref<10000xi32, #tpu.memory_space<vmem>> -> memref<200xi32, #tpu.memory_space<vmem>>
      %dma_wait3A_38 = arith.constant 0 : i32
      %dma_wait3A_39 = arith.constant 0 : i32
      %dma_wait3A_40 = tpu.memref_slice %arg2[%dma_wait3A_38, %dma_wait3A_39] : memref<10000x16xf32, #tpu.memory_space<hbm>> -> memref<10000x16xf32, #tpu.memory_space<hbm>>
      tpu.wait_indirect_dma semaphore(%arg12 : memref<!tpu.dma_semaphore, #tpu.memory_space<semaphore_mem>>) src(%dma_wait3A_40 : memref<10000x16xf32, #tpu.memory_space<hbm>>) dst(%arg9 : memref<200x16xf32, #tpu.memory_space<vmem>>)
      %mul3A_41 = arith.constant 200 : i32
      %mul3A_42 = arith.muli %add3A_26, %mul3A_41 : i32
      %dma_start3A_43 = tpu.memref_slice %arg8[%mul3A_42] : memref<10000xi32, #tpu.memory_space<vmem>> -> memref<200xi32, #tpu.memory_space<vmem>>
      %dma_start3A_44 = arith.constant 0 : i32
      %dma_start3A_45 = arith.constant 0 : i32
      %dma_start3A_46 = tpu.memref_slice %arg11[%dma_start3A_44, %dma_start3A_45] : memref<10240x16xf32, #tpu.memory_space<vmem_shared>> -> memref<10240x16xf32, #tpu.memory_space<vmem_shared>>
      tpu.enqueue_indirect_dma source(%arg9 : memref<200x16xf32, #tpu.memory_space<vmem>>) target(%dma_start3A_46 : memref<10240x16xf32, #tpu.memory_space<vmem_shared>>) offsets(%dma_start3A_43 : memref<200xi32, #tpu.memory_space<vmem>>) semaphore(%arg14 : memref<!tpu.dma_semaphore, #tpu.memory_space<semaphore_mem>>) {add = true}
      %add3A_47 = arith.constant 1 : i32
      %add3A_48 = arith.addi %add3A_24, %add3A_47 : i32
      %ge3A_49 = arith.constant 1 : i32
      %ge3A_50 = arith.cmpi sge, %add3A_48, %ge3A_49 : i32
      %convert_element_type3A_51 = arith.extui %ge3A_50 : i1 to i32
      %cond3A_52 = arith.constant 0 : i32
      %cond3A_53 = arith.cmpi ne, %convert_element_type3A_51, %cond3A_52 : i32
      scf.if %cond3A_53 {
        %sub3A = arith.constant 1 : i32
        %sub3A_73 = arith.subi %add3A_48, %sub3A : i32
        %mul3A_74 = arith.constant 200 : i32
        %mul3A_75 = arith.muli %sub3A_73, %mul3A_74 : i32
        %dma_wait3A_76 = tpu.memref_slice %arg8[%mul3A_75] : memref<10000xi32, #tpu.memory_space<vmem>> -> memref<200xi32, #tpu.memory_space<vmem>>
        %dma_wait3A_77 = arith.constant 0 : i32
        %dma_wait3A_78 = arith.constant 0 : i32
        %dma_wait3A_79 = tpu.memref_slice %arg11[%dma_wait3A_77, %dma_wait3A_78] : memref<10240x16xf32, #tpu.memory_space<vmem_shared>> -> memref<10240x16xf32, #tpu.memory_space<vmem_shared>>
        tpu.wait_indirect_dma semaphore(%arg14 : memref<!tpu.dma_semaphore, #tpu.memory_space<semaphore_mem>>) src(%arg9 : memref<200x16xf32, #tpu.memory_space<vmem>>) dst(%dma_wait3A_79 : memref<10240x16xf32, #tpu.memory_space<vmem_shared>>)
      } else {
      }
      %add3A_54 = arith.constant 1 : i32
      %add3A_55 = arith.addi %add3A_48, %add3A_54 : i32
      %lt3A_56 = arith.constant 50 : i32
      %lt3A_57 = arith.cmpi slt, %add3A_55, %lt3A_56 : i32
      %convert_element_type3A_58 = arith.extui %lt3A_57 : i1 to i32
      %cond3A_59 = arith.constant 0 : i32
      %cond3A_60 = arith.cmpi ne, %convert_element_type3A_58, %cond3A_59 : i32
      scf.if %cond3A_60 {
        %add3A_73 = arith.constant 1 : i32
        %add3A_74 = arith.addi %add3A_48, %add3A_73 : i32
        %mul3A_75 = arith.constant 200 : i32
        %mul3A_76 = arith.muli %add3A_74, %mul3A_75 : i32
        %dma_start3A_77 = tpu.memref_slice %arg7[%mul3A_76] : memref<10000xi32, #tpu.memory_space<vmem>> -> memref<200xi32, #tpu.memory_space<vmem>>
        %dma_start3A_78 = arith.constant 0 : i32
        %dma_start3A_79 = arith.constant 0 : i32
        %dma_start3A_80 = tpu.memref_slice %arg2[%dma_start3A_78, %dma_start3A_79] : memref<10000x16xf32, #tpu.memory_space<hbm>> -> memref<10000x16xf32, #tpu.memory_space<hbm>>
        tpu.enqueue_indirect_dma source(%dma_start3A_80 : memref<10000x16xf32, #tpu.memory_space<hbm>>) target(%arg9 : memref<200x16xf32, #tpu.memory_space<vmem>>) offsets(%dma_start3A_77 : memref<200xi32, #tpu.memory_space<vmem>>) semaphore(%arg12 : memref<!tpu.dma_semaphore, #tpu.memory_space<semaphore_mem>>)
      } else {
      }
      %mul3A_61 = arith.constant 200 : i32
      %mul3A_62 = arith.muli %add3A_48, %mul3A_61 : i32
      %dma_wait3A_63 = tpu.memref_slice %arg7[%mul3A_62] : memref<10000xi32, #tpu.memory_space<vmem>> -> memref<200xi32, #tpu.memory_space<vmem>>
      %dma_wait3A_64 = arith.constant 0 : i32
      %dma_wait3A_65 = arith.constant 0 : i32
      %dma_wait3A_66 = tpu.memref_slice %arg2[%dma_wait3A_64, %dma_wait3A_65] : memref<10000x16xf32, #tpu.memory_space<hbm>> -> memref<10000x16xf32, #tpu.memory_space<hbm>>
      tpu.wait_indirect_dma semaphore(%arg13 : memref<!tpu.dma_semaphore, #tpu.memory_space<semaphore_mem>>) src(%dma_wait3A_66 : memref<10000x16xf32, #tpu.memory_space<hbm>>) dst(%arg10 : memref<200x16xf32, #tpu.memory_space<vmem>>)
      %mul3A_67 = arith.constant 200 : i32
      %mul3A_68 = arith.muli %add3A_48, %mul3A_67 : i32
      %dma_start3A_69 = tpu.memref_slice %arg8[%mul3A_68] : memref<10000xi32, #tpu.memory_space<vmem>> -> memref<200xi32, #tpu.memory_space<vmem>>
      %dma_start3A_70 = arith.constant 0 : i32
      %dma_start3A_71 = arith.constant 0 : i32
      %dma_start3A_72 = tpu.memref_slice %arg11[%dma_start3A_70, %dma_start3A_71] : memref<10240x16xf32, #tpu.memory_space<vmem_shared>> -> memref<10240x16xf32, #tpu.memory_space<vmem_shared>>
      tpu.enqueue_indirect_dma source(%arg10 : memref<200x16xf32, #tpu.memory_space<vmem>>) target(%dma_start3A_72 : memref<10240x16xf32, #tpu.memory_space<vmem_shared>>) offsets(%dma_start3A_69 : memref<200xi32, #tpu.memory_space<vmem>>) semaphore(%arg15 : memref<!tpu.dma_semaphore, #tpu.memory_space<semaphore_mem>>) {add = true}
    }
    %scan3A_14 = arith.constant 25 : i32
    %dma_wait3A = arith.constant 9800 : i32
    %dma_wait3A_15 = tpu.memref_slice %arg8[%dma_wait3A] : memref<10000xi32, #tpu.memory_space<vmem>> -> memref<200xi32, #tpu.memory_space<vmem>>
    %dma_wait3A_16 = arith.constant 0 : i32
    %dma_wait3A_17 = arith.constant 0 : i32
    %dma_wait3A_18 = tpu.memref_slice %arg11[%dma_wait3A_16, %dma_wait3A_17] : memref<10240x16xf32, #tpu.memory_space<vmem_shared>> -> memref<10240x16xf32, #tpu.memory_space<vmem_shared>>
    tpu.wait_indirect_dma semaphore(%arg15 : memref<!tpu.dma_semaphore, #tpu.memory_space<semaphore_mem>>) src(%arg10 : memref<200x16xf32, #tpu.memory_space<vmem>>) dst(%dma_wait3A_18 : memref<10240x16xf32, #tpu.memory_space<vmem_shared>>)
    %barrier3A_19 = arith.constant 0 : index
    tpu.barrier barrier_id(%barrier3A_19)
    "tpu.region"() ({
      %run_scoped3A = tpu.sem_alloc : memref<!tpu.dma_semaphore, #tpu.memory_space<semaphore_mem>>
      %dma_start3A_20 = arith.constant 0 : i32
      %dma_start3A_21 = tpu.memref_slice %arg6[%arg0, %mul3A_6, %dma_start3A_20] : memref<2x10240x16xf32, #tpu.memory_space<hbm>> -> memref<1x640x16xf32, #tpu.memory_space<hbm>>
      %dma_start3A_22 = tpu.memref_squeeze %dma_start3A_21 : memref<1x640x16xf32, #tpu.memory_space<hbm>> -> memref<640x16xf32, #tpu.memory_space<hbm>>
      %dma_start3A_23 = arith.constant 0 : i32
      %dma_start3A_24 = tpu.memref_slice %arg11[%mul3A_6, %dma_start3A_23] : memref<10240x16xf32, #tpu.memory_space<vmem_shared>> -> memref<640x16xf32, #tpu.memory_space<vmem_shared>>
      tpu.enqueue_dma source(%dma_start3A_24 : memref<640x16xf32, #tpu.memory_space<vmem_shared>>) target(%dma_start3A_22 : memref<640x16xf32, #tpu.memory_space<hbm>>) target_semaphore(%run_scoped3A : memref<!tpu.dma_semaphore, #tpu.memory_space<semaphore_mem>>)
      %dma_wait3A_25 = arith.constant 0 : i32
      %dma_wait3A_26 = tpu.memref_slice %arg6[%arg0, %mul3A_6, %dma_wait3A_25] : memref<2x10240x16xf32, #tpu.memory_space<hbm>> -> memref<1x640x16xf32, #tpu.memory_space<hbm>>
      %dma_wait3A_27 = tpu.memref_squeeze %dma_wait3A_26 : memref<1x640x16xf32, #tpu.memory_space<hbm>> -> memref<640x16xf32, #tpu.memory_space<hbm>>
      %dma_wait3A_28 = arith.constant 0 : i32
      %dma_wait3A_29 = tpu.memref_slice %arg11[%mul3A_6, %dma_wait3A_28] : memref<10240x16xf32, #tpu.memory_space<vmem_shared>> -> memref<640x16xf32, #tpu.memory_space<vmem_shared>>
      tpu.wait_dma2 semaphore(%run_scoped3A : memref<!tpu.dma_semaphore, #tpu.memory_space<semaphore_mem>>) src(%dma_wait3A_29 : memref<640x16xf32, #tpu.memory_space<vmem_shared>>) dst(%dma_wait3A_27 : memref<640x16xf32, #tpu.memory_space<hbm>>)
      tpu.yield
    }) : () -> ()
    return
  }
}

module attributes {stable_mosaic.version = 14 : i64} {
  func.func @_tc_idx_body(%arg0: memref<2x320000xi32, #tpu.memory_space<vmem>>, %arg1: memref<320000xi32, #tpu.memory_space<vmem>>, %arg2: memref<320000xi32, #tpu.memory_space<vmem>>) attributes {dimension_semantics = [], scalar_prefetch = 0 : i64, scratch_operands = 0 : i64, tpu.core_type = #tpu.core_type<tc>} {
    %get3A = arith.constant 0 : index
    %get3A_0 = arith.constant 0 : index
    %get3A_1 = vector.load %arg0[%get3A, %get3A_0] : memref<2x320000xi32, #tpu.memory_space<vmem>>, vector<1x320000xi32>
    %get3A_2 = vector.shape_cast %get3A_1 : vector<1x320000xi32> to vector<320000xi32>
    %swap3A = arith.constant 0 : index
    %swap3A_3 = vector.load %arg1[%swap3A] : memref<320000xi32, #tpu.memory_space<vmem>>, vector<320000xi32>
    tpu.vector_store %arg1[%swap3A], %get3A_2 {strides = array<i32>} : memref<320000xi32, #tpu.memory_space<vmem>>, vector<320000xi32>,
    %get3A_4 = arith.constant 1 : index
    %get3A_5 = arith.constant 0 : index
    %get3A_6 = vector.load %arg0[%get3A_4, %get3A_5] : memref<2x320000xi32, #tpu.memory_space<vmem>>, vector<1x320000xi32>
    %get3A_7 = vector.shape_cast %get3A_6 : vector<1x320000xi32> to vector<320000xi32>
    %swap3A_8 = arith.constant 0 : index
    %swap3A_9 = vector.load %arg2[%swap3A_8] : memref<320000xi32, #tpu.memory_space<vmem>>, vector<320000xi32>
    tpu.vector_store %arg2[%swap3A_8], %get3A_7 {strides = array<i32>} : memref<320000xi32, #tpu.memory_space<vmem>>, vector<320000xi32>,
    return
  }
}

module attributes {stable_mosaic.version = 14 : i64} {
  func.func @_tc_matmul_body(%arg0: memref<10000x128xf32, #tpu.memory_space<vmem>>, %arg1: memref<128x128xf32, #tpu.memory_space<vmem>>, %arg2: memref<10000x128xf32, #tpu.memory_space<vmem>>) attributes {dimension_semantics = [], scalar_prefetch = 0 : i64, scratch_operands = 0 : i64, tpu.core_type = #tpu.core_type<tc>} {
    %get3A = arith.constant 0 : index
    %get3A_0 = arith.constant 0 : index
    %get3A_1 = vector.load %arg0[%get3A, %get3A_0] : memref<10000x128xf32, #tpu.memory_space<vmem>>, vector<10000x128xf32>
    %get3A_2 = arith.constant 0 : index
    %get3A_3 = arith.constant 0 : index
    %get3A_4 = vector.load %arg1[%get3A_2, %get3A_3] : memref<128x128xf32, #tpu.memory_space<vmem>>, vector<128x128xf32>
    %dot_general3A = arith.constant dense<0.000000e+00> : vector<10000x128xf32>
    %dot_general3A_5 = tpu.matmul %get3A_1, %get3A_4, %dot_general3A {dimension_numbers = #tpu.dot_dimension_numbers<[1], [0], [0], [1], [0, 0, 1, 1], [], []>, transpose_lhs_hint = false} : vector<10000x128xf32>, vector<128x128xf32>, vector<10000x128xf32> -> vector<10000x128xf32>
    %swap3A = arith.constant 0 : index
    %swap3A_6 = arith.constant 0 : index
    %swap3A_7 = vector.load %arg2[%swap3A, %swap3A_6] : memref<10000x128xf32, #tpu.memory_space<vmem>>, vector<10000x128xf32>
    tpu.vector_store %arg2[%swap3A, %swap3A_6], %dot_general3A_5 {strides = array<i32>} : memref<10000x128xf32, #tpu.memory_space<vmem>>, vector<10000x128xf32>,
    return
  }
}

module attributes {stable_mosaic.version = 14 : i64} {
  func.func @_tc_prep_body(%arg0: memref<10000x128xf32, #tpu.memory_space<vmem>>, %arg1: memref<2x10240x16xf32, #tpu.memory_space<vmem>>, %arg2: memref<10000x1xf32, #tpu.memory_space<vmem>>, %arg3: memref<10000x64xf32, #tpu.memory_space<vmem>>, %arg4: memref<10000x64xf32, #tpu.memory_space<vmem>>) attributes {dimension_semantics = [], scalar_prefetch = 0 : i64, scratch_operands = 0 : i64, tpu.core_type = #tpu.core_type<tc>} {
    %get3A = arith.constant 0 : index
    %get3A_0 = arith.constant 0 : index
    %get3A_1 = arith.constant 0 : index
    %get3A_2 = vector.load %arg1[%get3A, %get3A_0, %get3A_1] : memref<2x10240x16xf32, #tpu.memory_space<vmem>>, vector<1x10000x1xf32>
    %get3A_3 = vector.shape_cast %get3A_2 : vector<1x10000x1xf32> to vector<10000x1xf32>
    %get3A_4 = arith.constant 1 : index
    %get3A_5 = arith.constant 0 : index
    %get3A_6 = arith.constant 0 : index
    %get3A_7 = vector.load %arg1[%get3A_4, %get3A_5, %get3A_6] : memref<2x10240x16xf32, #tpu.memory_space<vmem>>, vector<1x10000x1xf32>
    %get3A_8 = vector.shape_cast %get3A_7 : vector<1x10000x1xf32> to vector<10000x1xf32>
    %add3A = arith.addf %get3A_3, %get3A_8 : vector<10000x1xf32>
    %add3A_9 = arith.constant 1.000000e+00 : f32
    %add3A_10 = vector.broadcast %add3A_9 : f32 to vector<10000x1xf32>
    %add3A_11 = arith.addf %add3A, %add3A_10 : vector<10000x1xf32>
    %rsqrt3A = math.rsqrt %add3A_11 : vector<10000x1xf32>
    %swap3A = arith.constant 0 : index
    %swap3A_12 = arith.constant 0 : index
    %swap3A_13 = vector.load %arg2[%swap3A, %swap3A_12] : memref<10000x1xf32, #tpu.memory_space<vmem>>, vector<10000x1xf32>
    tpu.vector_store %arg2[%swap3A, %swap3A_12], %rsqrt3A {strides = array<i32>} : memref<10000x1xf32, #tpu.memory_space<vmem>>, vector<10000x1xf32>,
    %get3A_14 = arith.constant 0 : index
    %get3A_15 = arith.constant 0 : index
    %get3A_16 = vector.load %arg0[%get3A_14, %get3A_15] : memref<10000x128xf32, #tpu.memory_space<vmem>>, vector<10000x128xf32>
    %mul3A = vector.broadcast %rsqrt3A : vector<10000x1xf32> to vector<10000x128xf32>
    %mul3A_17 = arith.mulf %get3A_16, %mul3A : vector<10000x128xf32>
    %slice3A = vector.extract_strided_slice %mul3A_17 {offsets = [0, 0], sizes = [10000, 64], strides = [1, 1]} : vector<10000x128xf32> to vector<10000x64xf32>
    %swap3A_18 = arith.constant 0 : index
    %swap3A_19 = arith.constant 0 : index
    %swap3A_20 = vector.load %arg3[%swap3A_18, %swap3A_19] : memref<10000x64xf32, #tpu.memory_space<vmem>>, vector<10000x64xf32>
    tpu.vector_store %arg3[%swap3A_18, %swap3A_19], %slice3A {strides = array<i32>} : memref<10000x64xf32, #tpu.memory_space<vmem>>, vector<10000x64xf32>,
    %slice3A_21 = vector.extract_strided_slice %mul3A_17 {offsets = [0, 64], sizes = [10000, 64], strides = [1, 1]} : vector<10000x128xf32> to vector<10000x64xf32>
    %swap3A_22 = arith.constant 0 : index
    %swap3A_23 = arith.constant 0 : index
    %swap3A_24 = vector.load %arg4[%swap3A_22, %swap3A_23] : memref<10000x64xf32, #tpu.memory_space<vmem>>, vector<10000x64xf32>
    tpu.vector_store %arg4[%swap3A_22, %swap3A_23], %slice3A_21 {strides = array<i32>} : memref<10000x64xf32, #tpu.memory_space<vmem>>, vector<10000x64xf32>,
    return
  }
}

module attributes {stable_mosaic.version = 14 : i64} {
  func.func @_tc_layer1_body(%arg0: memref<2x10240x64xf32, #tpu.memory_space<vmem>>, %arg1: memref<2x10240x64xf32, #tpu.memory_space<vmem>>, %arg2: memref<10000x64xf32, #tpu.memory_space<vmem>>, %arg3: memref<10000x64xf32, #tpu.memory_space<vmem>>, %arg4: memref<10000x1xf32, #tpu.memory_space<vmem>>, %arg5: memref<1x128xf32, #tpu.memory_space<vmem>>, %arg6: memref<1x128xf32, #tpu.memory_space<vmem>>, %arg7: memref<1x128xf32, #tpu.memory_space<vmem>>, %arg8: memref<128x64xf32, #tpu.memory_space<vmem>>, %arg9: memref<10000x64xf32, #tpu.memory_space<vmem>>) attributes {dimension_semantics = [], scalar_prefetch = 0 : i64, scratch_operands = 0 : i64, tpu.core_type = #tpu.core_type<tc>} {
    %get3A = arith.constant 0 : index
    %get3A_0 = arith.constant 0 : index
    %get3A_1 = vector.load %arg4[%get3A, %get3A_0] : memref<10000x1xf32, #tpu.memory_space<vmem>>, vector<10000x1xf32>
    %get3A_2 = arith.constant 0 : index
    %get3A_3 = arith.constant 0 : index
    %get3A_4 = arith.constant 0 : index
    %get3A_5 = vector.load %arg0[%get3A_2, %get3A_3, %get3A_4] : memref<2x10240x64xf32, #tpu.memory_space<vmem>>, vector<1x10000x64xf32>
    %get3A_6 = vector.shape_cast %get3A_5 : vector<1x10000x64xf32> to vector<10000x64xf32>
    %get3A_7 = arith.constant 1 : index
    %get3A_8 = arith.constant 0 : index
    %get3A_9 = arith.constant 0 : index
    %get3A_10 = vector.load %arg0[%get3A_7, %get3A_8, %get3A_9] : memref<2x10240x64xf32, #tpu.memory_space<vmem>>, vector<1x10000x64xf32>
    %get3A_11 = vector.shape_cast %get3A_10 : vector<1x10000x64xf32> to vector<10000x64xf32>
    %add3A = arith.addf %get3A_6, %get3A_11 : vector<10000x64xf32>
    %get3A_12 = arith.constant 0 : index
    %get3A_13 = arith.constant 0 : index
    %get3A_14 = vector.load %arg2[%get3A_12, %get3A_13] : memref<10000x64xf32, #tpu.memory_space<vmem>>, vector<10000x64xf32>
    %add3A_15 = arith.addf %add3A, %get3A_14 : vector<10000x64xf32>
    %get3A_16 = arith.constant 0 : index
    %get3A_17 = arith.constant 0 : index
    %get3A_18 = arith.constant 0 : index
    %get3A_19 = vector.load %arg1[%get3A_16, %get3A_17, %get3A_18] : memref<2x10240x64xf32, #tpu.memory_space<vmem>>, vector<1x10000x64xf32>
    %get3A_20 = vector.shape_cast %get3A_19 : vector<1x10000x64xf32> to vector<10000x64xf32>
    %get3A_21 = arith.constant 1 : index
    %get3A_22 = arith.constant 0 : index
    %get3A_23 = arith.constant 0 : index
    %get3A_24 = vector.load %arg1[%get3A_21, %get3A_22, %get3A_23] : memref<2x10240x64xf32, #tpu.memory_space<vmem>>, vector<1x10000x64xf32>
    %get3A_25 = vector.shape_cast %get3A_24 : vector<1x10000x64xf32> to vector<10000x64xf32>
    %add3A_26 = arith.addf %get3A_20, %get3A_25 : vector<10000x64xf32>
    %get3A_27 = arith.constant 0 : index
    %get3A_28 = arith.constant 0 : index
    %get3A_29 = vector.load %arg3[%get3A_27, %get3A_28] : memref<10000x64xf32, #tpu.memory_space<vmem>>, vector<10000x64xf32>
    %add3A_30 = arith.addf %add3A_26, %get3A_29 : vector<10000x64xf32>
    %concatenate3A = tpu.concatenate %add3A_15, %add3A_30 in 1 : vector<10000x64xf32>, vector<10000x64xf32> -> vector<10000x128xf32>
    %mul3A = vector.broadcast %get3A_1 : vector<10000x1xf32> to vector<10000x128xf32>
    %mul3A_31 = arith.mulf %concatenate3A, %mul3A : vector<10000x128xf32>
    %get3A_32 = arith.constant 0 : index
    %get3A_33 = arith.constant 0 : index
    %get3A_34 = vector.load %arg5[%get3A_32, %get3A_33] : memref<1x128xf32, #tpu.memory_space<vmem>>, vector<1x128xf32>
    %add3A_35 = vector.broadcast %get3A_34 : vector<1x128xf32> to vector<10000x128xf32>
    %add3A_36 = arith.addf %mul3A_31, %add3A_35 : vector<10000x128xf32>
    %get3A_37 = arith.constant 0 : index
    %get3A_38 = arith.constant 0 : index
    %get3A_39 = vector.load %arg6[%get3A_37, %get3A_38] : memref<1x128xf32, #tpu.memory_space<vmem>>, vector<1x128xf32>
    %get3A_40 = arith.constant 0 : index
    %get3A_41 = arith.constant 0 : index
    %get3A_42 = vector.load %arg7[%get3A_40, %get3A_41] : memref<1x128xf32, #tpu.memory_space<vmem>>, vector<1x128xf32>
    %get3A_43 = arith.constant 0 : index
    %get3A_44 = arith.constant 0 : index
    %get3A_45 = vector.load %arg8[%get3A_43, %get3A_44] : memref<128x64xf32, #tpu.memory_space<vmem>>, vector<128x64xf32>
    %reduce_sum3A = arith.constant dense<0.000000e+00> : vector<128xf32>
    %reduce_sum3A_46 = vector.multi_reduction <add>, %add3A_36, %reduce_sum3A [0] : vector<10000x128xf32> to vector<128xf32>
    %broadcast_in_dim3A = vector.shape_cast %reduce_sum3A_46 : vector<128xf32> to vector<1x128xf32>
    %div3A = arith.constant 1.000000e+04 : f32
    %div3A_47 = vector.broadcast %div3A : f32 to vector<1x128xf32>
    %div3A_48 = arith.divf %broadcast_in_dim3A, %div3A_47 : vector<1x128xf32>
    %sub3A = vector.broadcast %div3A_48 : vector<1x128xf32> to vector<10000x128xf32>
    %sub3A_49 = arith.subf %add3A_36, %sub3A : vector<10000x128xf32>
    %integer_pow3A = arith.mulf %sub3A_49, %sub3A_49 : vector<10000x128xf32>
    %reduce_sum3A_50 = arith.constant dense<0.000000e+00> : vector<128xf32>
    %reduce_sum3A_51 = vector.multi_reduction <add>, %integer_pow3A, %reduce_sum3A_50 [0] : vector<10000x128xf32> to vector<128xf32>
    %broadcast_in_dim3A_52 = vector.shape_cast %reduce_sum3A_51 : vector<128xf32> to vector<1x128xf32>
    %div3A_53 = arith.constant 1.000000e+04 : f32
    %div3A_54 = vector.broadcast %div3A_53 : f32 to vector<1x128xf32>
    %div3A_55 = arith.divf %broadcast_in_dim3A_52, %div3A_54 : vector<1x128xf32>
    %sub3A_56 = vector.broadcast %div3A_48 : vector<1x128xf32> to vector<10000x128xf32>
    %sub3A_57 = arith.subf %add3A_36, %sub3A_56 : vector<10000x128xf32>
    %mul3A_58 = vector.broadcast %get3A_39 : vector<1x128xf32> to vector<10000x128xf32>
    %mul3A_59 = arith.mulf %mul3A_58, %sub3A_57 : vector<10000x128xf32>
    %add3A_60 = arith.constant 9.99999974E-6 : f32
    %add3A_61 = vector.broadcast %add3A_60 : f32 to vector<1x128xf32>
    %add3A_62 = arith.addf %div3A_55, %add3A_61 : vector<1x128xf32>
    %rsqrt3A = math.rsqrt %add3A_62 : vector<1x128xf32>
    %mul3A_63 = vector.broadcast %rsqrt3A : vector<1x128xf32> to vector<10000x128xf32>
    %mul3A_64 = arith.mulf %mul3A_59, %mul3A_63 : vector<10000x128xf32>
    %add3A_65 = vector.broadcast %get3A_42 : vector<1x128xf32> to vector<10000x128xf32>
    %add3A_66 = arith.addf %mul3A_64, %add3A_65 : vector<10000x128xf32>
    %max3A = arith.constant 0.000000e+00 : f32
    %max3A_67 = vector.broadcast %max3A : f32 to vector<10000x128xf32>
    %max3A_68 = arith.maximumf %add3A_66, %max3A_67 : vector<10000x128xf32>
    %dot_general3A = arith.constant dense<0.000000e+00> : vector<10000x64xf32>
    %dot_general3A_69 = tpu.matmul %max3A_68, %get3A_45, %dot_general3A {dimension_numbers = #tpu.dot_dimension_numbers<[1], [0], [0], [1], [0, 0, 1, 1], [], []>, transpose_lhs_hint = false} : vector<10000x128xf32>, vector<128x64xf32>, vector<10000x64xf32> -> vector<10000x64xf32>
    %mul3A_70 = vector.broadcast %get3A_1 : vector<10000x1xf32> to vector<10000x64xf32>
    %mul3A_71 = arith.mulf %dot_general3A_69, %mul3A_70 : vector<10000x64xf32>
    %swap3A = arith.constant 0 : index
    %swap3A_72 = arith.constant 0 : index
    %swap3A_73 = vector.load %arg9[%swap3A, %swap3A_72] : memref<10000x64xf32, #tpu.memory_space<vmem>>, vector<10000x64xf32>
    tpu.vector_store %arg9[%swap3A, %swap3A_72], %mul3A_71 {strides = array<i32>} : memref<10000x64xf32, #tpu.memory_space<vmem>>, vector<10000x64xf32>,
    return
  }
}

module attributes {stable_mosaic.version = 14 : i64} {
  func.func @_tc_layer2_body(%arg0: memref<2x10240x64xf32, #tpu.memory_space<vmem>>, %arg1: memref<10000x64xf32, #tpu.memory_space<vmem>>, %arg2: memref<10000x1xf32, #tpu.memory_space<vmem>>, %arg3: memref<1x64xf32, #tpu.memory_space<vmem>>, %arg4: memref<1x64xf32, #tpu.memory_space<vmem>>, %arg5: memref<1x64xf32, #tpu.memory_space<vmem>>, %arg6: memref<64x16xf32, #tpu.memory_space<vmem>>, %arg7: memref<10000x16xf32, #tpu.memory_space<vmem>>) attributes {dimension_semantics = [], scalar_prefetch = 0 : i64, scratch_operands = 0 : i64, tpu.core_type = #tpu.core_type<tc>} {
    %get3A = arith.constant 0 : index
    %get3A_0 = arith.constant 0 : index
    %get3A_1 = vector.load %arg2[%get3A, %get3A_0] : memref<10000x1xf32, #tpu.memory_space<vmem>>, vector<10000x1xf32>
    %get3A_2 = arith.constant 0 : index
    %get3A_3 = arith.constant 0 : index
    %get3A_4 = arith.constant 0 : index
    %get3A_5 = vector.load %arg0[%get3A_2, %get3A_3, %get3A_4] : memref<2x10240x64xf32, #tpu.memory_space<vmem>>, vector<1x10000x64xf32>
    %get3A_6 = vector.shape_cast %get3A_5 : vector<1x10000x64xf32> to vector<10000x64xf32>
    %get3A_7 = arith.constant 1 : index
    %get3A_8 = arith.constant 0 : index
    %get3A_9 = arith.constant 0 : index
    %get3A_10 = vector.load %arg0[%get3A_7, %get3A_8, %get3A_9] : memref<2x10240x64xf32, #tpu.memory_space<vmem>>, vector<1x10000x64xf32>
    %get3A_11 = vector.shape_cast %get3A_10 : vector<1x10000x64xf32> to vector<10000x64xf32>
    %add3A = arith.addf %get3A_6, %get3A_11 : vector<10000x64xf32>
    %get3A_12 = arith.constant 0 : index
    %get3A_13 = arith.constant 0 : index
    %get3A_14 = vector.load %arg1[%get3A_12, %get3A_13] : memref<10000x64xf32, #tpu.memory_space<vmem>>, vector<10000x64xf32>
    %add3A_15 = arith.addf %add3A, %get3A_14 : vector<10000x64xf32>
    %mul3A = vector.broadcast %get3A_1 : vector<10000x1xf32> to vector<10000x64xf32>
    %mul3A_16 = arith.mulf %add3A_15, %mul3A : vector<10000x64xf32>
    %get3A_17 = arith.constant 0 : index
    %get3A_18 = arith.constant 0 : index
    %get3A_19 = vector.load %arg3[%get3A_17, %get3A_18] : memref<1x64xf32, #tpu.memory_space<vmem>>, vector<1x64xf32>
    %add3A_20 = vector.broadcast %get3A_19 : vector<1x64xf32> to vector<10000x64xf32>
    %add3A_21 = arith.addf %mul3A_16, %add3A_20 : vector<10000x64xf32>
    %get3A_22 = arith.constant 0 : index
    %get3A_23 = arith.constant 0 : index
    %get3A_24 = vector.load %arg4[%get3A_22, %get3A_23] : memref<1x64xf32, #tpu.memory_space<vmem>>, vector<1x64xf32>
    %get3A_25 = arith.constant 0 : index
    %get3A_26 = arith.constant 0 : index
    %get3A_27 = vector.load %arg5[%get3A_25, %get3A_26] : memref<1x64xf32, #tpu.memory_space<vmem>>, vector<1x64xf32>
    %get3A_28 = arith.constant 0 : index
    %get3A_29 = arith.constant 0 : index
    %get3A_30 = vector.load %arg6[%get3A_28, %get3A_29] : memref<64x16xf32, #tpu.memory_space<vmem>>, vector<64x16xf32>
    %reduce_sum3A = arith.constant dense<0.000000e+00> : vector<64xf32>
    %reduce_sum3A_31 = vector.multi_reduction <add>, %add3A_21, %reduce_sum3A [0] : vector<10000x64xf32> to vector<64xf32>
    %broadcast_in_dim3A = vector.shape_cast %reduce_sum3A_31 : vector<64xf32> to vector<1x64xf32>
    %div3A = arith.constant 1.000000e+04 : f32
    %div3A_32 = vector.broadcast %div3A : f32 to vector<1x64xf32>
    %div3A_33 = arith.divf %broadcast_in_dim3A, %div3A_32 : vector<1x64xf32>
    %sub3A = vector.broadcast %div3A_33 : vector<1x64xf32> to vector<10000x64xf32>
    %sub3A_34 = arith.subf %add3A_21, %sub3A : vector<10000x64xf32>
    %integer_pow3A = arith.mulf %sub3A_34, %sub3A_34 : vector<10000x64xf32>
    %reduce_sum3A_35 = arith.constant dense<0.000000e+00> : vector<64xf32>
    %reduce_sum3A_36 = vector.multi_reduction <add>, %integer_pow3A, %reduce_sum3A_35 [0] : vector<10000x64xf32> to vector<64xf32>
    %broadcast_in_dim3A_37 = vector.shape_cast %reduce_sum3A_36 : vector<64xf32> to vector<1x64xf32>
    %div3A_38 = arith.constant 1.000000e+04 : f32
    %div3A_39 = vector.broadcast %div3A_38 : f32 to vector<1x64xf32>
    %div3A_40 = arith.divf %broadcast_in_dim3A_37, %div3A_39 : vector<1x64xf32>
    %sub3A_41 = vector.broadcast %div3A_33 : vector<1x64xf32> to vector<10000x64xf32>
    %sub3A_42 = arith.subf %add3A_21, %sub3A_41 : vector<10000x64xf32>
    %mul3A_43 = vector.broadcast %get3A_24 : vector<1x64xf32> to vector<10000x64xf32>
    %mul3A_44 = arith.mulf %mul3A_43, %sub3A_42 : vector<10000x64xf32>
    %add3A_45 = arith.constant 9.99999974E-6 : f32
    %add3A_46 = vector.broadcast %add3A_45 : f32 to vector<1x64xf32>
    %add3A_47 = arith.addf %div3A_40, %add3A_46 : vector<1x64xf32>
    %rsqrt3A = math.rsqrt %add3A_47 : vector<1x64xf32>
    %mul3A_48 = vector.broadcast %rsqrt3A : vector<1x64xf32> to vector<10000x64xf32>
    %mul3A_49 = arith.mulf %mul3A_44, %mul3A_48 : vector<10000x64xf32>
    %add3A_50 = vector.broadcast %get3A_27 : vector<1x64xf32> to vector<10000x64xf32>
    %add3A_51 = arith.addf %mul3A_49, %add3A_50 : vector<10000x64xf32>
    %max3A = arith.constant 0.000000e+00 : f32
    %max3A_52 = vector.broadcast %max3A : f32 to vector<10000x64xf32>
    %max3A_53 = arith.maximumf %add3A_51, %max3A_52 : vector<10000x64xf32>
    %dot_general3A = arith.constant dense<0.000000e+00> : vector<10000x16xf32>
    %dot_general3A_54 = tpu.matmul %max3A_53, %get3A_30, %dot_general3A {dimension_numbers = #tpu.dot_dimension_numbers<[1], [0], [0], [1], [0, 0, 1, 1], [], []>, transpose_lhs_hint = false} : vector<10000x64xf32>, vector<64x16xf32>, vector<10000x16xf32> -> vector<10000x16xf32>
    %mul3A_55 = vector.broadcast %get3A_1 : vector<10000x1xf32> to vector<10000x16xf32>
    %mul3A_56 = arith.mulf %dot_general3A_54, %mul3A_55 : vector<10000x16xf32>
    %swap3A = arith.constant 0 : index
    %swap3A_57 = arith.constant 0 : index
    %swap3A_58 = vector.load %arg7[%swap3A, %swap3A_57] : memref<10000x16xf32, #tpu.memory_space<vmem>>, vector<10000x16xf32>
    tpu.vector_store %arg7[%swap3A, %swap3A_57], %mul3A_56 {strides = array<i32>} : memref<10000x16xf32, #tpu.memory_space<vmem>>, vector<10000x16xf32>,
    return
  }
}

module attributes {stable_mosaic.version = 14 : i64} {
  func.func @_tc_final_body(%arg0: memref<2x10240x16xf32, #tpu.memory_space<vmem>>, %arg1: memref<10000x16xf32, #tpu.memory_space<vmem>>, %arg2: memref<10000x1xf32, #tpu.memory_space<vmem>>, %arg3: memref<1x16xf32, #tpu.memory_space<vmem>>, %arg4: memref<10000x16xf32, #tpu.memory_space<vmem>>) attributes {dimension_semantics = [], scalar_prefetch = 0 : i64, scratch_operands = 0 : i64, tpu.core_type = #tpu.core_type<tc>} {
    %get3A = arith.constant 0 : index
    %get3A_0 = arith.constant 0 : index
    %get3A_1 = arith.constant 0 : index
    %get3A_2 = vector.load %arg0[%get3A, %get3A_0, %get3A_1] : memref<2x10240x16xf32, #tpu.memory_space<vmem>>, vector<1x10000x16xf32>
    %get3A_3 = vector.shape_cast %get3A_2 : vector<1x10000x16xf32> to vector<10000x16xf32>
    %get3A_4 = arith.constant 1 : index
    %get3A_5 = arith.constant 0 : index
    %get3A_6 = arith.constant 0 : index
    %get3A_7 = vector.load %arg0[%get3A_4, %get3A_5, %get3A_6] : memref<2x10240x16xf32, #tpu.memory_space<vmem>>, vector<1x10000x16xf32>
    %get3A_8 = vector.shape_cast %get3A_7 : vector<1x10000x16xf32> to vector<10000x16xf32>
    %add3A = arith.addf %get3A_3, %get3A_8 : vector<10000x16xf32>
    %get3A_9 = arith.constant 0 : index
    %get3A_10 = arith.constant 0 : index
    %get3A_11 = vector.load %arg1[%get3A_9, %get3A_10] : memref<10000x16xf32, #tpu.memory_space<vmem>>, vector<10000x16xf32>
    %add3A_12 = arith.addf %add3A, %get3A_11 : vector<10000x16xf32>
    %get3A_13 = arith.constant 0 : index
    %get3A_14 = arith.constant 0 : index
    %get3A_15 = vector.load %arg2[%get3A_13, %get3A_14] : memref<10000x1xf32, #tpu.memory_space<vmem>>, vector<10000x1xf32>
    %mul3A = vector.broadcast %get3A_15 : vector<10000x1xf32> to vector<10000x16xf32>
    %mul3A_16 = arith.mulf %add3A_12, %mul3A : vector<10000x16xf32>
    %get3A_17 = arith.constant 0 : index
    %get3A_18 = arith.constant 0 : index
    %get3A_19 = vector.load %arg3[%get3A_17, %get3A_18] : memref<1x16xf32, #tpu.memory_space<vmem>>, vector<1x16xf32>
    %add3A_20 = vector.broadcast %get3A_19 : vector<1x16xf32> to vector<10000x16xf32>
    %add3A_21 = arith.addf %mul3A_16, %add3A_20 : vector<10000x16xf32>
    %swap3A = arith.constant 0 : index
    %swap3A_22 = arith.constant 0 : index
    %swap3A_23 = vector.load %arg4[%swap3A, %swap3A_22] : memref<10000x16xf32, #tpu.memory_space<vmem>>, vector<10000x16xf32>
    tpu.vector_store %arg4[%swap3A, %swap3A_22], %add3A_21 {strides = array<i32>} : memref<10000x16xf32, #tpu.memory_space<vmem>>, vector<10000x16xf32>,
    return
  }
}

</mosaic_0001>

<sc_bundles>
// kernel: kernel.13.cloned.1.call-start
scs
__scs_entry_jumppad:
0x0: {  	(pc) =	sbr.rel $0x88, $3  }
0x1: {  	(tag) =	ssettag $0x0;
	lr =	simm.s32 $0x1  }
0x2: {  	[smem:$0x3F95] =	sst lr;
	_ =	strace $0xD0000000  }
0x3: {  	_ = 	snop  }
0x4: {  	_ = 	snop  }
0x5: {  	_ = 	snop  }
0x6: {  	_ = 	snop  }
0x7: {  	_ = 	snop  }
__scs_overlays_trampoline_lowered:
0x8: {  	[smem:$0x3FA4] =	sst s0  }
0x9: {  	[smem:$0x3FA5] =	sst s1  }
0xa: {  	[smem:$0x3FA6] =	sst s2  }
0xb: {  	[smem:$0x3FA7] =	sst s3  }
0xc: {  	[smem:$0x3FA8] =	sst s4  }
0xd: {  	[smem:$0x3FA9] =	sst s5  }
0xe: {  	[smem:$0x3FAA] =	sst s6  }
0xf: {  	[smem:$0x3FAB] =	sst s7  }
0x10: {  	[smem:$0x3FAC] =	sst s8  }
0x11: {  	[smem:$0x3FAD] =	sst s9;
	s0 =	simm.s32 @!p0 $0x0  }
0x12: {  	s1 =	sld [smem:$0x3F93];
	s0 =	simm.s32 @p0 $0x1  }
0x13: {  	[smem:$0x3FAE] =	sst s0;
	s0 =	simm.s32 @!p1 $0x0  }
0x14: {  	s2 =	sld [smem:$0x3F92];
	s0 =	simm.s32 @p1 $0x1  }
0x15: {  	[smem:$0x3FAF] =	sst s0;
	s0 =	simm.s32 @!p2 $0x0  }
0x16: {  	s3 =	sld [smem:$0x3FDB];
	s0 =	simm.s32 @p2 $0x1  }
0x17: {  	s4 =	simm.s32 $0x1BF5;
	[smem:$0x3FB1] =	sst s0  }
0x18: {  	s0 =	sld [smem:$0x3F94];
	_ =	swait.ge [sflag:s4], $0x0  }
0x19: {  	s7 =	sld [smem:$0x3F95]  }
0x1a: {  	s8 =	sadd.s32 $0xFFFFE003, lr  }
0x1b: {  	s9 =	sadd.s32 $0xFFFFFEF7, lr;
	s5 =	simm.s32 $0xFFFFFFFF;
	p2 =	slt.u32 s8, $0xFFFFF086  }
0x1c: {  	p1 =	slt.u32 s9, $0xF7A;
	s5 =	simm.s32 @!p2 $0x0  }
0x1d: {  	s5 =	simm.s32 @p1 $0x1;
	p0 =	seq.s32 s7, s2  }
0x1e: {  	s7 =	smul.u32 @!p0 $0xF7A, s2;
	p2 =	seq.s32 @!p0 s5, $0x0  }
0x1f: {  	s9 =	smul.u32 $0xF7A, s1;
	s8 =	simm.s32 @!p0 $0x1BF5;
	p2 =	por !p2, p0  }
0x20: {  	[sflag:s8] =	ssyncset.s32 @!p0 $0xFFFFF086;
	s6 =	sadd.s32 @!p0 s3, s7;
	s7 =	simm.s32 @!p0 $0x108  }
0x21: {  	s3 =	sadd.s32 s3, s9;
	s6 =	sadd.s32 @!p0 $0x88, s6;
	s7 =	simm.s32 @p2 $0x1082  }
0x22: {  	[simem:s7], [sflag:s8] =	dma.local @!p0 [hbm:s6], $0xF7A  }
0x23: {  	s9 =	sor.u32 $0xD0000000, s2;
	s6 =	simm.s32 $0x108;
	_ =	swait.ge @!p0 [sflag:s8], $0x0  }
0x24: {  	s3 =	sadd.s32 $0x88, s3;
	s6 =	simm.s32 @!p1 $0x1082;
	[sflag:s4] =	ssyncset.s32 $0xFFFFF086  }
0x25: {  	[simem:s6], [sflag:s4] =	dma.local [hbm:s3], $0xF7A  }
0x26: {  	[smem:$0x3F95] =	sst s1;
	(tag) =	ssettag s2;
	_ =	strace s9  }
0x27: {  	s1 =	sld [smem:$0x3FA5]  }
0x28: {  	s2 =	sld [smem:$0x3FA6]  }
0x29: {  	s4 =	sld [smem:$0x3FA8]  }
0x2a: {  	p0 =	seq.s32 s5, $0x0;
	s5 =	sld [smem:$0x3FA9]  }
0x2b: {  	s6 =	sld [smem:$0x3FAA]  }
0x2c: {  	s7 =	sld [smem:$0x3FAB]  }
0x2d: {  	s3 =	simm.s32 $0x108;
	s8 =	sld [smem:$0x3FAC]  }
0x2e: {  	s3 =	simm.s32 @!p0 $0x1082;
	s9 =	sld [smem:$0x3FAD]  }
0x2f: {  	lr =	sadd.s32 s0, s3;
	s0 =	sld [smem:$0x3FA4]  }
0x30: {  	s3 =	sld [smem:$0x3FA7]  }
0x31: {  	[smem:$0x3FB0] =	sst s10  }
0x32: {  	s10 =	sld [smem:$0x3FAE];
	_ =	sdelay $0x3  }
0x33: {  	p0 =	seq.s32 s10, $0x1;
	s10 =	sld [smem:$0x3FB0];
	_ =	sdelay $0x3  }
0x34: {  	[smem:$0x3FB0] =	sst s10  }
0x35: {  	s10 =	sld [smem:$0x3FAF];
	_ =	sdelay $0x3  }
0x36: {  	p1 =	seq.s32 s10, $0x1;
	s10 =	sld [smem:$0x3FB0];
	_ =	sdelay $0x3  }
0x37: {  	[smem:$0x3FB0] =	sst s10  }
0x38: {  	s10 =	sld [smem:$0x3FB1]  }
0x39: {  	_ = 	snop;
	(pc) =	sbr.ind lr, $3  }
0x3a: {  	_ = 	snop  }
0x3b: {  	_ = 	snop  }
0x3c: {  	p2 =	seq.s32 s10, $0x1;
	s10 =	sld [smem:$0x3FB0]  }
0x3d: {  	_ =	shalt  }
0x3e: {  	_ =	shalt  }
0x3f: {  	_ =	shalt  }
0x40: {  	_ =	shalt  }
0x41: {  	_ =	shalt  }
0x42: {  	_ =	shalt  }
0x43: {  	_ =	shalt  }
0x44: {  	_ =	shalt  }
0x45: {  	_ =	shalt  }
0x46: {  	_ =	shalt  }
0x47: {  	_ =	shalt  }
0x48: {  	_ =	shalt  }
0x49: {  	_ =	shalt  }
0x4a: {  	_ =	shalt  }
0x4b: {  	_ =	shalt  }
0x4c: {  	_ =	shalt  }
0x4d: {  	_ =	shalt  }
0x4e: {  	_ =	shalt  }
0x4f: {  	_ =	shalt  }
0x50: {  	_ =	shalt  }
0x51: {  	_ =	shalt  }
0x52: {  	_ =	shalt  }
0x53: {  	_ =	shalt  }
0x54: {  	_ =	shalt  }
0x55: {  	_ =	shalt  }
0x56: {  	_ =	shalt  }
0x57: {  	_ =	shalt  }
0x58: {  	_ =	shalt  }
0x59: {  	_ =	shalt  }
0x5a: {  	_ =	shalt  }
0x5b: {  	_ =	shalt  }
0x5c: {  	_ =	shalt  }
0x5d: {  	_ =	shalt  }
0x5e: {  	_ =	shalt  }
0x5f: {  	_ =	shalt  }
0x60: {  	_ =	shalt  }
0x61: {  	_ =	shalt  }
0x62: {  	_ =	shalt  }
0x63: {  	_ =	shalt  }
0x64: {  	_ =	shalt  }
0x65: {  	_ =	shalt  }
0x66: {  	_ =	shalt  }
0x67: {  	_ =	shalt  }
0x68: {  	_ =	shalt  }
0x69: {  	_ =	shalt  }
0x6a: {  	_ =	shalt  }
0x6b: {  	_ =	shalt  }
0x6c: {  	_ =	shalt  }
0x6d: {  	_ =	shalt  }
0x6e: {  	_ =	shalt  }
0x6f: {  	_ =	shalt  }
0x70: {  	_ =	shalt  }
0x71: {  	_ =	shalt  }
0x72: {  	_ =	shalt  }
0x73: {  	_ =	shalt  }
0x74: {  	_ =	shalt  }
0x75: {  	_ =	shalt  }
0x76: {  	_ =	shalt  }
0x77: {  	_ =	shalt  }
0x78: {  	_ =	shalt  }
0x79: {  	_ =	shalt  }
0x7a: {  	_ =	shalt  }
0x7b: {  	_ =	shalt  }
0x7c: {  	_ =	shalt  }
0x7d: {  	_ =	shalt  }
0x7e: {  	_ =	shalt  }
0x7f: {  	_ =	shalt  }
0x80: {  	_ =	shalt  }
0x81: {  	_ =	shalt  }
0x82: {  	_ =	shalt  }
0x83: {  	_ =	shalt  }
0x84: {  	_ =	shalt  }
0x85: {  	_ =	shalt  }
0x86: {  	_ =	shalt  }
0x87: {  	_ =	shalt  }
.Lfunc_end0:
.L_simem_size_0:
called_computation_lowered:
.L_overlay_start_0:
0x88: {  	s2 =	sld [smem:$0x3FD9]  }
0x89: {  	s3 =	sld [smem:$0x3FFE];
	_ =	sdelay $0x1  }
0x8a: {  	s1 =	srdreg.scid  }
0x8b: {  	s0 =	sand.u32 $0x1, s1  }
0x8c: {  	s17 =	sshll.u32 s0, $0xA;
	s2 =	sadd.s32 s3, s2  }
0x8d: {  	s2 =	sadd.s32 s2, s17  }
0x8e: {  	[smem:$0x3FBC] =	sst s2  }
0x8f: {  	_ = 	snop  }
0x90: {  	s2 =	sld [smem:$0x3FD0];
	(tm) =	ssettm $0x1  }
0x91: {  	s18 =	sld [smem:$0x3FFB];
	_ =	sdelay $0x3  }
0x92: {  	_ =	strace s18  }
0x93: {  	s3 =	sld [smem:$0x3FFC];
	_ =	sdelay $0x3  }
0x94: {  	_ =	strace s3  }
0x95: {  	s3 =	sld [smem:$0x3FFD];
	_ =	sdelay $0x3  }
0x96: {  	_ =	strace s3  }
0x97: {  	_ =	strace $0x8FFFFFFF  }
0x98: {  	s19 =	sld [smem:$0x3FDB];
	_ =	sdelay $0x1  }
0x99: {  	s4 =	simm.s32 $_scs_section_size  }
0x9a: {  	s5 =	simm.s32 $_size__tile_overlayer_lowered;
	s6 =	simm.s32 $_tile_overlayer_lowered  }
0x9b: {  	s22 =	simm.s32 $0x1BFF;
	s21 =	sshll.u32 s6, $0x1;
	s3 =	sadd.s32 s4, s19  }
0x9c: {  	s7 =	simm.s32 $0x0;
	s20 =	sshll.u32 s5, $0x1;
	s5 =	sadd.s32 s21, s3  }
0x9d: {  	[timem:s7], [sflag:s22] =	dma.local [hbm:s5], s20  }
0x9e: {  	_ =	swait.ge [sflag:s22], s20  }
0x9f: {  	s4 =	ssub.s32 $0x0, s20;
	[sflag:s22] =	ssyncset.done $0x0  }
0xa0: {  	[sflag:s22] =	ssyncadd.s32 s4;
	_ =	sdelay $0x1  }
0xa1: {  	s23 =	simm.s32 $0x1B8B  }
0xa2: {  	_ =	swait.ge [sflag:s23], $0x1  }
0xa3: {  	[sflag:s23] =	ssyncset.done $0x0  }
0xa4: {  	s25 =	simm.s32 $0x1B8E;
	s24 =	sld [smem:$0x3FFE];
	[sflag:s23] =	ssyncadd.s32 $0xFFFFFFFF  }
0xa5: {  	s26 =	simm.s32 $execute0_lowered;
	[smem:$0x3FD2] =	sst s25  }
0xa6: {  	s5 =	sshll.u32 s26, $0x1;
	_ =	strace $0x80000046;
	[dreg:$0x1] =	wrdreg $0xFFFFFFFF  }
0xa7: {  	s28 =	simm.s32 $_size_execute0_lowered;
	s3 =	sadd.s32 s3, s5;
	[dreg:$0x0] =	wrdreg $0x0  }
0xa8: {  	s5 =	sshll.u32 s28, $0x1;
	[dreg:$0x2] =	wrdreg s3  }
0xa9: {  	[dreg:$0x3] =	wrdreg s5  }
0xaa: {  	[dreg:$0x4] =	wrdreg $0xC0  }
0xab: {  	_ =	task [dreg:s7], $0x5FFFF  }
0xac: {  	[dreg:$0x1] =	wrdreg $0xFFFFFFFF  }
0xad: {  	[dreg:$0x0] =	wrdreg $0x60  }
0xae: {  	[dreg:$0x2] =	wrdreg s24  }
0xaf: {  	[dreg:$0x3] =	wrdreg s2  }
0xb0: {  	[dreg:$0x4] =	wrdreg $0x67200  }
0xb1: {  	[dreg:$0x5] =	wrdreg $0x9  }
0xb2: {  	_ =	task.clear_ibuf [dreg:s7], $0x6FFFF;
	_ =	strace $0x90000046  }
0xb3: {  	s29 =	simm.s32 $0x9;
	_ =	strace $0x80000048  }
0xb4: {  	_ =	swait.ge [sflag:s29], $0x1  }
0xb5: {  	[sflag:s29] =	ssyncadd.s32 $0xFFFFFFFF  }
0xb6: {  	_ =	strace $0x90000048  }
0xb7: {  	_ =	sfence  }
0xb8: {  	s30 =	sld [smem:$0x0];
	_ =	sdelay $0x2  }
0xb9: {  	s31 =	sshll.u32 s1, $0xD;
	s1 =	sshrl.u32 s1, $0x2  }
0xba: {  	s3 =	sand.u32 $0x4000, s31;
	s1 =	sadd.s32 s1, s30  }
0xbb: {  	s0 =	sor.u32 s3, s0;
	s1 =	sshll.u32 s1, $0x11  }
0xbc: {  	s0 =	sor.u32 s1, s0  }
0xbd: {  	s0 =	sadd.s32 $0x8F2B, s0  }
0xbe: {  	[sflag:s0] =	ssyncadd.remote.s32 $0x1  }
0xbf: {  	_ =	sfence.sel $0xFFFF  }
0xc0: {  	[dreg:$0x0] =	wrdreg $0xFFFFFFFF;
	(pc) =	sbr.abs _section_cstart, $3  }
0xc1: {  	[dreg:$0x1] =	wrdreg $0xFFFFFFFF  }
0xc2: {  	_ =	task.clear_ibuf [dreg:s7], $0x2FFFF;
	_ =	strace $0x9FFFFFFF  }
0xc3: {  	(tm) =	ssettm $0x7FFFFFFF  }
tec
execute0_lowered:
.L_overlay_start_1:
0x0: {  	(tag) =	ssettag $0x1  }
0x1: {  	s6 =	rddreg [dreg:$0x0]  }
0x2: {  	s2 =	rddreg [dreg:$0x1]  }
0x3: {  	s3 =	rddreg [dreg:$0x2];
	s4 =	srdreg.scid  }
0x4: {  	s1 =	stileid.u32;
	s0 =	rddreg [dreg:$0x3];
	s14 =	simm.s32 $0xC8  }
0x5: {  	s15 =	simm.s32 $0x4E20;
	s16 =	simm.s32 $0x5AA0;
	s17 =	simm.s32 $0x1  }
0x6: {  	s18 =	simm.s32 $0x3;
	s19 =	simm.s32 $0x190;
	s20 =	simm.s32 $0x2  }
0x7: {  	s21 =	simm.s32 $0x27D8;
	s22 =	simm.s32 $0x4;
	s23 =	simm.s32 $0x0  }
0x8: {  	s7 =	sand.u32 $0x1, s4;
	s8 =	smul.u32 $0x2800, s1;
	s4 =	simm.s32 $0x0  }
0x9: {  	s12 =	sshll.u32 s1, $0x6;
	s5 =	sshll.u32 s7, $0x4;
	s9 =	smul.u32 $0x28000, s7  }
0xa: {  	[smem:$0x7FF] =	sst s4;
	s7 =	ssub.s32 $0x2, s7;
	s12 =	sor.u32 $0x1C05, s12  }
0xb: {  	s5 =	sor.u32 s1, s5;
	_ =	strace $0x80000047;
	s31 =	sshrl.u32 s7, $0x1  }
0xc: {  	s13 =	sadd.s32 s8, s3;
	s10 =	smul.u32 $0x4E2, s5;
	s9 =	sadd.s32 s8, s9  }
0xd: {  	s5 =	sadd.s32 $0x17600, s6;
	s11 =	ssub.s32 s7, s31;
	s9 =	sshrl.u32 s9, $0x3  }
0xe: {  	s13 =	sshrl.u32 s13, $0x3;
	s10 =	sadd.s32 s10, s6;
	s9 =	sadd.s32 s9, s6  }
0xf: {  	s6 =	sadd.s32 $0x3A00, s10;
	s7 =	sadd.s32 $0xD800, s10;
	s8 =	sadd.s32 $0x1C600, s9  }
0x10: {  	s9 =	smax.u32 s11, $0x1;
	s10 =	simm.s32 $0x5;
	s11 =	simm.s32 $0x2710  }
.LBB2_1:
0x11: {  	[tilespmem:s4], [sflag:$0x5] =	stream.linear.gather [hbm4b:s6+s4], $0x2710, $0x38;
	[tilespmem:$0x8F20] =	vst v63  }
0x12: {  	_ =	swait.ge [sflag:s10], $0x2710  }
0x13: {  	[sflag:s10] =	ssyncset.done $0x0  }
0x14: {  	[sflag:s10] =	ssyncadd.s32 $0xFFFFD8F0  }
0x15: {  	[tilespmem:s11], [sflag:$0x5] =	stream.linear.gather [hbm4b:s7+s4], $0x2710, $0x38;
	[tilespmem:$0x8F20] =	vst v63  }
0x16: {  	_ =	swait.ge [sflag:s10], $0x2710  }
0x17: {  	[sflag:s10] =	ssyncset.done $0x0  }
0x18: {  	[sflag:s10] =	ssyncadd.s32 $0xFFFFD8F0  }
0x19: {  	[spmem:s13], [sflag:s12] =	dma.local [hbm:s2], $0x500  }
0x1a: {  	_ =	swait.ge [sflag:s10], $0x500  }
0x1b: {  	[sflag:s10] =	ssyncset.done $0x0  }
0x1c: {  	[sflag:s10] =	ssyncadd.s32 $0xFFFFFB00  }
0x1d: {  	[bflag:$0x0] =	sbarrier.arrive $0xFFFF  }
0x1e: {  	[tilespmem:s15], [sflag:$0x1] =	stream.indirect.gather [hbm4b:s5+s14], $0x10, s4, s14, $0xb8;
	[tilespmem:$0x8F20] =	vst v63  }
0x1f: {  	_ = 	snop  }
0x20: {  	[tilespmem:s16], [sflag:$0x2] =	stream.indirect.gather [hbm4b:s5+s14], $0x10, s14, s14, $0xb8;
	[tilespmem:$0x8F20] =	vst v63  }
0x21: {  	_ =	swait.ge [sflag:s17], $0xC80  }
0x22: {  	[sflag:s17] =	ssyncset.done $0x0  }
0x23: {  	[sflag:s17] =	ssyncadd.s32 $0xFFFFF380  }
0x24: {  	[spmem:s3] =	stream.indirect.scatter.add.f32 [tilespmem:s15], [sflag:$0x3], $0x10, s11, s14, $0xb8;
	[tilespmem:$0x8F20] =	vst v63  }
0x25: {  	_ =	swait.ge [sflag:s18], $0xC80  }
0x26: {  	[sflag:s18] =	ssyncset.done $0x0  }
0x27: {  	[sflag:s18] =	ssyncadd.s32 $0xFFFFF380  }
0x28: {  	[tilespmem:s15], [sflag:$0x1] =	stream.indirect.gather [hbm4b:s5+s14], $0x10, s19, s14, $0xb8;
	[tilespmem:$0x8F20] =	vst v63  }
0x29: {  	_ =	swait.ge [sflag:s20], $0xC80  }
0x2a: {  	[sflag:s20] =	ssyncset.done $0x0  }
0x2b: {  	[sflag:s20] =	ssyncadd.s32 $0xFFFFF380  }
0x2c: {  	[spmem:s3] =	stream.indirect.scatter.add.f32 [tilespmem:s16], [sflag:$0x4], $0x10, s21, s14, $0xb8;
	[tilespmem:$0x8F20] =	vst v63  }
0x2d: {  	_ =	swait.ge [sflag:s22], $0xC80  }
0x2e: {  	[sflag:s22] =	ssyncset.done $0x0  }
0x2f: {  	s24 =	simm.s32 $0x258;
	[sflag:s22] =	ssyncadd.s32 $0xFFFFF380  }
0x30: {  	[tilespmem:s16], [sflag:$0x2] =	stream.indirect.gather [hbm4b:s5+s14], $0x10, s24, s14, $0xb8;
	[tilespmem:$0x8F20] =	vst v63  }
0x31: {  	_ =	swait.ge [sflag:s17], $0xC80  }
0x32: {  	[sflag:s17] =	ssyncset.done $0x0  }
0x33: {  	s30 =	simm.s32 $0x28A0;
	[sflag:s17] =	ssyncadd.s32 $0xFFFFF380  }
0x34: {  	[spmem:s3] =	stream.indirect.scatter.add.f32 [tilespmem:s15], [sflag:$0x3], $0x10, s30, s14, $0xb8;
	[tilespmem:$0x8F20] =	vst v63  }
0x35: {  	_ =	swait.ge [sflag:s18], $0xC80  }
0x36: {  	[sflag:s18] =	ssyncset.done $0x0  }
0x37: {  	s31 =	simm.s32 $0x320;
	[sflag:s18] =	ssyncadd.s32 $0xFFFFF380  }
0x38: {  	[tilespmem:s15], [sflag:$0x1] =	stream.indirect.gather [hbm4b:s5+s14], $0x10, s31, s14, $0xb8;
	[tilespmem:$0x8F20] =	vst v63  }
0x39: {  	_ =	swait.ge [sflag:s20], $0xC80  }
0x3a: {  	[sflag:s20] =	ssyncset.done $0x0  }
0x3b: {  	s25 =	simm.s32 $0x2968;
	s24 =	simm.s32 $0xFFFF7680;
	[sflag:s20] =	ssyncadd.s32 $0xFFFFF380  }
.LBB2_2:
0x3c: {  	[spmem:s3] =	stream.indirect.scatter.add.f32 [tilespmem:s16], [sflag:$0x4], $0x10, s25, s14, $0xb8;
	[tilespmem:$0x8F20] =	vst v63  }
0x3d: {  	s25 =	smov.u32 s24;
	s24 =	sadd.s32 $0x640, s24;
	_ =	swait.ge [sflag:s22], $0xC80  }
0x3e: {  	s25 =	sshra.s32 s25, $0x2;
	p0 =	sne.s32 s24, $0x0;
	[sflag:s22] =	ssyncset.done $0x0  }
0x3f: {  	s26 =	sadd.s32 $0x2648, s25;
	[sflag:s22] =	ssyncadd.s32 $0xFFFFF380  }
0x40: {  	[tilespmem:s16], [sflag:$0x2] =	stream.indirect.gather [hbm4b:s5+s14], $0x10, s26, s14, $0xb8;
	[tilespmem:$0x8F20] =	vst v63  }
0x41: {  	_ =	swait.ge [sflag:s17], $0xC80  }
0x42: {  	[sflag:s17] =	ssyncset.done $0x0  }
0x43: {  	s26 =	sadd.s32 $0x4C90, s25;
	[sflag:s17] =	ssyncadd.s32 $0xFFFFF380  }
0x44: {  	[spmem:s3] =	stream.indirect.scatter.add.f32 [tilespmem:s15], [sflag:$0x3], $0x10, s26, s14, $0xb8;
	[tilespmem:$0x8F20] =	vst v63  }
0x45: {  	_ =	swait.ge [sflag:s18], $0xC80  }
0x46: {  	[sflag:s18] =	ssyncset.done $0x0  }
.Ltmp0:
0x47: {  	s26 =	sadd.s32 $0x2710, s25;
	[sflag:s18] =	ssyncadd.s32 $0xFFFFF380;
	(pc) =	sbr.rel @p0 .LBB2_2-.Ltmp0, $4  }
0x48: {  	[tilespmem:s15], [sflag:$0x1] =	stream.indirect.gather [hbm4b:s5+s14], $0x10, s26, s14, $0xb8;
	[tilespmem:$0x8F20] =	vst v63  }
0x49: {  	_ =	swait.ge [sflag:s20], $0xC80  }
0x4a: {  	[sflag:s20] =	ssyncset.done $0x0  }
0x4b: {  	s25 =	sadd.s32 $0x4D58, s25;
	[sflag:s20] =	ssyncadd.s32 $0xFFFFF380  }
0x4c: {  	[spmem:s3] =	stream.indirect.scatter.add.f32 [tilespmem:s16], [sflag:$0x4], $0x10, s25, s14, $0xb8;
	[tilespmem:$0x8F20] =	vst v63  }
0x4d: {  	_ =	swait.ge [sflag:s22], $0xC80  }
0x4e: {  	s24 =	sshra.s32 s24, $0x2;
	[sflag:s22] =	ssyncset.done $0x0  }
0x4f: {  	s30 =	sadd.s32 $0x2648, s24;
	[sflag:s22] =	ssyncadd.s32 $0xFFFFF380  }
0x50: {  	[tilespmem:s16], [sflag:$0x2] =	stream.indirect.gather [hbm4b:s5+s14], $0x10, s30, s14, $0xb8;
	[tilespmem:$0x8F20] =	vst v63  }
0x51: {  	_ =	swait.ge [sflag:s17], $0xC80  }
0x52: {  	[sflag:s17] =	ssyncset.done $0x0  }
0x53: {  	s31 =	sadd.s32 $0x4C90, s24;
	[sflag:s17] =	ssyncadd.s32 $0xFFFFF380  }
0x54: {  	[spmem:s3] =	stream.indirect.scatter.add.f32 [tilespmem:s15], [sflag:$0x3], $0x10, s31, s14, $0xb8;
	[tilespmem:$0x8F20] =	vst v63  }
0x55: {  	_ =	swait.ge [sflag:s18], $0xC80  }
0x56: {  	[sflag:s18] =	ssyncset.done $0x0  }
0x57: {  	[sflag:s18] =	ssyncadd.s32 $0xFFFFF380  }
0x58: {  	_ =	swait.ge [sflag:s20], $0xC80  }
0x59: {  	[sflag:s20] =	ssyncset.done $0x0  }
0x5a: {  	s24 =	sadd.s32 $0x4D58, s24;
	[sflag:s20] =	ssyncadd.s32 $0xFFFFF380  }
0x5b: {  	[spmem:s3] =	stream.indirect.scatter.add.f32 [tilespmem:s16], [sflag:$0x4], $0x10, s24, s14, $0xb8;
	[tilespmem:$0x8F20] =	vst v63  }
0x5c: {  	_ =	swait.ge [sflag:s22], $0xC80  }
0x5d: {  	s23 =	sadd.s32 $0x1, s23;
	[sflag:s22] =	ssyncset.done $0x0  }
0x5e: {  	p0 =	sne.s32 s23, s9;
	[sflag:s22] =	ssyncadd.s32 $0xFFFFF380  }
.Ltmp1:
0x5f: {  	[bflag:$0x0] =	sbarrier.arrive $0xFFFF;
	(pc) =	sbr.rel @p0 .LBB2_1-.Ltmp1, $4  }
0x60: {  	[hbm:s8], [sflag:s12] =	dma.local [spmem:s13], $0x500  }
0x61: {  	_ =	swait.ge [sflag:s10], $0x500  }
0x62: {  	[sflag:s10] =	ssyncset.done $0x0  }
0x63: {  	[sflag:s10] =	ssyncadd.s32 $0xFFFFFB00  }
0x64: {  	_ =	sfence.sel $0x180000  }
0x65: {  	[bflag:$0x0] =	sbarrier.arrive $0xFFFF  }
0x66: {  	p0 =	sne.s32 s1, $0x0;
	_ =	strace $0x90000047  }
0x67: {  	s0 =	sadd.s32 @!p0 $0x100000, s0;
	[bflag:$0x2] =	sbarrier.arrive $0xFFFF  }
0x68: {  	[sflag:s0] =	ssyncadd.tile.s32 @!p0 $0x1;
	_ =	shalt  }
.Lfunc_end2:
_tile_overlayer_lowered:
.L_overlay_start_2:
0x69: {  	(tag) =	ssettag $0x2  }
0x6a: {  	s0 =	rddreg [dreg:$0x0];
	s2 =	stileid.u32  }
0x6b: {  	s1 =	rddreg [dreg:$0x1];
	p0 =	sne.s32 s2, $0x0  }
0x6c: {  	s3 =	rddreg [dreg:$0x2];
	[bflag:$0x3] =	sbarrier.arrive $0xFFFF;
	s2 =	simm.s32 @!p0 $0x1C05  }
0x6d: {  	[timem:s3], [sflag:s2] =	dma.local @!p0 [hbm:s0], s1  }
0x6e: {  	s0 =	simm.s32 @!p0 $0x5  }
0x6f: {  	_ =	swait.ge @!p0 [sflag:s0], s1  }
0x70: {  	s1 =	ssub.s32 @!p0 $0x0, s1;
	[sflag:s0] =	ssyncset.done @!p0 $0x0  }
0x71: {  	[sflag:s0] =	ssyncadd.s32 @!p0 s1  }
0x72: {  	[bflag:$0x3] =	sbarrier.arrive $0xFFFF  }
0x73: {  	_ =	shalt  }

// kernel: kernel.16.cloned.1.call-start
scs
__scs_entry_jumppad:
0x0: {  	(pc) =	sbr.rel $0x88, $3  }
0x1: {  	(tag) =	ssettag $0x0;
	lr =	simm.s32 $0x1  }
0x2: {  	[smem:$0x3F95] =	sst lr;
	_ =	strace $0xD0000000  }
0x3: {  	_ = 	snop  }
0x4: {  	_ = 	snop  }
0x5: {  	_ = 	snop  }
0x6: {  	_ = 	snop  }
0x7: {  	_ = 	snop  }
__scs_overlays_trampoline_lowered:
0x8: {  	[smem:$0x3FA4] =	sst s0  }
0x9: {  	[smem:$0x3FA5] =	sst s1  }
0xa: {  	[smem:$0x3FA6] =	sst s2  }
0xb: {  	[smem:$0x3FA7] =	sst s3  }
0xc: {  	[smem:$0x3FA8] =	sst s4  }
0xd: {  	[smem:$0x3FA9] =	sst s5  }
0xe: {  	[smem:$0x3FAA] =	sst s6  }
0xf: {  	[smem:$0x3FAB] =	sst s7  }
0x10: {  	[smem:$0x3FAC] =	sst s8  }
0x11: {  	[smem:$0x3FAD] =	sst s9;
	s0 =	simm.s32 @!p0 $0x0  }
0x12: {  	s1 =	sld [smem:$0x3F93];
	s0 =	simm.s32 @p0 $0x1  }
0x13: {  	[smem:$0x3FAE] =	sst s0;
	s0 =	simm.s32 @!p1 $0x0  }
0x14: {  	s2 =	sld [smem:$0x3F92];
	s0 =	simm.s32 @p1 $0x1  }
0x15: {  	[smem:$0x3FAF] =	sst s0;
	s0 =	simm.s32 @!p2 $0x0  }
0x16: {  	s3 =	sld [smem:$0x3FDB];
	s0 =	simm.s32 @p2 $0x1  }
0x17: {  	s4 =	simm.s32 $0x1BF5;
	[smem:$0x3FB1] =	sst s0  }
0x18: {  	s0 =	sld [smem:$0x3F94];
	_ =	swait.ge [sflag:s4], $0x0  }
0x19: {  	s7 =	sld [smem:$0x3F95]  }
0x1a: {  	s8 =	sadd.s32 $0xFFFFE003, lr  }
0x1b: {  	s9 =	sadd.s32 $0xFFFFFEF7, lr;
	s5 =	simm.s32 $0xFFFFFFFF;
	p2 =	slt.u32 s8, $0xFFFFF086  }
0x1c: {  	p1 =	slt.u32 s9, $0xF7A;
	s5 =	simm.s32 @!p2 $0x0  }
0x1d: {  	s5 =	simm.s32 @p1 $0x1;
	p0 =	seq.s32 s7, s2  }
0x1e: {  	s7 =	smul.u32 @!p0 $0xF7A, s2;
	p2 =	seq.s32 @!p0 s5, $0x0  }
0x1f: {  	s9 =	smul.u32 $0xF7A, s1;
	s8 =	simm.s32 @!p0 $0x1BF5;
	p2 =	por !p2, p0  }
0x20: {  	[sflag:s8] =	ssyncset.s32 @!p0 $0xFFFFF086;
	s6 =	sadd.s32 @!p0 s3, s7;
	s7 =	simm.s32 @!p0 $0x108  }
0x21: {  	s3 =	sadd.s32 s3, s9;
	s6 =	sadd.s32 @!p0 $0x88, s6;
	s7 =	simm.s32 @p2 $0x1082  }
0x22: {  	[simem:s7], [sflag:s8] =	dma.local @!p0 [hbm:s6], $0xF7A  }
0x23: {  	s9 =	sor.u32 $0xD0000000, s2;
	s6 =	simm.s32 $0x108;
	_ =	swait.ge @!p0 [sflag:s8], $0x0  }
0x24: {  	s3 =	sadd.s32 $0x88, s3;
	s6 =	simm.s32 @!p1 $0x1082;
	[sflag:s4] =	ssyncset.s32 $0xFFFFF086  }
0x25: {  	[simem:s6], [sflag:s4] =	dma.local [hbm:s3], $0xF7A  }
0x26: {  	[smem:$0x3F95] =	sst s1;
	(tag) =	ssettag s2;
	_ =	strace s9  }
0x27: {  	s1 =	sld [smem:$0x3FA5]  }
0x28: {  	s2 =	sld [smem:$0x3FA6]  }
0x29: {  	s4 =	sld [smem:$0x3FA8]  }
0x2a: {  	p0 =	seq.s32 s5, $0x0;
	s5 =	sld [smem:$0x3FA9]  }
0x2b: {  	s6 =	sld [smem:$0x3FAA]  }
0x2c: {  	s7 =	sld [smem:$0x3FAB]  }
0x2d: {  	s3 =	simm.s32 $0x108;
	s8 =	sld [smem:$0x3FAC]  }
0x2e: {  	s3 =	simm.s32 @!p0 $0x1082;
	s9 =	sld [smem:$0x3FAD]  }
0x2f: {  	lr =	sadd.s32 s0, s3;
	s0 =	sld [smem:$0x3FA4]  }
0x30: {  	s3 =	sld [smem:$0x3FA7]  }
0x31: {  	[smem:$0x3FB0] =	sst s10  }
0x32: {  	s10 =	sld [smem:$0x3FAE];
	_ =	sdelay $0x3  }
0x33: {  	p0 =	seq.s32 s10, $0x1;
	s10 =	sld [smem:$0x3FB0];
	_ =	sdelay $0x3  }
0x34: {  	[smem:$0x3FB0] =	sst s10  }
0x35: {  	s10 =	sld [smem:$0x3FAF];
	_ =	sdelay $0x3  }
0x36: {  	p1 =	seq.s32 s10, $0x1;
	s10 =	sld [smem:$0x3FB0];
	_ =	sdelay $0x3  }
0x37: {  	[smem:$0x3FB0] =	sst s10  }
0x38: {  	s10 =	sld [smem:$0x3FB1]  }
0x39: {  	_ = 	snop;
	(pc) =	sbr.ind lr, $3  }
0x3a: {  	_ = 	snop  }
0x3b: {  	_ = 	snop  }
0x3c: {  	p2 =	seq.s32 s10, $0x1;
	s10 =	sld [smem:$0x3FB0]  }
0x3d: {  	_ =	shalt  }
0x3e: {  	_ =	shalt  }
0x3f: {  	_ =	shalt  }
0x40: {  	_ =	shalt  }
0x41: {  	_ =	shalt  }
0x42: {  	_ =	shalt  }
0x43: {  	_ =	shalt  }
0x44: {  	_ =	shalt  }
0x45: {  	_ =	shalt  }
0x46: {  	_ =	shalt  }
0x47: {  	_ =	shalt  }
0x48: {  	_ =	shalt  }
0x49: {  	_ =	shalt  }
0x4a: {  	_ =	shalt  }
0x4b: {  	_ =	shalt  }
0x4c: {  	_ =	shalt  }
0x4d: {  	_ =	shalt  }
0x4e: {  	_ =	shalt  }
0x4f: {  	_ =	shalt  }
0x50: {  	_ =	shalt  }
0x51: {  	_ =	shalt  }
0x52: {  	_ =	shalt  }
0x53: {  	_ =	shalt  }
0x54: {  	_ =	shalt  }
0x55: {  	_ =	shalt  }
0x56: {  	_ =	shalt  }
0x57: {  	_ =	shalt  }
0x58: {  	_ =	shalt  }
0x59: {  	_ =	shalt  }
0x5a: {  	_ =	shalt  }
0x5b: {  	_ =	shalt  }
0x5c: {  	_ =	shalt  }
0x5d: {  	_ =	shalt  }
0x5e: {  	_ =	shalt  }
0x5f: {  	_ =	shalt  }
0x60: {  	_ =	shalt  }
0x61: {  	_ =	shalt  }
0x62: {  	_ =	shalt  }
0x63: {  	_ =	shalt  }
0x64: {  	_ =	shalt  }
0x65: {  	_ =	shalt  }
0x66: {  	_ =	shalt  }
0x67: {  	_ =	shalt  }
0x68: {  	_ =	shalt  }
0x69: {  	_ =	shalt  }
0x6a: {  	_ =	shalt  }
0x6b: {  	_ =	shalt  }
0x6c: {  	_ =	shalt  }
0x6d: {  	_ =	shalt  }
0x6e: {  	_ =	shalt  }
0x6f: {  	_ =	shalt  }
0x70: {  	_ =	shalt  }
0x71: {  	_ =	shalt  }
0x72: {  	_ =	shalt  }
0x73: {  	_ =	shalt  }
0x74: {  	_ =	shalt  }
0x75: {  	_ =	shalt  }
0x76: {  	_ =	shalt  }
0x77: {  	_ =	shalt  }
0x78: {  	_ =	shalt  }
0x79: {  	_ =	shalt  }
0x7a: {  	_ =	shalt  }
0x7b: {  	_ =	shalt  }
0x7c: {  	_ =	shalt  }
0x7d: {  	_ =	shalt  }
0x7e: {  	_ =	shalt  }
0x7f: {  	_ =	shalt  }
0x80: {  	_ =	shalt  }
0x81: {  	_ =	shalt  }
0x82: {  	_ =	shalt  }
0x83: {  	_ =	shalt  }
0x84: {  	_ =	shalt  }
0x85: {  	_ =	shalt  }
0x86: {  	_ =	shalt  }
0x87: {  	_ =	shalt  }
.Lfunc_end0:
.L_simem_size_0:
called_computation.1_lowered:
.L_overlay_start_0:
0x88: {  	s2 =	sld [smem:$0x3FD9]  }
0x89: {  	s3 =	sld [smem:$0x3FFE];
	_ =	sdelay $0x1  }
0x8a: {  	s1 =	srdreg.scid  }
0x8b: {  	s0 =	sand.u32 $0x1, s1  }
0x8c: {  	s17 =	sshll.u32 s0, $0xA;
	s2 =	sadd.s32 s3, s2  }
0x8d: {  	s2 =	sadd.s32 s2, s17  }
0x8e: {  	[smem:$0x3FBC] =	sst s2  }
0x8f: {  	_ = 	snop  }
0x90: {  	(tm) =	ssettm $0x1  }
0x91: {  	s18 =	sld [smem:$0x3FFB];
	_ =	sdelay $0x3  }
0x92: {  	_ =	strace s18  }
0x93: {  	s2 =	sld [smem:$0x3FFC];
	_ =	sdelay $0x3  }
0x94: {  	_ =	strace s2  }
0x95: {  	s2 =	sld [smem:$0x3FFD];
	_ =	sdelay $0x3  }
0x96: {  	_ =	strace s2  }
0x97: {  	_ =	strace $0x8FFFFFFF  }
0x98: {  	s19 =	sld [smem:$0x3FDB];
	_ =	sdelay $0x1  }
0x99: {  	s20 =	simm.s32 $_scs_section_size  }
0x9a: {  	s4 =	simm.s32 $_size__tile_overlayer_lowered;
	s5 =	simm.s32 $_tile_overlayer_lowered  }
0x9b: {  	s6 =	simm.s32 $0x1BFF;
	s21 =	sshll.u32 s5, $0x1;
	s3 =	sadd.s32 s20, s19  }
0x9c: {  	s22 =	simm.s32 $0x0;
	s4 =	sshll.u32 s4, $0x1;
	s5 =	sadd.s32 s21, s3  }
0x9d: {  	[timem:s22], [sflag:s6] =	dma.local [hbm:s5], s4  }
0x9e: {  	_ =	swait.ge [sflag:s6], s4  }
0x9f: {  	s4 =	ssub.s32 $0x0, s4;
	[sflag:s6] =	ssyncset.done $0x0  }
0xa0: {  	[sflag:s6] =	ssyncadd.s32 s4;
	_ =	sdelay $0x1  }
0xa1: {  	s23 =	simm.s32 $0x1B8B  }
0xa2: {  	_ =	swait.ge [sflag:s23], $0x1  }
0xa3: {  	[sflag:s23] =	ssyncset.done $0x0  }
0xa4: {  	[sflag:s23] =	ssyncadd.s32 $0xFFFFFFFF  }
0xa5: {  	s4 =	sld [smem:$0x0]  }
0xa6: {  	s5 =	sand.u32 $0xFFFFFFFE, s1  }
0xa7: {  	p0 =	sne.s32 s1, s5  }
0xa8: {  	s5 =	sshll.u32 @p0 s5, $0xE  }
0xa9: {  	s5 =	sadd.s32 @p0 $0x11B8D, s5;
	s6 =	sshll.u32 @p0 s4, $0x11  }
0xaa: {  	s5 =	sor.u32 @p0 s6, s5  }
0xab: {  	[sflag:s5] =	ssyncadd.remote.s32 @p0 $0x1;
	_ =	sdelay $0x1  }
0xac: {  	s5 =	simm.s32 @p0 $0x1B8D  }
0xad: {  	_ =	swait.eq @p0 [sflag:s5], $0x1  }
0xae: {  	[sflag:s5] =	ssyncadd.s32 @p0 $0xFFFFFFFF  }
0xaf: {  	s6 =	sshll.u32 @!p0 s1, $0xE  }
0xb0: {  	s6 =	sor.u32 @!p0 $0x4000, s6;
	s5 =	simm.s32 @!p0 $0x1B8D  }
0xb1: {  	s4 =	sshll.u32 @!p0 s4, $0x11;
	s6 =	sadd.s32 @!p0 $0x11B8D, s6;
	_ =	swait.eq @!p0 [sflag:s5], $0x1  }
0xb2: {  	s4 =	sor.u32 @!p0 s4, s6;
	[sflag:s5] =	ssyncadd.s32 @!p0 $0xFFFFFFFF  }
0xb3: {  	s25 =	simm.s32 $0x1B8E;
	s24 =	sld [smem:$0x3FFE];
	[sflag:s4] =	ssyncadd.remote.s32 @!p0 $0x1  }
0xb4: {  	s26 =	simm.s32 $execute0_lowered;
	[smem:$0x3FD2] =	sst s25  }
0xb5: {  	s5 =	sshll.u32 s26, $0x1;
	_ =	strace $0x8000004C;
	[dreg:$0x1] =	wrdreg $0xFFFFFFFF  }
0xb6: {  	s28 =	simm.s32 $_size_execute0_lowered;
	s3 =	sadd.s32 s3, s5;
	[dreg:$0x0] =	wrdreg $0x0  }
0xb7: {  	s5 =	sshll.u32 s28, $0x1;
	[dreg:$0x2] =	wrdreg s3  }
0xb8: {  	[dreg:$0x3] =	wrdreg s5  }
0xb9: {  	[dreg:$0x4] =	wrdreg $0xC0  }
0xba: {  	_ =	task [dreg:s22], $0x5FFFF  }
0xbb: {  	[dreg:$0x1] =	wrdreg $0xFFFFFFFF  }
0xbc: {  	[dreg:$0x0] =	wrdreg $0x60  }
0xbd: {  	[dreg:$0x2] =	wrdreg s24  }
0xbe: {  	[dreg:$0x3] =	wrdreg $0xB2200  }
0xbf: {  	[dreg:$0x4] =	wrdreg $0x9  }
0xc0: {  	_ =	task.clear_ibuf [dreg:s22], $0x5FFFF;
	_ =	strace $0x9000004C  }
0xc1: {  	s29 =	simm.s32 $0x9;
	_ =	strace $0x8000004E  }
0xc2: {  	_ =	swait.ge [sflag:s29], $0x1  }
0xc3: {  	[sflag:s29] =	ssyncadd.s32 $0xFFFFFFFF  }
0xc4: {  	_ =	strace $0x9000004E  }
0xc5: {  	_ =	sfence  }
0xc6: {  	s30 =	sld [smem:$0x0];
	_ =	sdelay $0x2  }
0xc7: {  	s31 =	sshll.u32 s1, $0xD;
	s1 =	sshrl.u32 s1, $0x2  }
0xc8: {  	s4 =	sand.u32 $0x4000, s31;
	s1 =	sadd.s32 s1, s30  }
0xc9: {  	s0 =	sor.u32 s4, s0;
	s1 =	sshll.u32 s1, $0x11  }
0xca: {  	s0 =	sor.u32 s1, s0  }
0xcb: {  	s0 =	sadd.s32 $0x8F2B, s0  }
0xcc: {  	[sflag:s0] =	ssyncadd.remote.s32 $0x1  }
0xcd: {  	_ =	sfence.sel $0xFFFF  }
0xce: {  	[dreg:$0x0] =	wrdreg $0xFFFFFFFF;
	(pc) =	sbr.abs _section_cstart, $3  }
0xcf: {  	[dreg:$0x1] =	wrdreg $0xFFFFFFFF  }
0xd0: {  	_ =	task.clear_ibuf [dreg:s22], $0x2FFFF;
	_ =	strace $0x9FFFFFFF  }
0xd1: {  	(tm) =	ssettm $0x7FFFFFFF  }
tec
execute0_lowered:
.L_overlay_start_1:
0x0: {  	(tag) =	ssettag $0x1  }
0x1: {  	s6 =	rddreg [dreg:$0x0];
	s0 =	srdreg.scid  }
0x2: {  	s2 =	rddreg [dreg:$0x1];
	s1 =	stileid.u32  }
0x3: {  	s3 =	simm.s32 $0x0;
	s14 =	simm.s32 $0xC8;
	s15 =	simm.s32 $0x4E20  }
0x4: {  	s16 =	simm.s32 $0x8020;
	s17 =	simm.s32 $0x1;
	s18 =	simm.s32 $0x3  }
0x5: {  	s19 =	simm.s32 $0x190;
	s20 =	simm.s32 $0x2;
	s21 =	simm.s32 $0x27D8  }
0x6: {  	s22 =	simm.s32 $0x4;
	s5 =	sand.u32 $0x1, s0;
	s0 =	rddreg [dreg:$0x2]  }
0x7: {  	s23 =	simm.s32 $0x0;
	s8 =	smul.u32 $0xA000, s1;
	[smem:$0x7FF] =	sst s3  }
0x8: {  	s12 =	sshll.u32 s1, $0x6;
	s4 =	sshll.u32 s5, $0x4;
	s7 =	smul.u32 $0xA0000, s5  }
0x9: {  	_ =	strace $0x8000004D;
	s10 =	ssub.s32 $0x2, s5;
	s5 =	sadd.s32 $0x2B000, s6  }
0xa: {  	s12 =	sor.u32 $0x1C05, s12;
	s4 =	sor.u32 s1, s4;
	s31 =	sshrl.u32 s10, $0x1  }
0xb: {  	s13 =	sadd.s32 s8, s2;
	s9 =	smul.u32 $0x4E2, s4;
	s7 =	sadd.s32 s8, s7  }
0xc: {  	s4 =	sadd.s32 $0x54400, s6;
	s10 =	ssub.s32 s10, s31;
	s7 =	sshrl.u32 s7, $0x3  }
0xd: {  	s13 =	sshrl.u32 s13, $0x3;
	s9 =	sadd.s32 s9, s6;
	s11 =	sadd.s32 s7, s6  }
0xe: {  	s6 =	sadd.s32 $0x3A00, s9;
	s7 =	sadd.s32 $0xD800, s9;
	s8 =	sadd.s32 $0x67E00, s11  }
0xf: {  	s9 =	smax.u32 s10, $0x1;
	s10 =	simm.s32 $0x5;
	s11 =	simm.s32 $0x2710  }
.LBB2_1:
0x10: {  	[tilespmem:s3], [sflag:$0x5] =	stream.linear.gather [hbm4b:s6+s3], $0x2710, $0x38;
	[tilespmem:$0x15220] =	vst v63  }
0x11: {  	_ =	swait.ge [sflag:s10], $0x2710  }
0x12: {  	[sflag:s10] =	ssyncset.done $0x0  }
0x13: {  	[sflag:s10] =	ssyncadd.s32 $0xFFFFD8F0  }
0x14: {  	[tilespmem:s11], [sflag:$0x5] =	stream.linear.gather [hbm4b:s7+s3], $0x2710, $0x38;
	[tilespmem:$0x15220] =	vst v63  }
0x15: {  	_ =	swait.ge [sflag:s10], $0x2710  }
0x16: {  	[sflag:s10] =	ssyncset.done $0x0  }
0x17: {  	[sflag:s10] =	ssyncadd.s32 $0xFFFFD8F0  }
0x18: {  	[spmem:s13], [sflag:s12] =	dma.local [hbm:s5], $0x1400  }
0x19: {  	_ =	swait.ge [sflag:s10], $0x1400  }
0x1a: {  	[sflag:s10] =	ssyncset.done $0x0  }
0x1b: {  	[sflag:s10] =	ssyncadd.s32 $0xFFFFEC00  }
0x1c: {  	[bflag:$0x0] =	sbarrier.arrive $0xFFFF  }
0x1d: {  	[tilespmem:s15], [sflag:$0x1] =	stream.indirect.gather [hbm4b:s4+s14], $0x40, s3, s14, $0xb8;
	[tilespmem:$0x15220] =	vst v63  }
0x1e: {  	_ = 	snop  }
0x1f: {  	[tilespmem:s16], [sflag:$0x2] =	stream.indirect.gather [hbm4b:s4+s14], $0x40, s14, s14, $0xb8;
	[tilespmem:$0x15220] =	vst v63  }
0x20: {  	_ =	swait.ge [sflag:s17], $0x3200  }
0x21: {  	[sflag:s17] =	ssyncset.done $0x0  }
0x22: {  	[sflag:s17] =	ssyncadd.s32 $0xFFFFCE00  }
0x23: {  	[spmem:s2] =	stream.indirect.scatter.add.f32 [tilespmem:s15], [sflag:$0x3], $0x40, s11, s14, $0xb8;
	[tilespmem:$0x15220] =	vst v63  }
0x24: {  	_ =	swait.ge [sflag:s18], $0x3200  }
0x25: {  	[sflag:s18] =	ssyncset.done $0x0  }
0x26: {  	[sflag:s18] =	ssyncadd.s32 $0xFFFFCE00  }
0x27: {  	[tilespmem:s15], [sflag:$0x1] =	stream.indirect.gather [hbm4b:s4+s14], $0x40, s19, s14, $0xb8;
	[tilespmem:$0x15220] =	vst v63  }
0x28: {  	_ =	swait.ge [sflag:s20], $0x3200  }
0x29: {  	[sflag:s20] =	ssyncset.done $0x0  }
0x2a: {  	[sflag:s20] =	ssyncadd.s32 $0xFFFFCE00  }
0x2b: {  	[spmem:s2] =	stream.indirect.scatter.add.f32 [tilespmem:s16], [sflag:$0x4], $0x40, s21, s14, $0xb8;
	[tilespmem:$0x15220] =	vst v63  }
0x2c: {  	_ =	swait.ge [sflag:s22], $0x3200  }
0x2d: {  	[sflag:s22] =	ssyncset.done $0x0  }
0x2e: {  	s24 =	simm.s32 $0x258;
	[sflag:s22] =	ssyncadd.s32 $0xFFFFCE00  }
0x2f: {  	[tilespmem:s16], [sflag:$0x2] =	stream.indirect.gather [hbm4b:s4+s14], $0x40, s24, s14, $0xb8;
	[tilespmem:$0x15220] =	vst v63  }
0x30: {  	_ =	swait.ge [sflag:s17], $0x3200  }
0x31: {  	[sflag:s17] =	ssyncset.done $0x0  }
0x32: {  	s30 =	simm.s32 $0x28A0;
	[sflag:s17] =	ssyncadd.s32 $0xFFFFCE00  }
0x33: {  	[spmem:s2] =	stream.indirect.scatter.add.f32 [tilespmem:s15], [sflag:$0x3], $0x40, s30, s14, $0xb8;
	[tilespmem:$0x15220] =	vst v63  }
0x34: {  	_ =	swait.ge [sflag:s18], $0x3200  }
0x35: {  	[sflag:s18] =	ssyncset.done $0x0  }
0x36: {  	s31 =	simm.s32 $0x320;
	[sflag:s18] =	ssyncadd.s32 $0xFFFFCE00  }
0x37: {  	[tilespmem:s15], [sflag:$0x1] =	stream.indirect.gather [hbm4b:s4+s14], $0x40, s31, s14, $0xb8;
	[tilespmem:$0x15220] =	vst v63  }
0x38: {  	_ =	swait.ge [sflag:s20], $0x3200  }
0x39: {  	[sflag:s20] =	ssyncset.done $0x0  }
0x3a: {  	s25 =	simm.s32 $0x2968;
	s24 =	simm.s32 $0xFFFF7680;
	[sflag:s20] =	ssyncadd.s32 $0xFFFFCE00  }
.LBB2_2:
0x3b: {  	[spmem:s2] =	stream.indirect.scatter.add.f32 [tilespmem:s16], [sflag:$0x4], $0x40, s25, s14, $0xb8;
	[tilespmem:$0x15220] =	vst v63  }
0x3c: {  	s25 =	smov.u32 s24;
	s24 =	sadd.s32 $0x640, s24;
	_ =	swait.ge [sflag:s22], $0x3200  }
0x3d: {  	s25 =	sshra.s32 s25, $0x2;
	p0 =	sne.s32 s24, $0x0;
	[sflag:s22] =	ssyncset.done $0x0  }
0x3e: {  	s26 =	sadd.s32 $0x2648, s25;
	[sflag:s22] =	ssyncadd.s32 $0xFFFFCE00  }
0x3f: {  	[tilespmem:s16], [sflag:$0x2] =	stream.indirect.gather [hbm4b:s4+s14], $0x40, s26, s14, $0xb8;
	[tilespmem:$0x15220] =	vst v63  }
0x40: {  	_ =	swait.ge [sflag:s17], $0x3200  }
0x41: {  	[sflag:s17] =	ssyncset.done $0x0  }
0x42: {  	s26 =	sadd.s32 $0x4C90, s25;
	[sflag:s17] =	ssyncadd.s32 $0xFFFFCE00  }
0x43: {  	[spmem:s2] =	stream.indirect.scatter.add.f32 [tilespmem:s15], [sflag:$0x3], $0x40, s26, s14, $0xb8;
	[tilespmem:$0x15220] =	vst v63  }
0x44: {  	_ =	swait.ge [sflag:s18], $0x3200  }
0x45: {  	[sflag:s18] =	ssyncset.done $0x0  }
.Ltmp0:
0x46: {  	s26 =	sadd.s32 $0x2710, s25;
	[sflag:s18] =	ssyncadd.s32 $0xFFFFCE00;
	(pc) =	sbr.rel @p0 .LBB2_2-.Ltmp0, $4  }
0x47: {  	[tilespmem:s15], [sflag:$0x1] =	stream.indirect.gather [hbm4b:s4+s14], $0x40, s26, s14, $0xb8;
	[tilespmem:$0x15220] =	vst v63  }
0x48: {  	_ =	swait.ge [sflag:s20], $0x3200  }
0x49: {  	[sflag:s20] =	ssyncset.done $0x0  }
0x4a: {  	s25 =	sadd.s32 $0x4D58, s25;
	[sflag:s20] =	ssyncadd.s32 $0xFFFFCE00  }
0x4b: {  	[spmem:s2] =	stream.indirect.scatter.add.f32 [tilespmem:s16], [sflag:$0x4], $0x40, s25, s14, $0xb8;
	[tilespmem:$0x15220] =	vst v63  }
0x4c: {  	_ =	swait.ge [sflag:s22], $0x3200  }
0x4d: {  	s24 =	sshra.s32 s24, $0x2;
	[sflag:s22] =	ssyncset.done $0x0  }
0x4e: {  	s30 =	sadd.s32 $0x2648, s24;
	[sflag:s22] =	ssyncadd.s32 $0xFFFFCE00  }
0x4f: {  	[tilespmem:s16], [sflag:$0x2] =	stream.indirect.gather [hbm4b:s4+s14], $0x40, s30, s14, $0xb8;
	[tilespmem:$0x15220] =	vst v63  }
0x50: {  	_ =	swait.ge [sflag:s17], $0x3200  }
0x51: {  	[sflag:s17] =	ssyncset.done $0x0  }
0x52: {  	s31 =	sadd.s32 $0x4C90, s24;
	[sflag:s17] =	ssyncadd.s32 $0xFFFFCE00  }
0x53: {  	[spmem:s2] =	stream.indirect.scatter.add.f32 [tilespmem:s15], [sflag:$0x3], $0x40, s31, s14, $0xb8;
	[tilespmem:$0x15220] =	vst v63  }
0x54: {  	_ =	swait.ge [sflag:s18], $0x3200  }
0x55: {  	[sflag:s18] =	ssyncset.done $0x0  }
0x56: {  	[sflag:s18] =	ssyncadd.s32 $0xFFFFCE00  }
0x57: {  	_ =	swait.ge [sflag:s20], $0x3200  }
0x58: {  	[sflag:s20] =	ssyncset.done $0x0  }
0x59: {  	s24 =	sadd.s32 $0x4D58, s24;
	[sflag:s20] =	ssyncadd.s32 $0xFFFFCE00  }
0x5a: {  	[spmem:s2] =	stream.indirect.scatter.add.f32 [tilespmem:s16], [sflag:$0x4], $0x40, s24, s14, $0xb8;
	[tilespmem:$0x15220] =	vst v63  }
0x5b: {  	_ =	swait.ge [sflag:s22], $0x3200  }
0x5c: {  	s23 =	sadd.s32 $0x1, s23;
	[sflag:s22] =	ssyncset.done $0x0  }
0x5d: {  	p0 =	sne.s32 s23, s9;
	[sflag:s22] =	ssyncadd.s32 $0xFFFFCE00  }
.Ltmp1:
0x5e: {  	[bflag:$0x0] =	sbarrier.arrive $0xFFFF;
	(pc) =	sbr.rel @p0 .LBB2_1-.Ltmp1, $4  }
0x5f: {  	[hbm:s8], [sflag:s12] =	dma.local [spmem:s13], $0x1400  }
0x60: {  	_ =	swait.ge [sflag:s10], $0x1400  }
0x61: {  	[sflag:s10] =	ssyncset.done $0x0  }
0x62: {  	[sflag:s10] =	ssyncadd.s32 $0xFFFFEC00  }
0x63: {  	_ =	sfence.sel $0x180000  }
0x64: {  	[bflag:$0x0] =	sbarrier.arrive $0xFFFF  }
0x65: {  	p0 =	sne.s32 s1, $0x0;
	_ =	strace $0x9000004D  }
0x66: {  	s0 =	sadd.s32 @!p0 $0x100000, s0;
	[bflag:$0x2] =	sbarrier.arrive $0xFFFF  }
0x67: {  	[sflag:s0] =	ssyncadd.tile.s32 @!p0 $0x1;
	_ =	shalt  }
.Lfunc_end2:
_tile_overlayer_lowered:
.L_overlay_start_2:
0x68: {  	(tag) =	ssettag $0x2  }
0x69: {  	s0 =	rddreg [dreg:$0x0];
	s2 =	stileid.u32  }
0x6a: {  	s1 =	rddreg [dreg:$0x1];
	p0 =	sne.s32 s2, $0x0  }
0x6b: {  	s3 =	rddreg [dreg:$0x2];
	[bflag:$0x3] =	sbarrier.arrive $0xFFFF;
	s2 =	simm.s32 @!p0 $0x1C05  }
0x6c: {  	[timem:s3], [sflag:s2] =	dma.local @!p0 [hbm:s0], s1  }
0x6d: {  	s0 =	simm.s32 @!p0 $0x5  }
0x6e: {  	_ =	swait.ge @!p0 [sflag:s0], s1  }
0x6f: {  	s1 =	ssub.s32 @!p0 $0x0, s1;
	[sflag:s0] =	ssyncset.done @!p0 $0x0  }
0x70: {  	[sflag:s0] =	ssyncadd.s32 @!p0 s1  }
0x71: {  	[bflag:$0x3] =	sbarrier.arrive $0xFFFF  }
0x72: {  	_ =	shalt  }

// kernel: kernel.19.cloned.1.call-start
scs
__scs_entry_jumppad:
0x0: {  	(pc) =	sbr.rel $0x88, $3  }
0x1: {  	(tag) =	ssettag $0x0;
	lr =	simm.s32 $0x1  }
0x2: {  	[smem:$0x3F95] =	sst lr;
	_ =	strace $0xD0000000  }
0x3: {  	_ = 	snop  }
0x4: {  	_ = 	snop  }
0x5: {  	_ = 	snop  }
0x6: {  	_ = 	snop  }
0x7: {  	_ = 	snop  }
__scs_overlays_trampoline_lowered:
0x8: {  	[smem:$0x3FA4] =	sst s0  }
0x9: {  	[smem:$0x3FA5] =	sst s1  }
0xa: {  	[smem:$0x3FA6] =	sst s2  }
0xb: {  	[smem:$0x3FA7] =	sst s3  }
0xc: {  	[smem:$0x3FA8] =	sst s4  }
0xd: {  	[smem:$0x3FA9] =	sst s5  }
0xe: {  	[smem:$0x3FAA] =	sst s6  }
0xf: {  	[smem:$0x3FAB] =	sst s7  }
0x10: {  	[smem:$0x3FAC] =	sst s8  }
0x11: {  	[smem:$0x3FAD] =	sst s9;
	s0 =	simm.s32 @!p0 $0x0  }
0x12: {  	s1 =	sld [smem:$0x3F93];
	s0 =	simm.s32 @p0 $0x1  }
0x13: {  	[smem:$0x3FAE] =	sst s0;
	s0 =	simm.s32 @!p1 $0x0  }
0x14: {  	s2 =	sld [smem:$0x3F92];
	s0 =	simm.s32 @p1 $0x1  }
0x15: {  	[smem:$0x3FAF] =	sst s0;
	s0 =	simm.s32 @!p2 $0x0  }
0x16: {  	s3 =	sld [smem:$0x3FDB];
	s0 =	simm.s32 @p2 $0x1  }
0x17: {  	s4 =	simm.s32 $0x1BF5;
	[smem:$0x3FB1] =	sst s0  }
0x18: {  	s0 =	sld [smem:$0x3F94];
	_ =	swait.ge [sflag:s4], $0x0  }
0x19: {  	s7 =	sld [smem:$0x3F95]  }
0x1a: {  	s8 =	sadd.s32 $0xFFFFE003, lr  }
0x1b: {  	s9 =	sadd.s32 $0xFFFFFEF7, lr;
	s5 =	simm.s32 $0xFFFFFFFF;
	p2 =	slt.u32 s8, $0xFFFFF086  }
0x1c: {  	p1 =	slt.u32 s9, $0xF7A;
	s5 =	simm.s32 @!p2 $0x0  }
0x1d: {  	s5 =	simm.s32 @p1 $0x1;
	p0 =	seq.s32 s7, s2  }
0x1e: {  	s7 =	smul.u32 @!p0 $0xF7A, s2;
	p2 =	seq.s32 @!p0 s5, $0x0  }
0x1f: {  	s9 =	smul.u32 $0xF7A, s1;
	s8 =	simm.s32 @!p0 $0x1BF5;
	p2 =	por !p2, p0  }
0x20: {  	[sflag:s8] =	ssyncset.s32 @!p0 $0xFFFFF086;
	s6 =	sadd.s32 @!p0 s3, s7;
	s7 =	simm.s32 @!p0 $0x108  }
0x21: {  	s3 =	sadd.s32 s3, s9;
	s6 =	sadd.s32 @!p0 $0x88, s6;
	s7 =	simm.s32 @p2 $0x1082  }
0x22: {  	[simem:s7], [sflag:s8] =	dma.local @!p0 [hbm:s6], $0xF7A  }
0x23: {  	s9 =	sor.u32 $0xD0000000, s2;
	s6 =	simm.s32 $0x108;
	_ =	swait.ge @!p0 [sflag:s8], $0x0  }
0x24: {  	s3 =	sadd.s32 $0x88, s3;
	s6 =	simm.s32 @!p1 $0x1082;
	[sflag:s4] =	ssyncset.s32 $0xFFFFF086  }
0x25: {  	[simem:s6], [sflag:s4] =	dma.local [hbm:s3], $0xF7A  }
0x26: {  	[smem:$0x3F95] =	sst s1;
	(tag) =	ssettag s2;
	_ =	strace s9  }
0x27: {  	s1 =	sld [smem:$0x3FA5]  }
0x28: {  	s2 =	sld [smem:$0x3FA6]  }
0x29: {  	s4 =	sld [smem:$0x3FA8]  }
0x2a: {  	p0 =	seq.s32 s5, $0x0;
	s5 =	sld [smem:$0x3FA9]  }
0x2b: {  	s6 =	sld [smem:$0x3FAA]  }
0x2c: {  	s7 =	sld [smem:$0x3FAB]  }
0x2d: {  	s3 =	simm.s32 $0x108;
	s8 =	sld [smem:$0x3FAC]  }
0x2e: {  	s3 =	simm.s32 @!p0 $0x1082;
	s9 =	sld [smem:$0x3FAD]  }
0x2f: {  	lr =	sadd.s32 s0, s3;
	s0 =	sld [smem:$0x3FA4]  }
0x30: {  	s3 =	sld [smem:$0x3FA7]  }
0x31: {  	[smem:$0x3FB0] =	sst s10  }
0x32: {  	s10 =	sld [smem:$0x3FAE];
	_ =	sdelay $0x3  }
0x33: {  	p0 =	seq.s32 s10, $0x1;
	s10 =	sld [smem:$0x3FB0];
	_ =	sdelay $0x3  }
0x34: {  	[smem:$0x3FB0] =	sst s10  }
0x35: {  	s10 =	sld [smem:$0x3FAF];
	_ =	sdelay $0x3  }
0x36: {  	p1 =	seq.s32 s10, $0x1;
	s10 =	sld [smem:$0x3FB0];
	_ =	sdelay $0x3  }
0x37: {  	[smem:$0x3FB0] =	sst s10  }
0x38: {  	s10 =	sld [smem:$0x3FB1]  }
0x39: {  	_ = 	snop;
	(pc) =	sbr.ind lr, $3  }
0x3a: {  	_ = 	snop  }
0x3b: {  	_ = 	snop  }
0x3c: {  	p2 =	seq.s32 s10, $0x1;
	s10 =	sld [smem:$0x3FB0]  }
0x3d: {  	_ =	shalt  }
0x3e: {  	_ =	shalt  }
0x3f: {  	_ =	shalt  }
0x40: {  	_ =	shalt  }
0x41: {  	_ =	shalt  }
0x42: {  	_ =	shalt  }
0x43: {  	_ =	shalt  }
0x44: {  	_ =	shalt  }
0x45: {  	_ =	shalt  }
0x46: {  	_ =	shalt  }
0x47: {  	_ =	shalt  }
0x48: {  	_ =	shalt  }
0x49: {  	_ =	shalt  }
0x4a: {  	_ =	shalt  }
0x4b: {  	_ =	shalt  }
0x4c: {  	_ =	shalt  }
0x4d: {  	_ =	shalt  }
0x4e: {  	_ =	shalt  }
0x4f: {  	_ =	shalt  }
0x50: {  	_ =	shalt  }
0x51: {  	_ =	shalt  }
0x52: {  	_ =	shalt  }
0x53: {  	_ =	shalt  }
0x54: {  	_ =	shalt  }
0x55: {  	_ =	shalt  }
0x56: {  	_ =	shalt  }
0x57: {  	_ =	shalt  }
0x58: {  	_ =	shalt  }
0x59: {  	_ =	shalt  }
0x5a: {  	_ =	shalt  }
0x5b: {  	_ =	shalt  }
0x5c: {  	_ =	shalt  }
0x5d: {  	_ =	shalt  }
0x5e: {  	_ =	shalt  }
0x5f: {  	_ =	shalt  }
0x60: {  	_ =	shalt  }
0x61: {  	_ =	shalt  }
0x62: {  	_ =	shalt  }
0x63: {  	_ =	shalt  }
0x64: {  	_ =	shalt  }
0x65: {  	_ =	shalt  }
0x66: {  	_ =	shalt  }
0x67: {  	_ =	shalt  }
0x68: {  	_ =	shalt  }
0x69: {  	_ =	shalt  }
0x6a: {  	_ =	shalt  }
0x6b: {  	_ =	shalt  }
0x6c: {  	_ =	shalt  }
0x6d: {  	_ =	shalt  }
0x6e: {  	_ =	shalt  }
0x6f: {  	_ =	shalt  }
0x70: {  	_ =	shalt  }
0x71: {  	_ =	shalt  }
0x72: {  	_ =	shalt  }
0x73: {  	_ =	shalt  }
0x74: {  	_ =	shalt  }
0x75: {  	_ =	shalt  }
0x76: {  	_ =	shalt  }
0x77: {  	_ =	shalt  }
0x78: {  	_ =	shalt  }
0x79: {  	_ =	shalt  }
0x7a: {  	_ =	shalt  }
0x7b: {  	_ =	shalt  }
0x7c: {  	_ =	shalt  }
0x7d: {  	_ =	shalt  }
0x7e: {  	_ =	shalt  }
0x7f: {  	_ =	shalt  }
0x80: {  	_ =	shalt  }
0x81: {  	_ =	shalt  }
0x82: {  	_ =	shalt  }
0x83: {  	_ =	shalt  }
0x84: {  	_ =	shalt  }
0x85: {  	_ =	shalt  }
0x86: {  	_ =	shalt  }
0x87: {  	_ =	shalt  }
.Lfunc_end0:
.L_simem_size_0:
called_computation.2_lowered:
.L_overlay_start_0:
0x88: {  	s2 =	sld [smem:$0x3FD9]  }
0x89: {  	s3 =	sld [smem:$0x3FFE];
	_ =	sdelay $0x1  }
0x8a: {  	s1 =	srdreg.scid  }
0x8b: {  	s0 =	sand.u32 $0x1, s1  }
0x8c: {  	s16 =	sshll.u32 s0, $0xA;
	s2 =	sadd.s32 s3, s2  }
0x8d: {  	s2 =	sadd.s32 s2, s16  }
0x8e: {  	[smem:$0x3FBC] =	sst s2  }
0x8f: {  	_ = 	snop  }
0x90: {  	(tm) =	ssettm $0x1  }
0x91: {  	s17 =	sld [smem:$0x3FFB];
	_ =	sdelay $0x3  }
0x92: {  	_ =	strace s17  }
0x93: {  	s2 =	sld [smem:$0x3FFC];
	_ =	sdelay $0x3  }
0x94: {  	_ =	strace s2  }
0x95: {  	s2 =	sld [smem:$0x3FFD];
	_ =	sdelay $0x3  }
0x96: {  	_ =	strace s2  }
0x97: {  	_ =	strace $0x8FFFFFFF  }
0x98: {  	s18 =	sld [smem:$0x3FDB];
	_ =	sdelay $0x1  }
0x99: {  	s19 =	simm.s32 $_scs_section_size  }
0x9a: {  	s4 =	simm.s32 $_size__tile_overlayer_lowered;
	s5 =	simm.s32 $_tile_overlayer_lowered  }
0x9b: {  	s22 =	simm.s32 $0x1BFF;
	s21 =	sshll.u32 s5, $0x1;
	s2 =	sadd.s32 s19, s18  }
0x9c: {  	s6 =	simm.s32 $0x0;
	s20 =	sshll.u32 s4, $0x1;
	s4 =	sadd.s32 s21, s2  }
0x9d: {  	[timem:s6], [sflag:s22] =	dma.local [hbm:s4], s20  }
0x9e: {  	_ =	swait.ge [sflag:s22], s20  }
0x9f: {  	s3 =	ssub.s32 $0x0, s20;
	[sflag:s22] =	ssyncset.done $0x0  }
0xa0: {  	[sflag:s22] =	ssyncadd.s32 s3;
	_ =	sdelay $0x1  }
0xa1: {  	s23 =	simm.s32 $0x1B8B  }
0xa2: {  	_ =	swait.ge [sflag:s23], $0x1  }
0xa3: {  	[sflag:s23] =	ssyncset.done $0x0  }
0xa4: {  	s25 =	simm.s32 $0x1B8E;
	s24 =	sld [smem:$0x3FFE];
	[sflag:s23] =	ssyncadd.s32 $0xFFFFFFFF  }
0xa5: {  	s26 =	simm.s32 $execute0_lowered;
	[smem:$0x3FD2] =	sst s25  }
0xa6: {  	s4 =	sshll.u32 s26, $0x1;
	_ =	strace $0x80000049;
	[dreg:$0x1] =	wrdreg $0xFFFFFFFF  }
0xa7: {  	s28 =	simm.s32 $_size_execute0_lowered;
	s2 =	sadd.s32 s2, s4;
	[dreg:$0x0] =	wrdreg $0x0  }
0xa8: {  	s4 =	sshll.u32 s28, $0x1;
	[dreg:$0x2] =	wrdreg s2  }
0xa9: {  	[dreg:$0x3] =	wrdreg s4  }
0xaa: {  	[dreg:$0x4] =	wrdreg $0xC0  }
0xab: {  	_ =	task [dreg:s6], $0x5FFFF  }
0xac: {  	[dreg:$0x1] =	wrdreg $0xFFFFFFFF  }
0xad: {  	[dreg:$0x0] =	wrdreg $0x60  }
0xae: {  	[dreg:$0x2] =	wrdreg s24  }
0xaf: {  	[dreg:$0x3] =	wrdreg $0xB2200  }
0xb0: {  	[dreg:$0x4] =	wrdreg $0xA  }
0xb1: {  	_ =	task.clear_ibuf [dreg:s6], $0x5FFFF;
	_ =	strace $0x90000049  }
0xb2: {  	s29 =	simm.s32 $0xA;
	_ =	strace $0x8000004B  }
0xb3: {  	_ =	swait.ge [sflag:s29], $0x1  }
0xb4: {  	[sflag:s29] =	ssyncadd.s32 $0xFFFFFFFF  }
0xb5: {  	_ =	strace $0x9000004B  }
0xb6: {  	_ =	sfence  }
0xb7: {  	s30 =	sld [smem:$0x0];
	_ =	sdelay $0x2  }
0xb8: {  	s31 =	sshll.u32 s1, $0xD;
	s1 =	sshrl.u32 s1, $0x2  }
0xb9: {  	s3 =	sand.u32 $0x4000, s31;
	s1 =	sadd.s32 s1, s30  }
0xba: {  	s0 =	sor.u32 s3, s0;
	s1 =	sshll.u32 s1, $0x11  }
0xbb: {  	s0 =	sor.u32 s1, s0  }
0xbc: {  	s0 =	sadd.s32 $0x8F2B, s0  }
0xbd: {  	[sflag:s0] =	ssyncadd.remote.s32 $0x1  }
0xbe: {  	_ =	sfence.sel $0xFFFF  }
0xbf: {  	[dreg:$0x0] =	wrdreg $0xFFFFFFFF;
	(pc) =	sbr.abs _section_cstart, $3  }
0xc0: {  	[dreg:$0x1] =	wrdreg $0xFFFFFFFF  }
0xc1: {  	_ =	task.clear_ibuf [dreg:s6], $0x2FFFF;
	_ =	strace $0x9FFFFFFF  }
0xc2: {  	(tm) =	ssettm $0x7FFFFFFF  }
0xc3: {  	_ =	shalt  }
tec
execute0_lowered:
.L_overlay_start_1:
0x0: {  	(tag) =	ssettag $0x1  }
0x1: {  	s6 =	rddreg [dreg:$0x0];
	s0 =	srdreg.scid  }
0x2: {  	s2 =	rddreg [dreg:$0x1];
	s1 =	stileid.u32  }
0x3: {  	s3 =	simm.s32 $0x0;
	s14 =	simm.s32 $0xC8;
	s15 =	simm.s32 $0x4E20  }
0x4: {  	s16 =	simm.s32 $0x8020;
	s17 =	simm.s32 $0x1;
	s18 =	simm.s32 $0x3  }
0x5: {  	s19 =	simm.s32 $0x190;
	s20 =	simm.s32 $0x2;
	s21 =	simm.s32 $0x27D8  }
0x6: {  	s22 =	simm.s32 $0x4;
	s5 =	sand.u32 $0x1, s0;
	s0 =	rddreg [dreg:$0x2]  }
0x7: {  	s23 =	simm.s32 $0x0;
	s8 =	smul.u32 $0xA000, s1;
	[smem:$0x7FF] =	sst s3  }
0x8: {  	s12 =	sshll.u32 s1, $0x6;
	s4 =	sshll.u32 s5, $0x4;
	s7 =	smul.u32 $0xA0000, s5  }
0x9: {  	_ =	strace $0x8000004A;
	s10 =	ssub.s32 $0x2, s5;
	s5 =	sadd.s32 $0x2B000, s6  }
0xa: {  	s12 =	sor.u32 $0x1C05, s12;
	s4 =	sor.u32 s1, s4;
	s31 =	sshrl.u32 s10, $0x1  }
0xb: {  	s13 =	sadd.s32 s8, s2;
	s9 =	smul.u32 $0x4E2, s4;
	s7 =	sadd.s32 s8, s7  }
0xc: {  	s4 =	sadd.s32 $0x17600, s6;
	s10 =	ssub.s32 s10, s31;
	s7 =	sshrl.u32 s7, $0x3  }
0xd: {  	s13 =	sshrl.u32 s13, $0x3;
	s9 =	sadd.s32 s9, s6;
	s11 =	sadd.s32 s7, s6  }
0xe: {  	s6 =	sadd.s32 $0x3A00, s9;
	s7 =	sadd.s32 $0xD800, s9;
	s8 =	sadd.s32 $0x2C400, s11  }
0xf: {  	s9 =	smax.u32 s10, $0x1;
	s10 =	simm.s32 $0x5;
	s11 =	simm.s32 $0x2710  }
.LBB2_1:
0x10: {  	[tilespmem:s3], [sflag:$0x5] =	stream.linear.gather [hbm4b:s6+s3], $0x2710, $0x38;
	[tilespmem:$0x15220] =	vst v63  }
0x11: {  	_ =	swait.ge [sflag:s10], $0x2710  }
0x12: {  	[sflag:s10] =	ssyncset.done $0x0  }
0x13: {  	[sflag:s10] =	ssyncadd.s32 $0xFFFFD8F0  }
0x14: {  	[tilespmem:s11], [sflag:$0x5] =	stream.linear.gather [hbm4b:s7+s3], $0x2710, $0x38;
	[tilespmem:$0x15220] =	vst v63  }
0x15: {  	_ =	swait.ge [sflag:s10], $0x2710  }
0x16: {  	[sflag:s10] =	ssyncset.done $0x0  }
0x17: {  	[sflag:s10] =	ssyncadd.s32 $0xFFFFD8F0  }
0x18: {  	[spmem:s13], [sflag:s12] =	dma.local [hbm:s5], $0x1400  }
0x19: {  	_ =	swait.ge [sflag:s10], $0x1400  }
0x1a: {  	[sflag:s10] =	ssyncset.done $0x0  }
0x1b: {  	[sflag:s10] =	ssyncadd.s32 $0xFFFFEC00  }
0x1c: {  	[bflag:$0x0] =	sbarrier.arrive $0xFFFF  }
0x1d: {  	[tilespmem:s15], [sflag:$0x1] =	stream.indirect.gather [hbm4b:s4+s14], $0x40, s3, s14, $0xb8;
	[tilespmem:$0x15220] =	vst v63  }
0x1e: {  	_ = 	snop  }
0x1f: {  	[tilespmem:s16], [sflag:$0x2] =	stream.indirect.gather [hbm4b:s4+s14], $0x40, s14, s14, $0xb8;
	[tilespmem:$0x15220] =	vst v63  }
0x20: {  	_ =	swait.ge [sflag:s17], $0x3200  }
0x21: {  	[sflag:s17] =	ssyncset.done $0x0  }
0x22: {  	[sflag:s17] =	ssyncadd.s32 $0xFFFFCE00  }
0x23: {  	[spmem:s2] =	stream.indirect.scatter.add.f32 [tilespmem:s15], [sflag:$0x3], $0x40, s11, s14, $0xb8;
	[tilespmem:$0x15220] =	vst v63  }
0x24: {  	_ =	swait.ge [sflag:s18], $0x3200  }
0x25: {  	[sflag:s18] =	ssyncset.done $0x0  }
0x26: {  	[sflag:s18] =	ssyncadd.s32 $0xFFFFCE00  }
0x27: {  	[tilespmem:s15], [sflag:$0x1] =	stream.indirect.gather [hbm4b:s4+s14], $0x40, s19, s14, $0xb8;
	[tilespmem:$0x15220] =	vst v63  }
0x28: {  	_ =	swait.ge [sflag:s20], $0x3200  }
0x29: {  	[sflag:s20] =	ssyncset.done $0x0  }
0x2a: {  	[sflag:s20] =	ssyncadd.s32 $0xFFFFCE00  }
0x2b: {  	[spmem:s2] =	stream.indirect.scatter.add.f32 [tilespmem:s16], [sflag:$0x4], $0x40, s21, s14, $0xb8;
	[tilespmem:$0x15220] =	vst v63  }
0x2c: {  	_ =	swait.ge [sflag:s22], $0x3200  }
0x2d: {  	[sflag:s22] =	ssyncset.done $0x0  }
0x2e: {  	s24 =	simm.s32 $0x258;
	[sflag:s22] =	ssyncadd.s32 $0xFFFFCE00  }
0x2f: {  	[tilespmem:s16], [sflag:$0x2] =	stream.indirect.gather [hbm4b:s4+s14], $0x40, s24, s14, $0xb8;
	[tilespmem:$0x15220] =	vst v63  }
0x30: {  	_ =	swait.ge [sflag:s17], $0x3200  }
0x31: {  	[sflag:s17] =	ssyncset.done $0x0  }
0x32: {  	s30 =	simm.s32 $0x28A0;
	[sflag:s17] =	ssyncadd.s32 $0xFFFFCE00  }
0x33: {  	[spmem:s2] =	stream.indirect.scatter.add.f32 [tilespmem:s15], [sflag:$0x3], $0x40, s30, s14, $0xb8;
	[tilespmem:$0x15220] =	vst v63  }
0x34: {  	_ =	swait.ge [sflag:s18], $0x3200  }
0x35: {  	[sflag:s18] =	ssyncset.done $0x0  }
0x36: {  	s31 =	simm.s32 $0x320;
	[sflag:s18] =	ssyncadd.s32 $0xFFFFCE00  }
0x37: {  	[tilespmem:s15], [sflag:$0x1] =	stream.indirect.gather [hbm4b:s4+s14], $0x40, s31, s14, $0xb8;
	[tilespmem:$0x15220] =	vst v63  }
0x38: {  	_ =	swait.ge [sflag:s20], $0x3200  }
0x39: {  	[sflag:s20] =	ssyncset.done $0x0  }
0x3a: {  	s25 =	simm.s32 $0x2968;
	s24 =	simm.s32 $0xFFFF7680;
	[sflag:s20] =	ssyncadd.s32 $0xFFFFCE00  }
.LBB2_2:
0x3b: {  	[spmem:s2] =	stream.indirect.scatter.add.f32 [tilespmem:s16], [sflag:$0x4], $0x40, s25, s14, $0xb8;
	[tilespmem:$0x15220] =	vst v63  }
0x3c: {  	s25 =	smov.u32 s24;
	s24 =	sadd.s32 $0x640, s24;
	_ =	swait.ge [sflag:s22], $0x3200  }
0x3d: {  	s25 =	sshra.s32 s25, $0x2;
	p0 =	sne.s32 s24, $0x0;
	[sflag:s22] =	ssyncset.done $0x0  }
0x3e: {  	s26 =	sadd.s32 $0x2648, s25;
	[sflag:s22] =	ssyncadd.s32 $0xFFFFCE00  }
0x3f: {  	[tilespmem:s16], [sflag:$0x2] =	stream.indirect.gather [hbm4b:s4+s14], $0x40, s26, s14, $0xb8;
	[tilespmem:$0x15220] =	vst v63  }
0x40: {  	_ =	swait.ge [sflag:s17], $0x3200  }
0x41: {  	[sflag:s17] =	ssyncset.done $0x0  }
0x42: {  	s26 =	sadd.s32 $0x4C90, s25;
	[sflag:s17] =	ssyncadd.s32 $0xFFFFCE00  }
0x43: {  	[spmem:s2] =	stream.indirect.scatter.add.f32 [tilespmem:s15], [sflag:$0x3], $0x40, s26, s14, $0xb8;
	[tilespmem:$0x15220] =	vst v63  }
0x44: {  	_ =	swait.ge [sflag:s18], $0x3200  }
0x45: {  	[sflag:s18] =	ssyncset.done $0x0  }
.Ltmp0:
0x46: {  	s26 =	sadd.s32 $0x2710, s25;
	[sflag:s18] =	ssyncadd.s32 $0xFFFFCE00;
	(pc) =	sbr.rel @p0 .LBB2_2-.Ltmp0, $4  }
0x47: {  	[tilespmem:s15], [sflag:$0x1] =	stream.indirect.gather [hbm4b:s4+s14], $0x40, s26, s14, $0xb8;
	[tilespmem:$0x15220] =	vst v63  }
0x48: {  	_ =	swait.ge [sflag:s20], $0x3200  }
0x49: {  	[sflag:s20] =	ssyncset.done $0x0  }
0x4a: {  	s25 =	sadd.s32 $0x4D58, s25;
	[sflag:s20] =	ssyncadd.s32 $0xFFFFCE00  }
0x4b: {  	[spmem:s2] =	stream.indirect.scatter.add.f32 [tilespmem:s16], [sflag:$0x4], $0x40, s25, s14, $0xb8;
	[tilespmem:$0x15220] =	vst v63  }
0x4c: {  	_ =	swait.ge [sflag:s22], $0x3200  }
0x4d: {  	s24 =	sshra.s32 s24, $0x2;
	[sflag:s22] =	ssyncset.done $0x0  }
0x4e: {  	s30 =	sadd.s32 $0x2648, s24;
	[sflag:s22] =	ssyncadd.s32 $0xFFFFCE00  }
0x4f: {  	[tilespmem:s16], [sflag:$0x2] =	stream.indirect.gather [hbm4b:s4+s14], $0x40, s30, s14, $0xb8;
	[tilespmem:$0x15220] =	vst v63  }
0x50: {  	_ =	swait.ge [sflag:s17], $0x3200  }
0x51: {  	[sflag:s17] =	ssyncset.done $0x0  }
0x52: {  	s31 =	sadd.s32 $0x4C90, s24;
	[sflag:s17] =	ssyncadd.s32 $0xFFFFCE00  }
0x53: {  	[spmem:s2] =	stream.indirect.scatter.add.f32 [tilespmem:s15], [sflag:$0x3], $0x40, s31, s14, $0xb8;
	[tilespmem:$0x15220] =	vst v63  }
0x54: {  	_ =	swait.ge [sflag:s18], $0x3200  }
0x55: {  	[sflag:s18] =	ssyncset.done $0x0  }
0x56: {  	[sflag:s18] =	ssyncadd.s32 $0xFFFFCE00  }
0x57: {  	_ =	swait.ge [sflag:s20], $0x3200  }
0x58: {  	[sflag:s20] =	ssyncset.done $0x0  }
0x59: {  	s24 =	sadd.s32 $0x4D58, s24;
	[sflag:s20] =	ssyncadd.s32 $0xFFFFCE00  }
0x5a: {  	[spmem:s2] =	stream.indirect.scatter.add.f32 [tilespmem:s16], [sflag:$0x4], $0x40, s24, s14, $0xb8;
	[tilespmem:$0x15220] =	vst v63  }
0x5b: {  	_ =	swait.ge [sflag:s22], $0x3200  }
0x5c: {  	s23 =	sadd.s32 $0x1, s23;
	[sflag:s22] =	ssyncset.done $0x0  }
0x5d: {  	p0 =	sne.s32 s23, s9;
	[sflag:s22] =	ssyncadd.s32 $0xFFFFCE00  }
.Ltmp1:
0x5e: {  	[bflag:$0x0] =	sbarrier.arrive $0xFFFF;
	(pc) =	sbr.rel @p0 .LBB2_1-.Ltmp1, $4  }
0x5f: {  	[hbm:s8], [sflag:s12] =	dma.local [spmem:s13], $0x1400  }
0x60: {  	_ =	swait.ge [sflag:s10], $0x1400  }
0x61: {  	[sflag:s10] =	ssyncset.done $0x0  }
0x62: {  	[sflag:s10] =	ssyncadd.s32 $0xFFFFEC00  }
0x63: {  	_ =	sfence.sel $0x180000  }
0x64: {  	[bflag:$0x0] =	sbarrier.arrive $0xFFFF  }
0x65: {  	p0 =	sne.s32 s1, $0x0;
	_ =	strace $0x9000004A  }
0x66: {  	s0 =	sadd.s32 @!p0 $0x100000, s0;
	[bflag:$0x2] =	sbarrier.arrive $0xFFFF  }
0x67: {  	[sflag:s0] =	ssyncadd.tile.s32 @!p0 $0x1;
	_ =	shalt  }
.Lfunc_end2:
_tile_overlayer_lowered:
.L_overlay_start_2:
0x68: {  	(tag) =	ssettag $0x2  }
0x69: {  	s0 =	rddreg [dreg:$0x0];
	s2 =	stileid.u32  }
0x6a: {  	s1 =	rddreg [dreg:$0x1];
	p0 =	sne.s32 s2, $0x0  }
0x6b: {  	s3 =	rddreg [dreg:$0x2];
	[bflag:$0x3] =	sbarrier.arrive $0xFFFF;
	s2 =	simm.s32 @!p0 $0x1C05  }
0x6c: {  	[timem:s3], [sflag:s2] =	dma.local @!p0 [hbm:s0], s1  }
0x6d: {  	s0 =	simm.s32 @!p0 $0x5  }
0x6e: {  	_ =	swait.ge @!p0 [sflag:s0], s1  }
0x6f: {  	s1 =	ssub.s32 @!p0 $0x0, s1;
	[sflag:s0] =	ssyncset.done @!p0 $0x0  }
0x70: {  	[sflag:s0] =	ssyncadd.s32 @!p0 s1  }
0x71: {  	[bflag:$0x3] =	sbarrier.arrive $0xFFFF  }
0x72: {  	_ =	shalt  }

// kernel: kernel.22.cloned.1.call-start
scs
__scs_entry_jumppad:
0x0: {  	(pc) =	sbr.rel $0x88, $3  }
0x1: {  	(tag) =	ssettag $0x0;
	lr =	simm.s32 $0x1  }
0x2: {  	[smem:$0x3F95] =	sst lr;
	_ =	strace $0xD0000000  }
0x3: {  	_ = 	snop  }
0x4: {  	_ = 	snop  }
0x5: {  	_ = 	snop  }
0x6: {  	_ = 	snop  }
0x7: {  	_ = 	snop  }
__scs_overlays_trampoline_lowered:
0x8: {  	[smem:$0x3FA4] =	sst s0  }
0x9: {  	[smem:$0x3FA5] =	sst s1  }
0xa: {  	[smem:$0x3FA6] =	sst s2  }
0xb: {  	[smem:$0x3FA7] =	sst s3  }
0xc: {  	[smem:$0x3FA8] =	sst s4  }
0xd: {  	[smem:$0x3FA9] =	sst s5  }
0xe: {  	[smem:$0x3FAA] =	sst s6  }
0xf: {  	[smem:$0x3FAB] =	sst s7  }
0x10: {  	[smem:$0x3FAC] =	sst s8  }
0x11: {  	[smem:$0x3FAD] =	sst s9;
	s0 =	simm.s32 @!p0 $0x0  }
0x12: {  	s1 =	sld [smem:$0x3F93];
	s0 =	simm.s32 @p0 $0x1  }
0x13: {  	[smem:$0x3FAE] =	sst s0;
	s0 =	simm.s32 @!p1 $0x0  }
0x14: {  	s2 =	sld [smem:$0x3F92];
	s0 =	simm.s32 @p1 $0x1  }
0x15: {  	[smem:$0x3FAF] =	sst s0;
	s0 =	simm.s32 @!p2 $0x0  }
0x16: {  	s3 =	sld [smem:$0x3FDB];
	s0 =	simm.s32 @p2 $0x1  }
0x17: {  	s4 =	simm.s32 $0x1BF5;
	[smem:$0x3FB1] =	sst s0  }
0x18: {  	s0 =	sld [smem:$0x3F94];
	_ =	swait.ge [sflag:s4], $0x0  }
0x19: {  	s7 =	sld [smem:$0x3F95]  }
0x1a: {  	s8 =	sadd.s32 $0xFFFFE003, lr  }
0x1b: {  	s9 =	sadd.s32 $0xFFFFFEF7, lr;
	s5 =	simm.s32 $0xFFFFFFFF;
	p2 =	slt.u32 s8, $0xFFFFF086  }
0x1c: {  	p1 =	slt.u32 s9, $0xF7A;
	s5 =	simm.s32 @!p2 $0x0  }
0x1d: {  	s5 =	simm.s32 @p1 $0x1;
	p0 =	seq.s32 s7, s2  }
0x1e: {  	s7 =	smul.u32 @!p0 $0xF7A, s2;
	p2 =	seq.s32 @!p0 s5, $0x0  }
0x1f: {  	s9 =	smul.u32 $0xF7A, s1;
	s8 =	simm.s32 @!p0 $0x1BF5;
	p2 =	por !p2, p0  }
0x20: {  	[sflag:s8] =	ssyncset.s32 @!p0 $0xFFFFF086;
	s6 =	sadd.s32 @!p0 s3, s7;
	s7 =	simm.s32 @!p0 $0x108  }
0x21: {  	s3 =	sadd.s32 s3, s9;
	s6 =	sadd.s32 @!p0 $0x88, s6;
	s7 =	simm.s32 @p2 $0x1082  }
0x22: {  	[simem:s7], [sflag:s8] =	dma.local @!p0 [hbm:s6], $0xF7A  }
0x23: {  	s9 =	sor.u32 $0xD0000000, s2;
	s6 =	simm.s32 $0x108;
	_ =	swait.ge @!p0 [sflag:s8], $0x0  }
0x24: {  	s3 =	sadd.s32 $0x88, s3;
	s6 =	simm.s32 @!p1 $0x1082;
	[sflag:s4] =	ssyncset.s32 $0xFFFFF086  }
0x25: {  	[simem:s6], [sflag:s4] =	dma.local [hbm:s3], $0xF7A  }
0x26: {  	[smem:$0x3F95] =	sst s1;
	(tag) =	ssettag s2;
	_ =	strace s9  }
0x27: {  	s1 =	sld [smem:$0x3FA5]  }
0x28: {  	s2 =	sld [smem:$0x3FA6]  }
0x29: {  	s4 =	sld [smem:$0x3FA8]  }
0x2a: {  	p0 =	seq.s32 s5, $0x0;
	s5 =	sld [smem:$0x3FA9]  }
0x2b: {  	s6 =	sld [smem:$0x3FAA]  }
0x2c: {  	s7 =	sld [smem:$0x3FAB]  }
0x2d: {  	s3 =	simm.s32 $0x108;
	s8 =	sld [smem:$0x3FAC]  }
0x2e: {  	s3 =	simm.s32 @!p0 $0x1082;
	s9 =	sld [smem:$0x3FAD]  }
0x2f: {  	lr =	sadd.s32 s0, s3;
	s0 =	sld [smem:$0x3FA4]  }
0x30: {  	s3 =	sld [smem:$0x3FA7]  }
0x31: {  	[smem:$0x3FB0] =	sst s10  }
0x32: {  	s10 =	sld [smem:$0x3FAE];
	_ =	sdelay $0x3  }
0x33: {  	p0 =	seq.s32 s10, $0x1;
	s10 =	sld [smem:$0x3FB0];
	_ =	sdelay $0x3  }
0x34: {  	[smem:$0x3FB0] =	sst s10  }
0x35: {  	s10 =	sld [smem:$0x3FAF];
	_ =	sdelay $0x3  }
0x36: {  	p1 =	seq.s32 s10, $0x1;
	s10 =	sld [smem:$0x3FB0];
	_ =	sdelay $0x3  }
0x37: {  	[smem:$0x3FB0] =	sst s10  }
0x38: {  	s10 =	sld [smem:$0x3FB1]  }
0x39: {  	_ = 	snop;
	(pc) =	sbr.ind lr, $3  }
0x3a: {  	_ = 	snop  }
0x3b: {  	_ = 	snop  }
0x3c: {  	p2 =	seq.s32 s10, $0x1;
	s10 =	sld [smem:$0x3FB0]  }
0x3d: {  	_ =	shalt  }
0x3e: {  	_ =	shalt  }
0x3f: {  	_ =	shalt  }
0x40: {  	_ =	shalt  }
0x41: {  	_ =	shalt  }
0x42: {  	_ =	shalt  }
0x43: {  	_ =	shalt  }
0x44: {  	_ =	shalt  }
0x45: {  	_ =	shalt  }
0x46: {  	_ =	shalt  }
0x47: {  	_ =	shalt  }
0x48: {  	_ =	shalt  }
0x49: {  	_ =	shalt  }
0x4a: {  	_ =	shalt  }
0x4b: {  	_ =	shalt  }
0x4c: {  	_ =	shalt  }
0x4d: {  	_ =	shalt  }
0x4e: {  	_ =	shalt  }
0x4f: {  	_ =	shalt  }
0x50: {  	_ =	shalt  }
0x51: {  	_ =	shalt  }
0x52: {  	_ =	shalt  }
0x53: {  	_ =	shalt  }
0x54: {  	_ =	shalt  }
0x55: {  	_ =	shalt  }
0x56: {  	_ =	shalt  }
0x57: {  	_ =	shalt  }
0x58: {  	_ =	shalt  }
0x59: {  	_ =	shalt  }
0x5a: {  	_ =	shalt  }
0x5b: {  	_ =	shalt  }
0x5c: {  	_ =	shalt  }
0x5d: {  	_ =	shalt  }
0x5e: {  	_ =	shalt  }
0x5f: {  	_ =	shalt  }
0x60: {  	_ =	shalt  }
0x61: {  	_ =	shalt  }
0x62: {  	_ =	shalt  }
0x63: {  	_ =	shalt  }
0x64: {  	_ =	shalt  }
0x65: {  	_ =	shalt  }
0x66: {  	_ =	shalt  }
0x67: {  	_ =	shalt  }
0x68: {  	_ =	shalt  }
0x69: {  	_ =	shalt  }
0x6a: {  	_ =	shalt  }
0x6b: {  	_ =	shalt  }
0x6c: {  	_ =	shalt  }
0x6d: {  	_ =	shalt  }
0x6e: {  	_ =	shalt  }
0x6f: {  	_ =	shalt  }
0x70: {  	_ =	shalt  }
0x71: {  	_ =	shalt  }
0x72: {  	_ =	shalt  }
0x73: {  	_ =	shalt  }
0x74: {  	_ =	shalt  }
0x75: {  	_ =	shalt  }
0x76: {  	_ =	shalt  }
0x77: {  	_ =	shalt  }
0x78: {  	_ =	shalt  }
0x79: {  	_ =	shalt  }
0x7a: {  	_ =	shalt  }
0x7b: {  	_ =	shalt  }
0x7c: {  	_ =	shalt  }
0x7d: {  	_ =	shalt  }
0x7e: {  	_ =	shalt  }
0x7f: {  	_ =	shalt  }
0x80: {  	_ =	shalt  }
0x81: {  	_ =	shalt  }
0x82: {  	_ =	shalt  }
0x83: {  	_ =	shalt  }
0x84: {  	_ =	shalt  }
0x85: {  	_ =	shalt  }
0x86: {  	_ =	shalt  }
0x87: {  	_ =	shalt  }
.Lfunc_end0:
.L_simem_size_0:
called_computation.3_lowered:
.L_overlay_start_0:
0x88: {  	s2 =	sld [smem:$0x3FD9]  }
0x89: {  	s3 =	sld [smem:$0x3FFE];
	_ =	sdelay $0x1  }
0x8a: {  	s1 =	srdreg.scid  }
0x8b: {  	s0 =	sand.u32 $0x1, s1  }
0x8c: {  	s16 =	sshll.u32 s0, $0xA;
	s2 =	sadd.s32 s3, s2  }
0x8d: {  	s2 =	sadd.s32 s2, s16  }
0x8e: {  	[smem:$0x3FBC] =	sst s2  }
0x8f: {  	_ = 	snop  }
0x90: {  	(tm) =	ssettm $0x1  }
0x91: {  	s17 =	sld [smem:$0x3FFB];
	_ =	sdelay $0x3  }
0x92: {  	_ =	strace s17  }
0x93: {  	s2 =	sld [smem:$0x3FFC];
	_ =	sdelay $0x3  }
0x94: {  	_ =	strace s2  }
0x95: {  	s2 =	sld [smem:$0x3FFD];
	_ =	sdelay $0x3  }
0x96: {  	_ =	strace s2  }
0x97: {  	_ =	strace $0x8FFFFFFF  }
0x98: {  	s18 =	sld [smem:$0x3FDB];
	_ =	sdelay $0x1  }
0x99: {  	s19 =	simm.s32 $_scs_section_size  }
0x9a: {  	s4 =	simm.s32 $_size__tile_overlayer_lowered;
	s5 =	simm.s32 $_tile_overlayer_lowered  }
0x9b: {  	s22 =	simm.s32 $0x1BFF;
	s21 =	sshll.u32 s5, $0x1;
	s2 =	sadd.s32 s19, s18  }
0x9c: {  	s6 =	simm.s32 $0x0;
	s20 =	sshll.u32 s4, $0x1;
	s4 =	sadd.s32 s21, s2  }
0x9d: {  	[timem:s6], [sflag:s22] =	dma.local [hbm:s4], s20  }
0x9e: {  	_ =	swait.ge [sflag:s22], s20  }
0x9f: {  	s3 =	ssub.s32 $0x0, s20;
	[sflag:s22] =	ssyncset.done $0x0  }
0xa0: {  	[sflag:s22] =	ssyncadd.s32 s3;
	_ =	sdelay $0x1  }
0xa1: {  	s23 =	simm.s32 $0x1B8B  }
0xa2: {  	_ =	swait.ge [sflag:s23], $0x1  }
0xa3: {  	[sflag:s23] =	ssyncset.done $0x0  }
0xa4: {  	s25 =	simm.s32 $0x1B8E;
	s24 =	sld [smem:$0x3FFE];
	[sflag:s23] =	ssyncadd.s32 $0xFFFFFFFF  }
0xa5: {  	s26 =	simm.s32 $execute0_lowered;
	[smem:$0x3FD2] =	sst s25  }
0xa6: {  	s4 =	sshll.u32 s26, $0x1;
	_ =	strace $0x8000004F;
	[dreg:$0x1] =	wrdreg $0xFFFFFFFF  }
0xa7: {  	s28 =	simm.s32 $_size_execute0_lowered;
	s2 =	sadd.s32 s2, s4;
	[dreg:$0x0] =	wrdreg $0x0  }
0xa8: {  	s4 =	sshll.u32 s28, $0x1;
	[dreg:$0x2] =	wrdreg s2  }
0xa9: {  	[dreg:$0x3] =	wrdreg s4  }
0xaa: {  	[dreg:$0x4] =	wrdreg $0xC0  }
0xab: {  	_ =	task [dreg:s6], $0x5FFFF  }
0xac: {  	[dreg:$0x1] =	wrdreg $0xFFFFFFFF  }
0xad: {  	[dreg:$0x0] =	wrdreg $0x60  }
0xae: {  	[dreg:$0x2] =	wrdreg s24  }
0xaf: {  	[dreg:$0x3] =	wrdreg $0xB2200  }
0xb0: {  	[dreg:$0x4] =	wrdreg $0x9  }
0xb1: {  	_ =	task.clear_ibuf [dreg:s6], $0x5FFFF;
	_ =	strace $0x9000004F  }
0xb2: {  	s29 =	simm.s32 $0x9;
	_ =	strace $0x80000051  }
0xb3: {  	_ =	swait.ge [sflag:s29], $0x1  }
0xb4: {  	[sflag:s29] =	ssyncadd.s32 $0xFFFFFFFF  }
0xb5: {  	_ =	strace $0x90000051  }
0xb6: {  	_ =	sfence  }
0xb7: {  	s30 =	sld [smem:$0x0];
	_ =	sdelay $0x2  }
0xb8: {  	s31 =	sshll.u32 s1, $0xD;
	s1 =	sshrl.u32 s1, $0x2  }
0xb9: {  	s3 =	sand.u32 $0x4000, s31;
	s1 =	sadd.s32 s1, s30  }
0xba: {  	s0 =	sor.u32 s3, s0;
	s1 =	sshll.u32 s1, $0x11  }
0xbb: {  	s0 =	sor.u32 s1, s0  }
0xbc: {  	s0 =	sadd.s32 $0x8F2B, s0  }
0xbd: {  	[sflag:s0] =	ssyncadd.remote.s32 $0x1  }
0xbe: {  	_ =	sfence.sel $0xFFFF  }
0xbf: {  	[dreg:$0x0] =	wrdreg $0xFFFFFFFF;
	(pc) =	sbr.abs _section_cstart, $3  }
0xc0: {  	[dreg:$0x1] =	wrdreg $0xFFFFFFFF  }
0xc1: {  	_ =	task.clear_ibuf [dreg:s6], $0x2FFFF;
	_ =	strace $0x9FFFFFFF  }
0xc2: {  	(tm) =	ssettm $0x7FFFFFFF  }
0xc3: {  	_ =	shalt  }
tec
execute0_lowered:
.L_overlay_start_1:
0x0: {  	(tag) =	ssettag $0x1  }
0x1: {  	s6 =	rddreg [dreg:$0x0];
	s0 =	srdreg.scid  }
0x2: {  	s2 =	rddreg [dreg:$0x1];
	s1 =	stileid.u32  }
0x3: {  	s3 =	simm.s32 $0x0;
	s14 =	simm.s32 $0xC8;
	s15 =	simm.s32 $0x4E20  }
0x4: {  	s16 =	simm.s32 $0x8020;
	s17 =	simm.s32 $0x1;
	s18 =	simm.s32 $0x3  }
0x5: {  	s19 =	simm.s32 $0x190;
	s20 =	simm.s32 $0x2;
	s21 =	simm.s32 $0x27D8  }
0x6: {  	s22 =	simm.s32 $0x4;
	s5 =	sand.u32 $0x1, s0;
	s0 =	rddreg [dreg:$0x2]  }
0x7: {  	s23 =	simm.s32 $0x0;
	s8 =	smul.u32 $0xA000, s1;
	[smem:$0x7FF] =	sst s3  }
0x8: {  	s12 =	sshll.u32 s1, $0x6;
	s4 =	sshll.u32 s5, $0x4;
	s7 =	smul.u32 $0xA0000, s5  }
0x9: {  	_ =	strace $0x80000050;
	s10 =	ssub.s32 $0x2, s5;
	s5 =	sadd.s32 $0x2B000, s6  }
0xa: {  	s12 =	sor.u32 $0x1C05, s12;
	s4 =	sor.u32 s1, s4;
	s31 =	sshrl.u32 s10, $0x1  }
0xb: {  	s13 =	sadd.s32 s8, s2;
	s9 =	smul.u32 $0x4E2, s4;
	s7 =	sadd.s32 s8, s7  }
0xc: {  	s4 =	sadd.s32 $0x17600, s6;
	s10 =	ssub.s32 s10, s31;
	s7 =	sshrl.u32 s7, $0x3  }
0xd: {  	s13 =	sshrl.u32 s13, $0x3;
	s9 =	sadd.s32 s9, s6;
	s11 =	sadd.s32 s7, s6  }
0xe: {  	s6 =	sadd.s32 $0x3A00, s9;
	s7 =	sadd.s32 $0xD800, s9;
	s8 =	sadd.s32 $0x2C400, s11  }
0xf: {  	s9 =	smax.u32 s10, $0x1;
	s10 =	simm.s32 $0x5;
	s11 =	simm.s32 $0x2710  }
.LBB2_1:
0x10: {  	[tilespmem:s3], [sflag:$0x5] =	stream.linear.gather [hbm4b:s6+s3], $0x2710, $0x38;
	[tilespmem:$0x15220] =	vst v63  }
0x11: {  	_ =	swait.ge [sflag:s10], $0x2710  }
0x12: {  	[sflag:s10] =	ssyncset.done $0x0  }
0x13: {  	[sflag:s10] =	ssyncadd.s32 $0xFFFFD8F0  }
0x14: {  	[tilespmem:s11], [sflag:$0x5] =	stream.linear.gather [hbm4b:s7+s3], $0x2710, $0x38;
	[tilespmem:$0x15220] =	vst v63  }
0x15: {  	_ =	swait.ge [sflag:s10], $0x2710  }
0x16: {  	[sflag:s10] =	ssyncset.done $0x0  }
0x17: {  	[sflag:s10] =	ssyncadd.s32 $0xFFFFD8F0  }
0x18: {  	[spmem:s13], [sflag:s12] =	dma.local [hbm:s5], $0x1400  }
0x19: {  	_ =	swait.ge [sflag:s10], $0x1400  }
0x1a: {  	[sflag:s10] =	ssyncset.done $0x0  }
0x1b: {  	[sflag:s10] =	ssyncadd.s32 $0xFFFFEC00  }
0x1c: {  	[bflag:$0x0] =	sbarrier.arrive $0xFFFF  }
0x1d: {  	[tilespmem:s15], [sflag:$0x1] =	stream.indirect.gather [hbm4b:s4+s14], $0x40, s3, s14, $0xb8;
	[tilespmem:$0x15220] =	vst v63  }
0x1e: {  	_ = 	snop  }
0x1f: {  	[tilespmem:s16], [sflag:$0x2] =	stream.indirect.gather [hbm4b:s4+s14], $0x40, s14, s14, $0xb8;
	[tilespmem:$0x15220] =	vst v63  }
0x20: {  	_ =	swait.ge [sflag:s17], $0x3200  }
0x21: {  	[sflag:s17] =	ssyncset.done $0x0  }
0x22: {  	[sflag:s17] =	ssyncadd.s32 $0xFFFFCE00  }
0x23: {  	[spmem:s2] =	stream.indirect.scatter.add.f32 [tilespmem:s15], [sflag:$0x3], $0x40, s11, s14, $0xb8;
	[tilespmem:$0x15220] =	vst v63  }
0x24: {  	_ =	swait.ge [sflag:s18], $0x3200  }
0x25: {  	[sflag:s18] =	ssyncset.done $0x0  }
0x26: {  	[sflag:s18] =	ssyncadd.s32 $0xFFFFCE00  }
0x27: {  	[tilespmem:s15], [sflag:$0x1] =	stream.indirect.gather [hbm4b:s4+s14], $0x40, s19, s14, $0xb8;
	[tilespmem:$0x15220] =	vst v63  }
0x28: {  	_ =	swait.ge [sflag:s20], $0x3200  }
0x29: {  	[sflag:s20] =	ssyncset.done $0x0  }
0x2a: {  	[sflag:s20] =	ssyncadd.s32 $0xFFFFCE00  }
0x2b: {  	[spmem:s2] =	stream.indirect.scatter.add.f32 [tilespmem:s16], [sflag:$0x4], $0x40, s21, s14, $0xb8;
	[tilespmem:$0x15220] =	vst v63  }
0x2c: {  	_ =	swait.ge [sflag:s22], $0x3200  }
0x2d: {  	[sflag:s22] =	ssyncset.done $0x0  }
0x2e: {  	s24 =	simm.s32 $0x258;
	[sflag:s22] =	ssyncadd.s32 $0xFFFFCE00  }
0x2f: {  	[tilespmem:s16], [sflag:$0x2] =	stream.indirect.gather [hbm4b:s4+s14], $0x40, s24, s14, $0xb8;
	[tilespmem:$0x15220] =	vst v63  }
0x30: {  	_ =	swait.ge [sflag:s17], $0x3200  }
0x31: {  	[sflag:s17] =	ssyncset.done $0x0  }
0x32: {  	s30 =	simm.s32 $0x28A0;
	[sflag:s17] =	ssyncadd.s32 $0xFFFFCE00  }
0x33: {  	[spmem:s2] =	stream.indirect.scatter.add.f32 [tilespmem:s15], [sflag:$0x3], $0x40, s30, s14, $0xb8;
	[tilespmem:$0x15220] =	vst v63  }
0x34: {  	_ =	swait.ge [sflag:s18], $0x3200  }
0x35: {  	[sflag:s18] =	ssyncset.done $0x0  }
0x36: {  	s31 =	simm.s32 $0x320;
	[sflag:s18] =	ssyncadd.s32 $0xFFFFCE00  }
0x37: {  	[tilespmem:s15], [sflag:$0x1] =	stream.indirect.gather [hbm4b:s4+s14], $0x40, s31, s14, $0xb8;
	[tilespmem:$0x15220] =	vst v63  }
0x38: {  	_ =	swait.ge [sflag:s20], $0x3200  }
0x39: {  	[sflag:s20] =	ssyncset.done $0x0  }
0x3a: {  	s25 =	simm.s32 $0x2968;
	s24 =	simm.s32 $0xFFFF7680;
	[sflag:s20] =	ssyncadd.s32 $0xFFFFCE00  }
.LBB2_2:
0x3b: {  	[spmem:s2] =	stream.indirect.scatter.add.f32 [tilespmem:s16], [sflag:$0x4], $0x40, s25, s14, $0xb8;
	[tilespmem:$0x15220] =	vst v63  }
0x3c: {  	s25 =	smov.u32 s24;
	s24 =	sadd.s32 $0x640, s24;
	_ =	swait.ge [sflag:s22], $0x3200  }
0x3d: {  	s25 =	sshra.s32 s25, $0x2;
	p0 =	sne.s32 s24, $0x0;
	[sflag:s22] =	ssyncset.done $0x0  }
0x3e: {  	s26 =	sadd.s32 $0x2648, s25;
	[sflag:s22] =	ssyncadd.s32 $0xFFFFCE00  }
0x3f: {  	[tilespmem:s16], [sflag:$0x2] =	stream.indirect.gather [hbm4b:s4+s14], $0x40, s26, s14, $0xb8;
	[tilespmem:$0x15220] =	vst v63  }
0x40: {  	_ =	swait.ge [sflag:s17], $0x3200  }
0x41: {  	[sflag:s17] =	ssyncset.done $0x0  }
0x42: {  	s26 =	sadd.s32 $0x4C90, s25;
	[sflag:s17] =	ssyncadd.s32 $0xFFFFCE00  }
0x43: {  	[spmem:s2] =	stream.indirect.scatter.add.f32 [tilespmem:s15], [sflag:$0x3], $0x40, s26, s14, $0xb8;
	[tilespmem:$0x15220] =	vst v63  }
0x44: {  	_ =	swait.ge [sflag:s18], $0x3200  }
0x45: {  	[sflag:s18] =	ssyncset.done $0x0  }
.Ltmp0:
0x46: {  	s26 =	sadd.s32 $0x2710, s25;
	[sflag:s18] =	ssyncadd.s32 $0xFFFFCE00;
	(pc) =	sbr.rel @p0 .LBB2_2-.Ltmp0, $4  }
0x47: {  	[tilespmem:s15], [sflag:$0x1] =	stream.indirect.gather [hbm4b:s4+s14], $0x40, s26, s14, $0xb8;
	[tilespmem:$0x15220] =	vst v63  }
0x48: {  	_ =	swait.ge [sflag:s20], $0x3200  }
0x49: {  	[sflag:s20] =	ssyncset.done $0x0  }
0x4a: {  	s25 =	sadd.s32 $0x4D58, s25;
	[sflag:s20] =	ssyncadd.s32 $0xFFFFCE00  }
0x4b: {  	[spmem:s2] =	stream.indirect.scatter.add.f32 [tilespmem:s16], [sflag:$0x4], $0x40, s25, s14, $0xb8;
	[tilespmem:$0x15220] =	vst v63  }
0x4c: {  	_ =	swait.ge [sflag:s22], $0x3200  }
0x4d: {  	s24 =	sshra.s32 s24, $0x2;
	[sflag:s22] =	ssyncset.done $0x0  }
0x4e: {  	s30 =	sadd.s32 $0x2648, s24;
	[sflag:s22] =	ssyncadd.s32 $0xFFFFCE00  }
0x4f: {  	[tilespmem:s16], [sflag:$0x2] =	stream.indirect.gather [hbm4b:s4+s14], $0x40, s30, s14, $0xb8;
	[tilespmem:$0x15220] =	vst v63  }
0x50: {  	_ =	swait.ge [sflag:s17], $0x3200  }
0x51: {  	[sflag:s17] =	ssyncset.done $0x0  }
0x52: {  	s31 =	sadd.s32 $0x4C90, s24;
	[sflag:s17] =	ssyncadd.s32 $0xFFFFCE00  }
0x53: {  	[spmem:s2] =	stream.indirect.scatter.add.f32 [tilespmem:s15], [sflag:$0x3], $0x40, s31, s14, $0xb8;
	[tilespmem:$0x15220] =	vst v63  }
0x54: {  	_ =	swait.ge [sflag:s18], $0x3200  }
0x55: {  	[sflag:s18] =	ssyncset.done $0x0  }
0x56: {  	[sflag:s18] =	ssyncadd.s32 $0xFFFFCE00  }
0x57: {  	_ =	swait.ge [sflag:s20], $0x3200  }
0x58: {  	[sflag:s20] =	ssyncset.done $0x0  }
0x59: {  	s24 =	sadd.s32 $0x4D58, s24;
	[sflag:s20] =	ssyncadd.s32 $0xFFFFCE00  }
0x5a: {  	[spmem:s2] =	stream.indirect.scatter.add.f32 [tilespmem:s16], [sflag:$0x4], $0x40, s24, s14, $0xb8;
	[tilespmem:$0x15220] =	vst v63  }
0x5b: {  	_ =	swait.ge [sflag:s22], $0x3200  }
0x5c: {  	s23 =	sadd.s32 $0x1, s23;
	[sflag:s22] =	ssyncset.done $0x0  }
0x5d: {  	p0 =	sne.s32 s23, s9;
	[sflag:s22] =	ssyncadd.s32 $0xFFFFCE00  }
.Ltmp1:
0x5e: {  	[bflag:$0x0] =	sbarrier.arrive $0xFFFF;
	(pc) =	sbr.rel @p0 .LBB2_1-.Ltmp1, $4  }
0x5f: {  	[hbm:s8], [sflag:s12] =	dma.local [spmem:s13], $0x1400  }
0x60: {  	_ =	swait.ge [sflag:s10], $0x1400  }
0x61: {  	[sflag:s10] =	ssyncset.done $0x0  }
0x62: {  	[sflag:s10] =	ssyncadd.s32 $0xFFFFEC00  }
0x63: {  	_ =	sfence.sel $0x180000  }
0x64: {  	[bflag:$0x0] =	sbarrier.arrive $0xFFFF  }
0x65: {  	p0 =	sne.s32 s1, $0x0;
	_ =	strace $0x90000050  }
0x66: {  	s0 =	sadd.s32 @!p0 $0x100000, s0;
	[bflag:$0x2] =	sbarrier.arrive $0xFFFF  }
0x67: {  	[sflag:s0] =	ssyncadd.tile.s32 @!p0 $0x1;
	_ =	shalt  }
.Lfunc_end2:
_tile_overlayer_lowered:
.L_overlay_start_2:
0x68: {  	(tag) =	ssettag $0x2  }
0x69: {  	s0 =	rddreg [dreg:$0x0];
	s2 =	stileid.u32  }
0x6a: {  	s1 =	rddreg [dreg:$0x1];
	p0 =	sne.s32 s2, $0x0  }
0x6b: {  	s3 =	rddreg [dreg:$0x2];
	[bflag:$0x3] =	sbarrier.arrive $0xFFFF;
	s2 =	simm.s32 @!p0 $0x1C05  }
0x6c: {  	[timem:s3], [sflag:s2] =	dma.local @!p0 [hbm:s0], s1  }
0x6d: {  	s0 =	simm.s32 @!p0 $0x5  }
0x6e: {  	_ =	swait.ge @!p0 [sflag:s0], s1  }
0x6f: {  	s1 =	ssub.s32 @!p0 $0x0, s1;
	[sflag:s0] =	ssyncset.done @!p0 $0x0  }
0x70: {  	[sflag:s0] =	ssyncadd.s32 @!p0 s1  }
0x71: {  	[bflag:$0x3] =	sbarrier.arrive $0xFFFF  }
0x72: {  	_ =	shalt  }

// kernel: kernel.25.cloned.1.call-start
scs
__scs_entry_jumppad:
0x0: {  	(pc) =	sbr.rel $0x88, $3  }
0x1: {  	(tag) =	ssettag $0x0;
	lr =	simm.s32 $0x1  }
0x2: {  	[smem:$0x3F95] =	sst lr;
	_ =	strace $0xD0000000  }
0x3: {  	_ = 	snop  }
0x4: {  	_ = 	snop  }
0x5: {  	_ = 	snop  }
0x6: {  	_ = 	snop  }
0x7: {  	_ = 	snop  }
__scs_overlays_trampoline_lowered:
0x8: {  	[smem:$0x3FA4] =	sst s0  }
0x9: {  	[smem:$0x3FA5] =	sst s1  }
0xa: {  	[smem:$0x3FA6] =	sst s2  }
0xb: {  	[smem:$0x3FA7] =	sst s3  }
0xc: {  	[smem:$0x3FA8] =	sst s4  }
0xd: {  	[smem:$0x3FA9] =	sst s5  }
0xe: {  	[smem:$0x3FAA] =	sst s6  }
0xf: {  	[smem:$0x3FAB] =	sst s7  }
0x10: {  	[smem:$0x3FAC] =	sst s8  }
0x11: {  	[smem:$0x3FAD] =	sst s9;
	s0 =	simm.s32 @!p0 $0x0  }
0x12: {  	s1 =	sld [smem:$0x3F93];
	s0 =	simm.s32 @p0 $0x1  }
0x13: {  	[smem:$0x3FAE] =	sst s0;
	s0 =	simm.s32 @!p1 $0x0  }
0x14: {  	s2 =	sld [smem:$0x3F92];
	s0 =	simm.s32 @p1 $0x1  }
0x15: {  	[smem:$0x3FAF] =	sst s0;
	s0 =	simm.s32 @!p2 $0x0  }
0x16: {  	s3 =	sld [smem:$0x3FDB];
	s0 =	simm.s32 @p2 $0x1  }
0x17: {  	s4 =	simm.s32 $0x1BF5;
	[smem:$0x3FB1] =	sst s0  }
0x18: {  	s0 =	sld [smem:$0x3F94];
	_ =	swait.ge [sflag:s4], $0x0  }
0x19: {  	s7 =	sld [smem:$0x3F95]  }
0x1a: {  	s8 =	sadd.s32 $0xFFFFE003, lr  }
0x1b: {  	s9 =	sadd.s32 $0xFFFFFEF7, lr;
	s5 =	simm.s32 $0xFFFFFFFF;
	p2 =	slt.u32 s8, $0xFFFFF086  }
0x1c: {  	p1 =	slt.u32 s9, $0xF7A;
	s5 =	simm.s32 @!p2 $0x0  }
0x1d: {  	s5 =	simm.s32 @p1 $0x1;
	p0 =	seq.s32 s7, s2  }
0x1e: {  	s7 =	smul.u32 @!p0 $0xF7A, s2;
	p2 =	seq.s32 @!p0 s5, $0x0  }
0x1f: {  	s9 =	smul.u32 $0xF7A, s1;
	s8 =	simm.s32 @!p0 $0x1BF5;
	p2 =	por !p2, p0  }
0x20: {  	[sflag:s8] =	ssyncset.s32 @!p0 $0xFFFFF086;
	s6 =	sadd.s32 @!p0 s3, s7;
	s7 =	simm.s32 @!p0 $0x108  }
0x21: {  	s3 =	sadd.s32 s3, s9;
	s6 =	sadd.s32 @!p0 $0x88, s6;
	s7 =	simm.s32 @p2 $0x1082  }
0x22: {  	[simem:s7], [sflag:s8] =	dma.local @!p0 [hbm:s6], $0xF7A  }
0x23: {  	s9 =	sor.u32 $0xD0000000, s2;
	s6 =	simm.s32 $0x108;
	_ =	swait.ge @!p0 [sflag:s8], $0x0  }
0x24: {  	s3 =	sadd.s32 $0x88, s3;
	s6 =	simm.s32 @!p1 $0x1082;
	[sflag:s4] =	ssyncset.s32 $0xFFFFF086  }
0x25: {  	[simem:s6], [sflag:s4] =	dma.local [hbm:s3], $0xF7A  }
0x26: {  	[smem:$0x3F95] =	sst s1;
	(tag) =	ssettag s2;
	_ =	strace s9  }
0x27: {  	s1 =	sld [smem:$0x3FA5]  }
0x28: {  	s2 =	sld [smem:$0x3FA6]  }
0x29: {  	s4 =	sld [smem:$0x3FA8]  }
0x2a: {  	p0 =	seq.s32 s5, $0x0;
	s5 =	sld [smem:$0x3FA9]  }
0x2b: {  	s6 =	sld [smem:$0x3FAA]  }
0x2c: {  	s7 =	sld [smem:$0x3FAB]  }
0x2d: {  	s3 =	simm.s32 $0x108;
	s8 =	sld [smem:$0x3FAC]  }
0x2e: {  	s3 =	simm.s32 @!p0 $0x1082;
	s9 =	sld [smem:$0x3FAD]  }
0x2f: {  	lr =	sadd.s32 s0, s3;
	s0 =	sld [smem:$0x3FA4]  }
0x30: {  	s3 =	sld [smem:$0x3FA7]  }
0x31: {  	[smem:$0x3FB0] =	sst s10  }
0x32: {  	s10 =	sld [smem:$0x3FAE];
	_ =	sdelay $0x3  }
0x33: {  	p0 =	seq.s32 s10, $0x1;
	s10 =	sld [smem:$0x3FB0];
	_ =	sdelay $0x3  }
0x34: {  	[smem:$0x3FB0] =	sst s10  }
0x35: {  	s10 =	sld [smem:$0x3FAF];
	_ =	sdelay $0x3  }
0x36: {  	p1 =	seq.s32 s10, $0x1;
	s10 =	sld [smem:$0x3FB0];
	_ =	sdelay $0x3  }
0x37: {  	[smem:$0x3FB0] =	sst s10  }
0x38: {  	s10 =	sld [smem:$0x3FB1]  }
0x39: {  	_ = 	snop;
	(pc) =	sbr.ind lr, $3  }
0x3a: {  	_ = 	snop  }
0x3b: {  	_ = 	snop  }
0x3c: {  	p2 =	seq.s32 s10, $0x1;
	s10 =	sld [smem:$0x3FB0]  }
0x3d: {  	_ =	shalt  }
0x3e: {  	_ =	shalt  }
0x3f: {  	_ =	shalt  }
0x40: {  	_ =	shalt  }
0x41: {  	_ =	shalt  }
0x42: {  	_ =	shalt  }
0x43: {  	_ =	shalt  }
0x44: {  	_ =	shalt  }
0x45: {  	_ =	shalt  }
0x46: {  	_ =	shalt  }
0x47: {  	_ =	shalt  }
0x48: {  	_ =	shalt  }
0x49: {  	_ =	shalt  }
0x4a: {  	_ =	shalt  }
0x4b: {  	_ =	shalt  }
0x4c: {  	_ =	shalt  }
0x4d: {  	_ =	shalt  }
0x4e: {  	_ =	shalt  }
0x4f: {  	_ =	shalt  }
0x50: {  	_ =	shalt  }
0x51: {  	_ =	shalt  }
0x52: {  	_ =	shalt  }
0x53: {  	_ =	shalt  }
0x54: {  	_ =	shalt  }
0x55: {  	_ =	shalt  }
0x56: {  	_ =	shalt  }
0x57: {  	_ =	shalt  }
0x58: {  	_ =	shalt  }
0x59: {  	_ =	shalt  }
0x5a: {  	_ =	shalt  }
0x5b: {  	_ =	shalt  }
0x5c: {  	_ =	shalt  }
0x5d: {  	_ =	shalt  }
0x5e: {  	_ =	shalt  }
0x5f: {  	_ =	shalt  }
0x60: {  	_ =	shalt  }
0x61: {  	_ =	shalt  }
0x62: {  	_ =	shalt  }
0x63: {  	_ =	shalt  }
0x64: {  	_ =	shalt  }
0x65: {  	_ =	shalt  }
0x66: {  	_ =	shalt  }
0x67: {  	_ =	shalt  }
0x68: {  	_ =	shalt  }
0x69: {  	_ =	shalt  }
0x6a: {  	_ =	shalt  }
0x6b: {  	_ =	shalt  }
0x6c: {  	_ =	shalt  }
0x6d: {  	_ =	shalt  }
0x6e: {  	_ =	shalt  }
0x6f: {  	_ =	shalt  }
0x70: {  	_ =	shalt  }
0x71: {  	_ =	shalt  }
0x72: {  	_ =	shalt  }
0x73: {  	_ =	shalt  }
0x74: {  	_ =	shalt  }
0x75: {  	_ =	shalt  }
0x76: {  	_ =	shalt  }
0x77: {  	_ =	shalt  }
0x78: {  	_ =	shalt  }
0x79: {  	_ =	shalt  }
0x7a: {  	_ =	shalt  }
0x7b: {  	_ =	shalt  }
0x7c: {  	_ =	shalt  }
0x7d: {  	_ =	shalt  }
0x7e: {  	_ =	shalt  }
0x7f: {  	_ =	shalt  }
0x80: {  	_ =	shalt  }
0x81: {  	_ =	shalt  }
0x82: {  	_ =	shalt  }
0x83: {  	_ =	shalt  }
0x84: {  	_ =	shalt  }
0x85: {  	_ =	shalt  }
0x86: {  	_ =	shalt  }
0x87: {  	_ =	shalt  }
.Lfunc_end0:
.L_simem_size_0:
called_computation.4_lowered:
.L_overlay_start_0:
0x88: {  	s2 =	sld [smem:$0x3FD9]  }
0x89: {  	s3 =	sld [smem:$0x3FFE];
	_ =	sdelay $0x1  }
0x8a: {  	s1 =	srdreg.scid  }
0x8b: {  	s0 =	sand.u32 $0x1, s1  }
0x8c: {  	s17 =	sshll.u32 s0, $0xA;
	s2 =	sadd.s32 s3, s2  }
0x8d: {  	s2 =	sadd.s32 s2, s17  }
0x8e: {  	[smem:$0x3FBC] =	sst s2  }
0x8f: {  	_ = 	snop  }
0x90: {  	s2 =	sld [smem:$0x3FD0];
	(tm) =	ssettm $0x1  }
0x91: {  	s18 =	sld [smem:$0x3FFB];
	_ =	sdelay $0x3  }
0x92: {  	_ =	strace s18  }
0x93: {  	s3 =	sld [smem:$0x3FFC];
	_ =	sdelay $0x3  }
0x94: {  	_ =	strace s3  }
0x95: {  	s3 =	sld [smem:$0x3FFD];
	_ =	sdelay $0x3  }
0x96: {  	_ =	strace s3  }
0x97: {  	_ =	strace $0x8FFFFFFF  }
0x98: {  	s19 =	sld [smem:$0x3FDB];
	_ =	sdelay $0x1  }
0x99: {  	s4 =	simm.s32 $_scs_section_size  }
0x9a: {  	s5 =	simm.s32 $_size__tile_overlayer_lowered;
	s6 =	simm.s32 $_tile_overlayer_lowered  }
0x9b: {  	s22 =	simm.s32 $0x1BFF;
	s21 =	sshll.u32 s6, $0x1;
	s3 =	sadd.s32 s4, s19  }
0x9c: {  	s7 =	simm.s32 $0x0;
	s20 =	sshll.u32 s5, $0x1;
	s5 =	sadd.s32 s21, s3  }
0x9d: {  	[timem:s7], [sflag:s22] =	dma.local [hbm:s5], s20  }
0x9e: {  	_ =	swait.ge [sflag:s22], s20  }
0x9f: {  	s4 =	ssub.s32 $0x0, s20;
	[sflag:s22] =	ssyncset.done $0x0  }
0xa0: {  	[sflag:s22] =	ssyncadd.s32 s4;
	_ =	sdelay $0x1  }
0xa1: {  	s23 =	simm.s32 $0x1B8B  }
0xa2: {  	_ =	swait.ge [sflag:s23], $0x1  }
0xa3: {  	[sflag:s23] =	ssyncset.done $0x0  }
0xa4: {  	s25 =	simm.s32 $0x1B8E;
	s24 =	sld [smem:$0x3FFE];
	[sflag:s23] =	ssyncadd.s32 $0xFFFFFFFF  }
0xa5: {  	s26 =	simm.s32 $execute0_lowered;
	[smem:$0x3FD2] =	sst s25  }
0xa6: {  	s5 =	sshll.u32 s26, $0x1;
	_ =	strace $0x80000052;
	[dreg:$0x1] =	wrdreg $0xFFFFFFFF  }
0xa7: {  	s28 =	simm.s32 $_size_execute0_lowered;
	s3 =	sadd.s32 s3, s5;
	[dreg:$0x0] =	wrdreg $0x0  }
0xa8: {  	s5 =	sshll.u32 s28, $0x1;
	[dreg:$0x2] =	wrdreg s3  }
0xa9: {  	[dreg:$0x3] =	wrdreg s5  }
0xaa: {  	[dreg:$0x4] =	wrdreg $0xC0  }
0xab: {  	_ =	task [dreg:s7], $0x5FFFF  }
0xac: {  	[dreg:$0x1] =	wrdreg $0xFFFFFFFF  }
0xad: {  	[dreg:$0x0] =	wrdreg $0x60  }
0xae: {  	[dreg:$0x2] =	wrdreg s24  }
0xaf: {  	[dreg:$0x3] =	wrdreg s2  }
0xb0: {  	[dreg:$0x4] =	wrdreg $0x67200  }
0xb1: {  	[dreg:$0x5] =	wrdreg $0x9  }
0xb2: {  	_ =	task.clear_ibuf [dreg:s7], $0x6FFFF;
	_ =	strace $0x90000052  }
0xb3: {  	s29 =	simm.s32 $0x9;
	_ =	strace $0x80000054  }
0xb4: {  	_ =	swait.ge [sflag:s29], $0x1  }
0xb5: {  	[sflag:s29] =	ssyncadd.s32 $0xFFFFFFFF  }
0xb6: {  	_ =	strace $0x90000054  }
0xb7: {  	_ =	sfence  }
0xb8: {  	s30 =	sld [smem:$0x0];
	_ =	sdelay $0x2  }
0xb9: {  	s31 =	sshll.u32 s1, $0xD;
	s1 =	sshrl.u32 s1, $0x2  }
0xba: {  	s3 =	sand.u32 $0x4000, s31;
	s1 =	sadd.s32 s1, s30  }
0xbb: {  	s0 =	sor.u32 s3, s0;
	s1 =	sshll.u32 s1, $0x11  }
0xbc: {  	s0 =	sor.u32 s1, s0  }
0xbd: {  	s0 =	sadd.s32 $0x8F2B, s0  }
0xbe: {  	[sflag:s0] =	ssyncadd.remote.s32 $0x1  }
0xbf: {  	_ =	sfence.sel $0xFFFF  }
0xc0: {  	[dreg:$0x0] =	wrdreg $0xFFFFFFFF;
	(pc) =	sbr.abs _section_cstart, $3  }
0xc1: {  	[dreg:$0x1] =	wrdreg $0xFFFFFFFF  }
0xc2: {  	_ =	task.clear_ibuf [dreg:s7], $0x2FFFF;
	_ =	strace $0x9FFFFFFF  }
0xc3: {  	(tm) =	ssettm $0x7FFFFFFF  }
tec
execute0_lowered:
.L_overlay_start_1:
0x0: {  	(tag) =	ssettag $0x1  }
0x1: {  	s6 =	rddreg [dreg:$0x0]  }
0x2: {  	s2 =	rddreg [dreg:$0x1]  }
0x3: {  	s3 =	rddreg [dreg:$0x2];
	s4 =	srdreg.scid  }
0x4: {  	s1 =	stileid.u32;
	s0 =	rddreg [dreg:$0x3];
	s14 =	simm.s32 $0xC8  }
0x5: {  	s15 =	simm.s32 $0x4E20;
	s16 =	simm.s32 $0x5AA0;
	s17 =	simm.s32 $0x1  }
0x6: {  	s18 =	simm.s32 $0x3;
	s19 =	simm.s32 $0x190;
	s20 =	simm.s32 $0x2  }
0x7: {  	s21 =	simm.s32 $0x27D8;
	s22 =	simm.s32 $0x4;
	s23 =	simm.s32 $0x0  }
0x8: {  	s7 =	sand.u32 $0x1, s4;
	s8 =	smul.u32 $0x2800, s1;
	s4 =	simm.s32 $0x0  }
0x9: {  	s12 =	sshll.u32 s1, $0x6;
	s5 =	sshll.u32 s7, $0x4;
	s9 =	smul.u32 $0x28000, s7  }
0xa: {  	[smem:$0x7FF] =	sst s4;
	s7 =	ssub.s32 $0x2, s7;
	s12 =	sor.u32 $0x1C05, s12  }
0xb: {  	s5 =	sor.u32 s1, s5;
	_ =	strace $0x80000053;
	s31 =	sshrl.u32 s7, $0x1  }
0xc: {  	s13 =	sadd.s32 s8, s3;
	s10 =	smul.u32 $0x4E2, s5;
	s9 =	sadd.s32 s8, s9  }
0xd: {  	s5 =	sadd.s32 $0x17600, s6;
	s11 =	ssub.s32 s7, s31;
	s9 =	sshrl.u32 s9, $0x3  }
0xe: {  	s13 =	sshrl.u32 s13, $0x3;
	s10 =	sadd.s32 s10, s6;
	s9 =	sadd.s32 s9, s6  }
0xf: {  	s6 =	sadd.s32 $0x3A00, s10;
	s7 =	sadd.s32 $0xD800, s10;
	s8 =	sadd.s32 $0x1C600, s9  }
0x10: {  	s9 =	smax.u32 s11, $0x1;
	s10 =	simm.s32 $0x5;
	s11 =	simm.s32 $0x2710  }
.LBB2_1:
0x11: {  	[tilespmem:s4], [sflag:$0x5] =	stream.linear.gather [hbm4b:s6+s4], $0x2710, $0x38;
	[tilespmem:$0x8F20] =	vst v63  }
0x12: {  	_ =	swait.ge [sflag:s10], $0x2710  }
0x13: {  	[sflag:s10] =	ssyncset.done $0x0  }
0x14: {  	[sflag:s10] =	ssyncadd.s32 $0xFFFFD8F0  }
0x15: {  	[tilespmem:s11], [sflag:$0x5] =	stream.linear.gather [hbm4b:s7+s4], $0x2710, $0x38;
	[tilespmem:$0x8F20] =	vst v63  }
0x16: {  	_ =	swait.ge [sflag:s10], $0x2710  }
0x17: {  	[sflag:s10] =	ssyncset.done $0x0  }
0x18: {  	[sflag:s10] =	ssyncadd.s32 $0xFFFFD8F0  }
0x19: {  	[spmem:s13], [sflag:s12] =	dma.local [hbm:s2], $0x500  }
0x1a: {  	_ =	swait.ge [sflag:s10], $0x500  }
0x1b: {  	[sflag:s10] =	ssyncset.done $0x0  }
0x1c: {  	[sflag:s10] =	ssyncadd.s32 $0xFFFFFB00  }
0x1d: {  	[bflag:$0x0] =	sbarrier.arrive $0xFFFF  }
0x1e: {  	[tilespmem:s15], [sflag:$0x1] =	stream.indirect.gather [hbm4b:s5+s14], $0x10, s4, s14, $0xb8;
	[tilespmem:$0x8F20] =	vst v63  }
0x1f: {  	_ = 	snop  }
0x20: {  	[tilespmem:s16], [sflag:$0x2] =	stream.indirect.gather [hbm4b:s5+s14], $0x10, s14, s14, $0xb8;
	[tilespmem:$0x8F20] =	vst v63  }
0x21: {  	_ =	swait.ge [sflag:s17], $0xC80  }
0x22: {  	[sflag:s17] =	ssyncset.done $0x0  }
0x23: {  	[sflag:s17] =	ssyncadd.s32 $0xFFFFF380  }
0x24: {  	[spmem:s3] =	stream.indirect.scatter.add.f32 [tilespmem:s15], [sflag:$0x3], $0x10, s11, s14, $0xb8;
	[tilespmem:$0x8F20] =	vst v63  }
0x25: {  	_ =	swait.ge [sflag:s18], $0xC80  }
0x26: {  	[sflag:s18] =	ssyncset.done $0x0  }
0x27: {  	[sflag:s18] =	ssyncadd.s32 $0xFFFFF380  }
0x28: {  	[tilespmem:s15], [sflag:$0x1] =	stream.indirect.gather [hbm4b:s5+s14], $0x10, s19, s14, $0xb8;
	[tilespmem:$0x8F20] =	vst v63  }
0x29: {  	_ =	swait.ge [sflag:s20], $0xC80  }
0x2a: {  	[sflag:s20] =	ssyncset.done $0x0  }
0x2b: {  	[sflag:s20] =	ssyncadd.s32 $0xFFFFF380  }
0x2c: {  	[spmem:s3] =	stream.indirect.scatter.add.f32 [tilespmem:s16], [sflag:$0x4], $0x10, s21, s14, $0xb8;
	[tilespmem:$0x8F20] =	vst v63  }
0x2d: {  	_ =	swait.ge [sflag:s22], $0xC80  }
0x2e: {  	[sflag:s22] =	ssyncset.done $0x0  }
0x2f: {  	s24 =	simm.s32 $0x258;
	[sflag:s22] =	ssyncadd.s32 $0xFFFFF380  }
0x30: {  	[tilespmem:s16], [sflag:$0x2] =	stream.indirect.gather [hbm4b:s5+s14], $0x10, s24, s14, $0xb8;
	[tilespmem:$0x8F20] =	vst v63  }
0x31: {  	_ =	swait.ge [sflag:s17], $0xC80  }
0x32: {  	[sflag:s17] =	ssyncset.done $0x0  }
0x33: {  	s30 =	simm.s32 $0x28A0;
	[sflag:s17] =	ssyncadd.s32 $0xFFFFF380  }
0x34: {  	[spmem:s3] =	stream.indirect.scatter.add.f32 [tilespmem:s15], [sflag:$0x3], $0x10, s30, s14, $0xb8;
	[tilespmem:$0x8F20] =	vst v63  }
0x35: {  	_ =	swait.ge [sflag:s18], $0xC80  }
0x36: {  	[sflag:s18] =	ssyncset.done $0x0  }
0x37: {  	s31 =	simm.s32 $0x320;
	[sflag:s18] =	ssyncadd.s32 $0xFFFFF380  }
0x38: {  	[tilespmem:s15], [sflag:$0x1] =	stream.indirect.gather [hbm4b:s5+s14], $0x10, s31, s14, $0xb8;
	[tilespmem:$0x8F20] =	vst v63  }
0x39: {  	_ =	swait.ge [sflag:s20], $0xC80  }
0x3a: {  	[sflag:s20] =	ssyncset.done $0x0  }
0x3b: {  	s25 =	simm.s32 $0x2968;
	s24 =	simm.s32 $0xFFFF7680;
	[sflag:s20] =	ssyncadd.s32 $0xFFFFF380  }
.LBB2_2:
0x3c: {  	[spmem:s3] =	stream.indirect.scatter.add.f32 [tilespmem:s16], [sflag:$0x4], $0x10, s25, s14, $0xb8;
	[tilespmem:$0x8F20] =	vst v63  }
0x3d: {  	s25 =	smov.u32 s24;
	s24 =	sadd.s32 $0x640, s24;
	_ =	swait.ge [sflag:s22], $0xC80  }
0x3e: {  	s25 =	sshra.s32 s25, $0x2;
	p0 =	sne.s32 s24, $0x0;
	[sflag:s22] =	ssyncset.done $0x0  }
0x3f: {  	s26 =	sadd.s32 $0x2648, s25;
	[sflag:s22] =	ssyncadd.s32 $0xFFFFF380  }
0x40: {  	[tilespmem:s16], [sflag:$0x2] =	stream.indirect.gather [hbm4b:s5+s14], $0x10, s26, s14, $0xb8;
	[tilespmem:$0x8F20] =	vst v63  }
0x41: {  	_ =	swait.ge [sflag:s17], $0xC80  }
0x42: {  	[sflag:s17] =	ssyncset.done $0x0  }
0x43: {  	s26 =	sadd.s32 $0x4C90, s25;
	[sflag:s17] =	ssyncadd.s32 $0xFFFFF380  }
0x44: {  	[spmem:s3] =	stream.indirect.scatter.add.f32 [tilespmem:s15], [sflag:$0x3], $0x10, s26, s14, $0xb8;
	[tilespmem:$0x8F20] =	vst v63  }
0x45: {  	_ =	swait.ge [sflag:s18], $0xC80  }
0x46: {  	[sflag:s18] =	ssyncset.done $0x0  }
.Ltmp0:
0x47: {  	s26 =	sadd.s32 $0x2710, s25;
	[sflag:s18] =	ssyncadd.s32 $0xFFFFF380;
	(pc) =	sbr.rel @p0 .LBB2_2-.Ltmp0, $4  }
0x48: {  	[tilespmem:s15], [sflag:$0x1] =	stream.indirect.gather [hbm4b:s5+s14], $0x10, s26, s14, $0xb8;
	[tilespmem:$0x8F20] =	vst v63  }
0x49: {  	_ =	swait.ge [sflag:s20], $0xC80  }
0x4a: {  	[sflag:s20] =	ssyncset.done $0x0  }
0x4b: {  	s25 =	sadd.s32 $0x4D58, s25;
	[sflag:s20] =	ssyncadd.s32 $0xFFFFF380  }
0x4c: {  	[spmem:s3] =	stream.indirect.scatter.add.f32 [tilespmem:s16], [sflag:$0x4], $0x10, s25, s14, $0xb8;
	[tilespmem:$0x8F20] =	vst v63  }
0x4d: {  	_ =	swait.ge [sflag:s22], $0xC80  }
0x4e: {  	s24 =	sshra.s32 s24, $0x2;
	[sflag:s22] =	ssyncset.done $0x0  }
0x4f: {  	s30 =	sadd.s32 $0x2648, s24;
	[sflag:s22] =	ssyncadd.s32 $0xFFFFF380  }
0x50: {  	[tilespmem:s16], [sflag:$0x2] =	stream.indirect.gather [hbm4b:s5+s14], $0x10, s30, s14, $0xb8;
	[tilespmem:$0x8F20] =	vst v63  }
0x51: {  	_ =	swait.ge [sflag:s17], $0xC80  }
0x52: {  	[sflag:s17] =	ssyncset.done $0x0  }
0x53: {  	s31 =	sadd.s32 $0x4C90, s24;
	[sflag:s17] =	ssyncadd.s32 $0xFFFFF380  }
0x54: {  	[spmem:s3] =	stream.indirect.scatter.add.f32 [tilespmem:s15], [sflag:$0x3], $0x10, s31, s14, $0xb8;
	[tilespmem:$0x8F20] =	vst v63  }
0x55: {  	_ =	swait.ge [sflag:s18], $0xC80  }
0x56: {  	[sflag:s18] =	ssyncset.done $0x0  }
0x57: {  	[sflag:s18] =	ssyncadd.s32 $0xFFFFF380  }
0x58: {  	_ =	swait.ge [sflag:s20], $0xC80  }
0x59: {  	[sflag:s20] =	ssyncset.done $0x0  }
0x5a: {  	s24 =	sadd.s32 $0x4D58, s24;
	[sflag:s20] =	ssyncadd.s32 $0xFFFFF380  }
0x5b: {  	[spmem:s3] =	stream.indirect.scatter.add.f32 [tilespmem:s16], [sflag:$0x4], $0x10, s24, s14, $0xb8;
	[tilespmem:$0x8F20] =	vst v63  }
0x5c: {  	_ =	swait.ge [sflag:s22], $0xC80  }
0x5d: {  	s23 =	sadd.s32 $0x1, s23;
	[sflag:s22] =	ssyncset.done $0x0  }
0x5e: {  	p0 =	sne.s32 s23, s9;
	[sflag:s22] =	ssyncadd.s32 $0xFFFFF380  }
.Ltmp1:
0x5f: {  	[bflag:$0x0] =	sbarrier.arrive $0xFFFF;
	(pc) =	sbr.rel @p0 .LBB2_1-.Ltmp1, $4  }
0x60: {  	[hbm:s8], [sflag:s12] =	dma.local [spmem:s13], $0x500  }
0x61: {  	_ =	swait.ge [sflag:s10], $0x500  }
0x62: {  	[sflag:s10] =	ssyncset.done $0x0  }
0x63: {  	[sflag:s10] =	ssyncadd.s32 $0xFFFFFB00  }
0x64: {  	_ =	sfence.sel $0x180000  }
0x65: {  	[bflag:$0x0] =	sbarrier.arrive $0xFFFF  }
0x66: {  	p0 =	sne.s32 s1, $0x0;
	_ =	strace $0x90000053  }
0x67: {  	s0 =	sadd.s32 @!p0 $0x100000, s0;
	[bflag:$0x2] =	sbarrier.arrive $0xFFFF  }
0x68: {  	[sflag:s0] =	ssyncadd.tile.s32 @!p0 $0x1;
	_ =	shalt  }
.Lfunc_end2:
_tile_overlayer_lowered:
.L_overlay_start_2:
0x69: {  	(tag) =	ssettag $0x2  }
0x6a: {  	s0 =	rddreg [dreg:$0x0];
	s2 =	stileid.u32  }
0x6b: {  	s1 =	rddreg [dreg:$0x1];
	p0 =	sne.s32 s2, $0x0  }
0x6c: {  	s3 =	rddreg [dreg:$0x2];
	[bflag:$0x3] =	sbarrier.arrive $0xFFFF;
	s2 =	simm.s32 @!p0 $0x1C05  }
0x6d: {  	[timem:s3], [sflag:s2] =	dma.local @!p0 [hbm:s0], s1  }
0x6e: {  	s0 =	simm.s32 @!p0 $0x5  }
0x6f: {  	_ =	swait.ge @!p0 [sflag:s0], s1  }
0x70: {  	s1 =	ssub.s32 @!p0 $0x0, s1;
	[sflag:s0] =	ssyncset.done @!p0 $0x0  }
0x71: {  	[sflag:s0] =	ssyncadd.s32 @!p0 s1  }
0x72: {  	[bflag:$0x3] =	sbarrier.arrive $0xFFFF  }
0x73: {  	_ =	shalt  }

</sc_bundles>
